<compile_context>
chip_gen: v7x
topology: tpu7x:2x2x1
jax: 0.10.2.dev20260603
libtpu: 0.0.44.dev20260713+nightly
codegen_flags: <defaults>
</compile_context>

<pallas_src>
import math

import numpy as np
import jax
import jax.numpy as jnp
from jax import lax
from jax.experimental import pallas as pl
from jax.experimental.pallas import tpu as pltpu
from jax.experimental.pallas import tpu_sc as plsc

_L = 16
_T = 2 ** 14
_F = 2
_N = 524288
_NCORES = 2
_NSUB = 16
_NHALF = _N // _NCORES
_C = 8192
_NCHUNK = _NHALF // _C
_VPC = _C // 16

_b = math.exp((math.log(512) - math.log(16)) / (_L - 1))
_RES = [int(16 * _b ** i) for i in range(_L)]
_SCALES = np.array([np.float32(n / 6.0) for n in _RES], dtype=np.float32)

_P1D = int(np.uint32(2654435761 % (1 << 32)).view(np.int32))
_P2D = int(np.int32(805459861))
_MSK = _T - 1


def _tile_body(xt_hbm, yt_hbm, zt_hbm, ht_hbm, sc_hbm, out_hbm,
               svec_ref, tbl_ref, xin0, xin1, yin0, yin1, zin0, zin1,
               o00, o01, o10, o11,
               sem_in0, sem_in1, sem_out0, sem_out1):
    c = lax.axis_index("c")
    s = lax.axis_index("s")
    li = s
    base0 = c * jnp.int32(_NHALF)
    xin = (xin0, xin1)
    yin = (yin0, yin1)
    zin = (zin0, zin1)
    o0 = (o00, o01)
    o1 = (o10, o11)
    sem_in = (sem_in0, sem_in1)
    sem_out = (sem_out0, sem_out1)

    pltpu.sync_copy(sc_hbm, svec_ref)
    pltpu.sync_copy(ht_hbm.at[li], tbl_ref)
    scale = plsc.load_gather(svec_ref, [jnp.full((16,), li, jnp.int32)])

    def in_copies(k, b):
        base = base0 + k * jnp.int32(_C)
        sl = pl.ds(base, _C)
        return (pltpu.make_async_copy(xt_hbm.at[sl], xin[b], sem_in[b]),
                pltpu.make_async_copy(yt_hbm.at[sl], yin[b], sem_in[b]),
                pltpu.make_async_copy(zt_hbm.at[sl], zin[b], sem_in[b]))

    def out_copies(k, b):
        base = base0 + k * jnp.int32(_C)
        sl = pl.ds(base, _C)
        return (pltpu.make_async_copy(o0[b], out_hbm.at[0, li, sl], sem_out[b]),
                pltpu.make_async_copy(o1[b], out_hbm.at[1, li, sl], sem_out[b]))

    def compute(k, b):
        xb, yb, zb = xin[b], yin[b], zin[b]
        ob0, ob1 = o0[b], o1[b]

        @pl.loop(0, _VPC, unroll=8)
        def _vreg(j):
            off = j * jnp.int32(16)

            def coords(v):
                t = (v + 3.0) * scale
                m = t.astype(jnp.int32)
                p = t - m.astype(jnp.float32)
                return m, p

            xm, xp = coords(xb[pl.ds(off, 16)])
            ym, yp = coords(yb[pl.ds(off, 16)])
            zm, zp = coords(zb[pl.ds(off, 16)])

            xm2 = xm
            xM2 = xm + 1
            tym = (ym * _P1D) & _MSK
            tyM = (tym + _P1D) & _MSK
            tzm = (zm * _P2D) & _MSK
            tzM = (tzm + _P2D) & _MSK
            a00 = xm2 ^ tym
            a01 = xm2 ^ tyM
            a10 = xM2 ^ tym
            a11 = xM2 ^ tyM
            i000 = a00 ^ tzm
            i001 = a00 ^ tzM
            i010 = a01 ^ tzm
            i011 = a01 ^ tzM
            i100 = a10 ^ tzm
            i101 = a10 ^ tzM
            i110 = a11 ^ tzm
            i111 = a11 ^ tzM

            xq = 1.0 - xp
            yq = 1.0 - yp
            zq = 1.0 - zp

            g = plsc.load_gather
            bc = lambda u: plsc.bitcast(u, jnp.bfloat16)
            pk = lambda w: plsc.pack(w, w, format=plsc.PackFormat.INTERLEAVED)
            pzq = pk(zq)
            pzp = pk(zp)
            pyq = pk(yq)
            pyp = pk(yp)
            pxq = pk(xq)
            pxp = pk(xp)
            v00 = bc(g(tbl_ref, [i000])) * pzq + bc(g(tbl_ref, [i001])) * pzp
            v01 = bc(g(tbl_ref, [i010])) * pzq + bc(g(tbl_ref, [i011])) * pzp
            v10 = bc(g(tbl_ref, [i100])) * pzq + bc(g(tbl_ref, [i101])) * pzp
            v11 = bc(g(tbl_ref, [i110])) * pzq + bc(g(tbl_ref, [i111])) * pzp
            v0 = v00 * pyq + v01 * pyp
            v1 = v10 * pyq + v11 * pyp
            acc = v0 * pxq + v1 * pxp
            acc0, acc1 = plsc.unpack(acc, format=plsc.PackFormat.INTERLEAVED)
            acc0 = acc0.astype(jnp.float32) if acc0.dtype != jnp.float32 else acc0
            acc1 = acc1.astype(jnp.float32) if acc1.dtype != jnp.float32 else acc1
            ob0[pl.ds(off, 16)] = acc0
            ob1[pl.ds(off, 16)] = acc1

    for cp in in_copies(jnp.int32(0), 0):
        cp.start()
    for cp in in_copies(jnp.int32(1), 1):
        cp.start()

    @pl.loop(0, _NCHUNK // 2)
    def _pipe(kk):
        for b in (0, 1):
            k = kk * jnp.int32(2) + jnp.int32(b)
            for cp in in_copies(k, b):
                cp.wait()

            @pl.when(kk >= 1)
            def _():
                for cp in out_copies(k - 2, b):
                    cp.wait()

            compute(k, b)
            for cp in out_copies(k, b):
                cp.start()

            @pl.when(kk < _NCHUNK // 2 - 1)
            def _():
                for cp in in_copies(k + 2, b):
                    cp.start()

    for b in (0, 1):
        k = jnp.int32(_NCHUNK - 2 + b)
        for cp in out_copies(k, b):
            cp.wait()


@jax.jit
def _encode_sc(xt, yt, zt, ht_flat, scales):
    with jax.numpy_dtype_promotion("standard"), jax.enable_x64(False):
        return _encode_sc_impl(xt, yt, zt, ht_flat, scales)


def _encode_sc_impl(xt, yt, zt, ht_flat, scales):
    mesh = plsc.VectorSubcoreMesh(core_axis_name="c", subcore_axis_name="s")
    f = pl.kernel(
        _tile_body,
        out_type=jax.ShapeDtypeStruct((_F, _L, _N), jnp.float32),
        mesh=mesh,
        scratch_types=[
            pltpu.VMEM((16,), jnp.float32),
            pltpu.VMEM((_T,), jnp.int32),
            pltpu.VMEM((_C,), jnp.float32),
            pltpu.VMEM((_C,), jnp.float32),
            pltpu.VMEM((_C,), jnp.float32),
            pltpu.VMEM((_C,), jnp.float32),
            pltpu.VMEM((_C,), jnp.float32),
            pltpu.VMEM((_C,), jnp.float32),
            pltpu.VMEM((_C,), jnp.float32),
            pltpu.VMEM((_C,), jnp.float32),
            pltpu.VMEM((_C,), jnp.float32),
            pltpu.VMEM((_C,), jnp.float32),
            pltpu.SemaphoreType.DMA,
            pltpu.SemaphoreType.DMA,
            pltpu.SemaphoreType.DMA,
            pltpu.SemaphoreType.DMA,
        ],
        compiler_params=pltpu.CompilerParams(needs_layout_passes=False),
    )
    return f(xt, yt, zt, ht_flat, scales)


def kernel(inputs, hash_table):
    xt = inputs[:, 0]
    yt = inputs[:, 1]
    zt = inputs[:, 2]
    ht_bf = hash_table.astype(jnp.bfloat16)
    ht_flat = jax.lax.bitcast_convert_type(ht_bf, jnp.int32)
    scales = jnp.asarray(_SCALES)
    out = _encode_sc(xt, yt, zt, ht_flat, scales)
    return out.transpose(2, 1, 0).reshape(_N, _L * _F)

# --- scband reference (transcript-rebuilt; emitter-appended) ---
"""Pipeline reference for scband-positional-encoder-grid-25529285607575 (READ-ONLY COPY).

The authoritative reference and input builder live on the scoring server;
editing this copy changes nothing except your own understanding.
"""

import math
import jax, jax.numpy as jnp
import numpy as np
jax.config.update('jax_enable_x64', True)

L = 16
T = 2 ** 14
F = 2
BOUND = 3.0
_n_min, _n_max = 16, 512
_b = math.exp((math.log(_n_max) - math.log(_n_min)) / (L - 1))
NS = [int(_n_min * _b ** i) for i in range(L)]
PRIMES = (1, 2654435761, 805459861)


def setup_inputs(seed: int = 0):
    key = jax.random.key(seed)
    k1, k2 = jax.random.split(key)
    inputs = jax.random.uniform(k1, (524288, 3), dtype=jnp.float32)  # in [0,1) subset of [-3,3]
    hash_table = jax.random.uniform(k2, (L, T, F), dtype=jnp.float32) * 0.0002 - 0.0001
    return {'inputs': inputs, 'hash_table': hash_table}


def _encode(inputs, hash_table):
    x = (inputs + BOUND) / (2.0 * BOUND)
    p0 = jnp.int64(PRIMES[0])
    p1 = jnp.int64(PRIMES[1])
    p2 = jnp.int64(PRIMES[2])
    feats = []
    for li, n in enumerate(NS):
        width = 1.0 / n

        def gmp(v, w=width):
            mn = jnp.floor(v / w).astype(jnp.int64)
            mx = mn + 1
            per = (v - mn.astype(v.dtype) * w) / w
            return mn, mx, per

        xm, xM, xp = gmp(x[:, 0])
        ym, yM, yp = gmp(x[:, 1])
        zm, zM, zp = gmp(x[:, 2])
        tbl = hash_table[li]

        def hidx(a, b2, c):
            return ((a * p0) ^ (b2 * p1) ^ (c * p2)) % T

        f = tbl[hidx(xm, ym, zm)] * ((1 - xp) * (1 - yp) * (1 - zp))[:, None]
        f = f + tbl[hidx(xm, ym, zM)] * ((1 - xp) * (1 - yp) * zp)[:, None]
        f = f + tbl[hidx(xm, yM, zm)] * ((1 - xp) * yp * (1 - zp))[:, None]
        f = f + tbl[hidx(xm, yM, zM)] * ((1 - xp) * yp * zp)[:, None]
        f = f + tbl[hidx(xM, ym, zm)] * (xp * (1 - yp) * (1 - zp))[:, None]
        f = f + tbl[hidx(xM, ym, zM)] * (xp * (1 - yp) * zp)[:, None]
        f = f + tbl[hidx(xM, yM, zm)] * (xp * yp * (1 - zp))[:, None]
        f = f + tbl[hidx(xM, yM, zM)] * (xp * yp * zp)[:, None]
        feats.append(f)
    return jnp.concatenate(feats, axis=1)


def reference(inputs, hash_table):
    return _encode(inputs, hash_table)

if __name__ == "__main__":
    import jax
    _d = setup_inputs()
    print(jax.jit(kernel)(*tuple(_d.values())))

</pallas_src>

<mosaic_0001>
#map = affine_map<(d0, d1) -> (0)>
#map1 = affine_map<(d0, d1) -> (0, 0)>
#map2 = affine_map<(d0, d1) -> (0, 0, 0)>
module attributes {stable_mosaic.version = 14 : i64} {
  func.func @_tile_body(%arg0: i32, %arg1: i32, %arg2: memref<524288xf32, #tpu.memory_space<hbm>>, %arg3: memref<524288xf32, #tpu.memory_space<hbm>>, %arg4: memref<524288xf32, #tpu.memory_space<hbm>>, %arg5: memref<16x16384xi32, #tpu.memory_space<hbm>>, %arg6: memref<16xf32, #tpu.memory_space<hbm>>, %arg7: memref<2x16x524288xf32, #tpu.memory_space<hbm>>, %arg8: memref<16xf32, #tpu.memory_space<vmem>>, %arg9: memref<16384xi32, #tpu.memory_space<vmem>>, %arg10: memref<8192xf32, #tpu.memory_space<vmem>>, %arg11: memref<8192xf32, #tpu.memory_space<vmem>>, %arg12: memref<8192xf32, #tpu.memory_space<vmem>>, %arg13: memref<8192xf32, #tpu.memory_space<vmem>>, %arg14: memref<8192xf32, #tpu.memory_space<vmem>>, %arg15: memref<8192xf32, #tpu.memory_space<vmem>>, %arg16: memref<8192xf32, #tpu.memory_space<vmem>>, %arg17: memref<8192xf32, #tpu.memory_space<vmem>>, %arg18: memref<8192xf32, #tpu.memory_space<vmem>>, %arg19: memref<8192xf32, #tpu.memory_space<vmem>>, %arg20: memref<!tpu.dma_semaphore, #tpu.memory_space<semaphore_mem>>, %arg21: memref<!tpu.dma_semaphore, #tpu.memory_space<semaphore_mem>>, %arg22: memref<!tpu.dma_semaphore, #tpu.memory_space<semaphore_mem>>, %arg23: memref<!tpu.dma_semaphore, #tpu.memory_space<semaphore_mem>>) attributes {dimension_semantics = [#tpu.dimension_semantics<core_parallel>, #tpu.dimension_semantics<subcore_parallel>], iteration_bounds = array<i64: 2, 16>, scalar_prefetch = 0 : i64, scratch_operands = 16 : i64, tpu.core_type = #tpu.core_type<sc_vector_subcore>, window_params = [{transform_indices = #map}, {transform_indices = #map}, {transform_indices = #map}, {transform_indices = #map1}, {transform_indices = #map}, {transform_indices = #map2}]} {
    %mul3A = arith.constant 262144 : i32
    %mul3A_0 = arith.muli %arg0, %mul3A : i32
    "tpu.region"() ({
      %run_scoped3A = tpu.sem_alloc : memref<!tpu.dma_semaphore, #tpu.memory_space<semaphore_mem>>
      tpu.enqueue_dma source(%arg6 : memref<16xf32, #tpu.memory_space<hbm>>) target(%arg8 : memref<16xf32, #tpu.memory_space<vmem>>) target_semaphore(%run_scoped3A : memref<!tpu.dma_semaphore, #tpu.memory_space<semaphore_mem>>)
      tpu.wait_dma2 semaphore(%run_scoped3A : memref<!tpu.dma_semaphore, #tpu.memory_space<semaphore_mem>>) src(%arg6 : memref<16xf32, #tpu.memory_space<hbm>>) dst(%arg8 : memref<16xf32, #tpu.memory_space<vmem>>)
      tpu.yield
    }) : () -> ()
    "tpu.region"() ({
      %run_scoped3A = tpu.sem_alloc : memref<!tpu.dma_semaphore, #tpu.memory_space<semaphore_mem>>
      %dma_start3A_50 = arith.constant 0 : i32
      %dma_start3A_51 = tpu.memref_slice %arg5[%arg1, %dma_start3A_50] : memref<16x16384xi32, #tpu.memory_space<hbm>> -> memref<1x16384xi32, #tpu.memory_space<hbm>>
      %dma_start3A_52 = tpu.memref_squeeze %dma_start3A_51 : memref<1x16384xi32, #tpu.memory_space<hbm>> -> memref<16384xi32, #tpu.memory_space<hbm>>
      %dma_start3A_53 = arith.constant 0 : i32
      %dma_start3A_54 = tpu.memref_slice %arg5[%arg1, %dma_start3A_53] : memref<16x16384xi32, #tpu.memory_space<hbm>> -> memref<1x16384xi32, #tpu.memory_space<hbm>>
      %dma_start3A_55 = tpu.memref_squeeze %dma_start3A_54 : memref<1x16384xi32, #tpu.memory_space<hbm>> -> memref<16384xi32, #tpu.memory_space<hbm>>
      tpu.enqueue_dma source(%dma_start3A_55 : memref<16384xi32, #tpu.memory_space<hbm>>) target(%arg9 : memref<16384xi32, #tpu.memory_space<vmem>>) target_semaphore(%run_scoped3A : memref<!tpu.dma_semaphore, #tpu.memory_space<semaphore_mem>>)
      %dma_wait3A_56 = arith.constant 0 : i32
      %dma_wait3A_57 = tpu.memref_slice %arg5[%arg1, %dma_wait3A_56] : memref<16x16384xi32, #tpu.memory_space<hbm>> -> memref<1x16384xi32, #tpu.memory_space<hbm>>
      %dma_wait3A_58 = tpu.memref_squeeze %dma_wait3A_57 : memref<1x16384xi32, #tpu.memory_space<hbm>> -> memref<16384xi32, #tpu.memory_space<hbm>>
      %dma_wait3A_59 = arith.constant 0 : i32
      %dma_wait3A_60 = tpu.memref_slice %arg5[%arg1, %dma_wait3A_59] : memref<16x16384xi32, #tpu.memory_space<hbm>> -> memref<1x16384xi32, #tpu.memory_space<hbm>>
      %dma_wait3A_61 = tpu.memref_squeeze %dma_wait3A_60 : memref<1x16384xi32, #tpu.memory_space<hbm>> -> memref<16384xi32, #tpu.memory_space<hbm>>
      tpu.wait_dma2 semaphore(%run_scoped3A : memref<!tpu.dma_semaphore, #tpu.memory_space<semaphore_mem>>) src(%dma_wait3A_61 : memref<16384xi32, #tpu.memory_space<hbm>>) dst(%arg9 : memref<16384xi32, #tpu.memory_space<vmem>>)
      tpu.yield
    }) : () -> ()
    %broadcast_in_dim3A = vector.broadcast %arg1 : i32 to vector<16xi32>
    %gather3A = tpu.vector_load_idx %arg8[%broadcast_in_dim3A] : memref<16xf32, #tpu.memory_space<vmem>>[vector<16xi32>], vector<16xf32>,
    %mul3A_1 = arith.constant 0 : i32
    %mul3A_2 = arith.constant 8192 : i32
    %mul3A_3 = arith.muli %mul3A_1, %mul3A_2 : i32
    %add3A = arith.addi %mul3A_0, %mul3A_3 : i32
    %dma_start3A = tpu.memref_slice %arg2[%add3A] : memref<524288xf32, #tpu.memory_space<hbm>> -> memref<8192xf32, #tpu.memory_space<hbm>>
    %dma_start3A_4 = tpu.memref_slice %arg2[%add3A] : memref<524288xf32, #tpu.memory_space<hbm>> -> memref<8192xf32, #tpu.memory_space<hbm>>
    tpu.enqueue_dma source(%dma_start3A_4 : memref<8192xf32, #tpu.memory_space<hbm>>) target(%arg10 : memref<8192xf32, #tpu.memory_space<vmem>>) target_semaphore(%arg20 : memref<!tpu.dma_semaphore, #tpu.memory_space<semaphore_mem>>)
    %dma_start3A_5 = tpu.memref_slice %arg3[%add3A] : memref<524288xf32, #tpu.memory_space<hbm>> -> memref<8192xf32, #tpu.memory_space<hbm>>
    %dma_start3A_6 = tpu.memref_slice %arg3[%add3A] : memref<524288xf32, #tpu.memory_space<hbm>> -> memref<8192xf32, #tpu.memory_space<hbm>>
    tpu.enqueue_dma source(%dma_start3A_6 : memref<8192xf32, #tpu.memory_space<hbm>>) target(%arg12 : memref<8192xf32, #tpu.memory_space<vmem>>) target_semaphore(%arg20 : memref<!tpu.dma_semaphore, #tpu.memory_space<semaphore_mem>>)
    %dma_start3A_7 = tpu.memref_slice %arg4[%add3A] : memref<524288xf32, #tpu.memory_space<hbm>> -> memref<8192xf32, #tpu.memory_space<hbm>>
    %dma_start3A_8 = tpu.memref_slice %arg4[%add3A] : memref<524288xf32, #tpu.memory_space<hbm>> -> memref<8192xf32, #tpu.memory_space<hbm>>
    tpu.enqueue_dma source(%dma_start3A_8 : memref<8192xf32, #tpu.memory_space<hbm>>) target(%arg14 : memref<8192xf32, #tpu.memory_space<vmem>>) target_semaphore(%arg20 : memref<!tpu.dma_semaphore, #tpu.memory_space<semaphore_mem>>)
    %mul3A_9 = arith.constant 1 : i32
    %mul3A_10 = arith.constant 8192 : i32
    %mul3A_11 = arith.muli %mul3A_9, %mul3A_10 : i32
    %add3A_12 = arith.addi %mul3A_0, %mul3A_11 : i32
    %dma_start3A_13 = tpu.memref_slice %arg2[%add3A_12] : memref<524288xf32, #tpu.memory_space<hbm>> -> memref<8192xf32, #tpu.memory_space<hbm>>
    %dma_start3A_14 = tpu.memref_slice %arg2[%add3A_12] : memref<524288xf32, #tpu.memory_space<hbm>> -> memref<8192xf32, #tpu.memory_space<hbm>>
    tpu.enqueue_dma source(%dma_start3A_14 : memref<8192xf32, #tpu.memory_space<hbm>>) target(%arg11 : memref<8192xf32, #tpu.memory_space<vmem>>) target_semaphore(%arg21 : memref<!tpu.dma_semaphore, #tpu.memory_space<semaphore_mem>>)
    %dma_start3A_15 = tpu.memref_slice %arg3[%add3A_12] : memref<524288xf32, #tpu.memory_space<hbm>> -> memref<8192xf32, #tpu.memory_space<hbm>>
    %dma_start3A_16 = tpu.memref_slice %arg3[%add3A_12] : memref<524288xf32, #tpu.memory_space<hbm>> -> memref<8192xf32, #tpu.memory_space<hbm>>
    tpu.enqueue_dma source(%dma_start3A_16 : memref<8192xf32, #tpu.memory_space<hbm>>) target(%arg13 : memref<8192xf32, #tpu.memory_space<vmem>>) target_semaphore(%arg21 : memref<!tpu.dma_semaphore, #tpu.memory_space<semaphore_mem>>)
    %dma_start3A_17 = tpu.memref_slice %arg4[%add3A_12] : memref<524288xf32, #tpu.memory_space<hbm>> -> memref<8192xf32, #tpu.memory_space<hbm>>
    %dma_start3A_18 = tpu.memref_slice %arg4[%add3A_12] : memref<524288xf32, #tpu.memory_space<hbm>> -> memref<8192xf32, #tpu.memory_space<hbm>>
    tpu.enqueue_dma source(%dma_start3A_18 : memref<8192xf32, #tpu.memory_space<hbm>>) target(%arg15 : memref<8192xf32, #tpu.memory_space<vmem>>) target_semaphore(%arg21 : memref<!tpu.dma_semaphore, #tpu.memory_space<semaphore_mem>>)
    %scan3A = arith.constant 0 : i32
    %scan3A_19 = arith.constant 16 : i32
    %scan3A_20 = arith.addi %scan3A, %scan3A_19 : i32
    %scan3A_21 = arith.constant 1 : i32
    scf.for %scan3A_50 = %scan3A to %scan3A_20 step %scan3A_21  : i32 {
      %mul3A_51 = arith.constant 1 : i32
      %mul3A_52 = arith.muli %scan3A_50, %mul3A_51 : i32
      %add3A_53 = arith.constant 0 : i32
      %add3A_54 = arith.addi %add3A_53, %mul3A_52 : i32
      %mul3A_55 = arith.constant 2 : i32
      %mul3A_56 = arith.muli %add3A_54, %mul3A_55 : i32
      %add3A_57 = arith.constant 0 : i32
      %add3A_58 = arith.addi %mul3A_56, %add3A_57 : i32
      %mul3A_59 = arith.constant 8192 : i32
      %mul3A_60 = arith.muli %add3A_58, %mul3A_59 : i32
      %add3A_61 = arith.addi %mul3A_0, %mul3A_60 : i32
      %dma_wait3A_62 = tpu.memref_slice %arg2[%add3A_61] : memref<524288xf32, #tpu.memory_space<hbm>> -> memref<8192xf32, #tpu.memory_space<hbm>>
      %dma_wait3A_63 = tpu.memref_slice %arg2[%add3A_61] : memref<524288xf32, #tpu.memory_space<hbm>> -> memref<8192xf32, #tpu.memory_space<hbm>>
      tpu.wait_dma2 semaphore(%arg20 : memref<!tpu.dma_semaphore, #tpu.memory_space<semaphore_mem>>) src(%dma_wait3A_63 : memref<8192xf32, #tpu.memory_space<hbm>>) dst(%arg10 : memref<8192xf32, #tpu.memory_space<vmem>>)
      %dma_wait3A_64 = tpu.memref_slice %arg3[%add3A_61] : memref<524288xf32, #tpu.memory_space<hbm>> -> memref<8192xf32, #tpu.memory_space<hbm>>
      %dma_wait3A_65 = tpu.memref_slice %arg3[%add3A_61] : memref<524288xf32, #tpu.memory_space<hbm>> -> memref<8192xf32, #tpu.memory_space<hbm>>
      tpu.wait_dma2 semaphore(%arg20 : memref<!tpu.dma_semaphore, #tpu.memory_space<semaphore_mem>>) src(%dma_wait3A_65 : memref<8192xf32, #tpu.memory_space<hbm>>) dst(%arg12 : memref<8192xf32, #tpu.memory_space<vmem>>)
      %dma_wait3A_66 = tpu.memref_slice %arg4[%add3A_61] : memref<524288xf32, #tpu.memory_space<hbm>> -> memref<8192xf32, #tpu.memory_space<hbm>>
      %dma_wait3A_67 = tpu.memref_slice %arg4[%add3A_61] : memref<524288xf32, #tpu.memory_space<hbm>> -> memref<8192xf32, #tpu.memory_space<hbm>>
      tpu.wait_dma2 semaphore(%arg20 : memref<!tpu.dma_semaphore, #tpu.memory_space<semaphore_mem>>) src(%dma_wait3A_67 : memref<8192xf32, #tpu.memory_space<hbm>>) dst(%arg14 : memref<8192xf32, #tpu.memory_space<vmem>>)
      %ge3A = arith.constant 1 : i32
      %ge3A_68 = arith.cmpi sge, %add3A_54, %ge3A : i32
      %convert_element_type3A = arith.extui %ge3A_68 : i1 to i32
      %cond3A = arith.constant 0 : i32
      %cond3A_69 = arith.cmpi ne, %convert_element_type3A, %cond3A : i32
      scf.if %cond3A_69 {
        %sub3A = arith.constant 2 : i32
        %sub3A_133 = arith.subi %add3A_58, %sub3A : i32
        %mul3A_134 = arith.constant 8192 : i32
        %mul3A_135 = arith.muli %sub3A_133, %mul3A_134 : i32
        %add3A_136 = arith.addi %mul3A_0, %mul3A_135 : i32
        %dma_wait3A_137 = arith.constant 0 : i32
        %dma_wait3A_138 = tpu.memref_slice %arg7[%dma_wait3A_137, %arg1, %add3A_136] : memref<2x16x524288xf32, #tpu.memory_space<hbm>> -> memref<1x1x8192xf32, #tpu.memory_space<hbm>>
        %dma_wait3A_139 = tpu.memref_squeeze %dma_wait3A_138 : memref<1x1x8192xf32, #tpu.memory_space<hbm>> -> memref<8192xf32, #tpu.memory_space<hbm>>
        %dma_wait3A_140 = tpu.memref_slice %arg7[%dma_wait3A_137, %arg1, %add3A_136] : memref<2x16x524288xf32, #tpu.memory_space<hbm>> -> memref<1x1x8192xf32, #tpu.memory_space<hbm>>
        %dma_wait3A_141 = tpu.memref_squeeze %dma_wait3A_140 : memref<1x1x8192xf32, #tpu.memory_space<hbm>> -> memref<8192xf32, #tpu.memory_space<hbm>>
        tpu.wait_dma2 semaphore(%arg22 : memref<!tpu.dma_semaphore, #tpu.memory_space<semaphore_mem>>) src(%arg16 : memref<8192xf32, #tpu.memory_space<vmem>>) dst(%dma_wait3A_141 : memref<8192xf32, #tpu.memory_space<hbm>>)
        %dma_wait3A_142 = arith.constant 1 : i32
        %dma_wait3A_143 = tpu.memref_slice %arg7[%dma_wait3A_142, %arg1, %add3A_136] : memref<2x16x524288xf32, #tpu.memory_space<hbm>> -> memref<1x1x8192xf32, #tpu.memory_space<hbm>>
        %dma_wait3A_144 = tpu.memref_squeeze %dma_wait3A_143 : memref<1x1x8192xf32, #tpu.memory_space<hbm>> -> memref<8192xf32, #tpu.memory_space<hbm>>
        %dma_wait3A_145 = tpu.memref_slice %arg7[%dma_wait3A_142, %arg1, %add3A_136] : memref<2x16x524288xf32, #tpu.memory_space<hbm>> -> memref<1x1x8192xf32, #tpu.memory_space<hbm>>
        %dma_wait3A_146 = tpu.memref_squeeze %dma_wait3A_145 : memref<1x1x8192xf32, #tpu.memory_space<hbm>> -> memref<8192xf32, #tpu.memory_space<hbm>>
        tpu.wait_dma2 semaphore(%arg22 : memref<!tpu.dma_semaphore, #tpu.memory_space<semaphore_mem>>) src(%arg18 : memref<8192xf32, #tpu.memory_space<vmem>>) dst(%dma_wait3A_146 : memref<8192xf32, #tpu.memory_space<hbm>>)
      } else {
      }
      %scan3A_70 = arith.constant 0 : i32
      %scan3A_71 = arith.constant 512 : i32
      %scan3A_72 = arith.addi %scan3A_70, %scan3A_71 : i32
      %scan3A_73 = arith.constant 8 : i32
      scf.for %scan3A_133 = %scan3A_70 to %scan3A_72 step %scan3A_73  : i32 {
        %mul3A_134 = arith.constant 1 : i32
        %mul3A_135 = arith.muli %scan3A_133, %mul3A_134 : i32
        %add3A_136 = arith.constant 0 : i32
        %add3A_137 = arith.addi %add3A_136, %mul3A_135 : i32
        %mul3A_138 = arith.constant 16 : i32
        %mul3A_139 = arith.muli %add3A_137, %mul3A_138 : i32
        %get3A = arith.index_cast %mul3A_139 : i32 to index
        %get3A_140 = tpu.vector_load %arg10[%get3A] {strides = array<i32>} : memref<8192xf32, #tpu.memory_space<vmem>>, vector<16xf32>,
        %add3A_141 = arith.constant 3.000000e+00 : f32
        %add3A_142 = vector.broadcast %add3A_141 : f32 to vector<16xf32>
        %add3A_143 = arith.addf %get3A_140, %add3A_142 : vector<16xf32>
        %mul3A_144 = arith.mulf %add3A_143, %gather3A : vector<16xf32>
        %convert_element_type3A_145 = arith.fptosi %mul3A_144 : vector<16xf32> to vector<16xi32>
        %convert_element_type3A_146 = arith.sitofp %convert_element_type3A_145 : vector<16xi32> to vector<16xf32>
        %sub3A = arith.subf %mul3A_144, %convert_element_type3A_146 : vector<16xf32>
        %get3A_147 = arith.index_cast %mul3A_139 : i32 to index
        %get3A_148 = tpu.vector_load %arg12[%get3A_147] {strides = array<i32>} : memref<8192xf32, #tpu.memory_space<vmem>>, vector<16xf32>,
        %add3A_149 = arith.constant 3.000000e+00 : f32
        %add3A_150 = vector.broadcast %add3A_149 : f32 to vector<16xf32>
        %add3A_151 = arith.addf %get3A_148, %add3A_150 : vector<16xf32>
        %mul3A_152 = arith.mulf %add3A_151, %gather3A : vector<16xf32>
        %convert_element_type3A_153 = arith.fptosi %mul3A_152 : vector<16xf32> to vector<16xi32>
        %convert_element_type3A_154 = arith.sitofp %convert_element_type3A_153 : vector<16xi32> to vector<16xf32>
        %sub3A_155 = arith.subf %mul3A_152, %convert_element_type3A_154 : vector<16xf32>
        %get3A_156 = arith.index_cast %mul3A_139 : i32 to index
        %get3A_157 = tpu.vector_load %arg14[%get3A_156] {strides = array<i32>} : memref<8192xf32, #tpu.memory_space<vmem>>, vector<16xf32>,
        %add3A_158 = arith.constant 3.000000e+00 : f32
        %add3A_159 = vector.broadcast %add3A_158 : f32 to vector<16xf32>
        %add3A_160 = arith.addf %get3A_157, %add3A_159 : vector<16xf32>
        %mul3A_161 = arith.mulf %add3A_160, %gather3A : vector<16xf32>
        %convert_element_type3A_162 = arith.fptosi %mul3A_161 : vector<16xf32> to vector<16xi32>
        %convert_element_type3A_163 = arith.sitofp %convert_element_type3A_162 : vector<16xi32> to vector<16xf32>
        %sub3A_164 = arith.subf %mul3A_161, %convert_element_type3A_163 : vector<16xf32>
        %add3A_165 = arith.constant 1 : i32
        %add3A_166 = vector.broadcast %add3A_165 : i32 to vector<16xi32>
        %add3A_167 = arith.addi %convert_element_type3A_145, %add3A_166 : vector<16xi32>
        %mul3A_168 = arith.constant -1640531535 : i32
        %mul3A_169 = vector.broadcast %mul3A_168 : i32 to vector<16xi32>
        %mul3A_170 = arith.muli %convert_element_type3A_153, %mul3A_169 : vector<16xi32>
        %and3A = arith.constant 16383 : i32
        %and3A_171 = vector.broadcast %and3A : i32 to vector<16xi32>
        %and3A_172 = arith.andi %mul3A_170, %and3A_171 : vector<16xi32>
        %add3A_173 = arith.constant -1640531535 : i32
        %add3A_174 = vector.broadcast %add3A_173 : i32 to vector<16xi32>
        %add3A_175 = arith.addi %and3A_172, %add3A_174 : vector<16xi32>
        %and3A_176 = arith.constant 16383 : i32
        %and3A_177 = vector.broadcast %and3A_176 : i32 to vector<16xi32>
        %and3A_178 = arith.andi %add3A_175, %and3A_177 : vector<16xi32>
        %mul3A_179 = arith.constant 805459861 : i32
        %mul3A_180 = vector.broadcast %mul3A_179 : i32 to vector<16xi32>
        %mul3A_181 = arith.muli %convert_element_type3A_162, %mul3A_180 : vector<16xi32>
        %and3A_182 = arith.constant 16383 : i32
        %and3A_183 = vector.broadcast %and3A_182 : i32 to vector<16xi32>
        %and3A_184 = arith.andi %mul3A_181, %and3A_183 : vector<16xi32>
        %add3A_185 = arith.constant 805459861 : i32
        %add3A_186 = vector.broadcast %add3A_185 : i32 to vector<16xi32>
        %add3A_187 = arith.addi %and3A_184, %add3A_186 : vector<16xi32>
        %and3A_188 = arith.constant 16383 : i32
        %and3A_189 = vector.broadcast %and3A_188 : i32 to vector<16xi32>
        %and3A_190 = arith.andi %add3A_187, %and3A_189 : vector<16xi32>
        %xor3A = arith.xori %convert_element_type3A_145, %and3A_172 : vector<16xi32>
        %xor3A_191 = arith.xori %convert_element_type3A_145, %and3A_178 : vector<16xi32>
        %xor3A_192 = arith.xori %add3A_167, %and3A_172 : vector<16xi32>
        %xor3A_193 = arith.xori %add3A_167, %and3A_178 : vector<16xi32>
        %xor3A_194 = arith.xori %xor3A, %and3A_184 : vector<16xi32>
        %xor3A_195 = arith.xori %xor3A, %and3A_190 : vector<16xi32>
        %xor3A_196 = arith.xori %xor3A_191, %and3A_184 : vector<16xi32>
        %xor3A_197 = arith.xori %xor3A_191, %and3A_190 : vector<16xi32>
        %xor3A_198 = arith.xori %xor3A_192, %and3A_184 : vector<16xi32>
        %xor3A_199 = arith.xori %xor3A_192, %and3A_190 : vector<16xi32>
        %xor3A_200 = arith.xori %xor3A_193, %and3A_184 : vector<16xi32>
        %xor3A_201 = arith.xori %xor3A_193, %and3A_190 : vector<16xi32>
        %sub3A_202 = arith.constant 1.000000e+00 : f32
        %sub3A_203 = vector.broadcast %sub3A_202 : f32 to vector<16xf32>
        %sub3A_204 = arith.subf %sub3A_203, %sub3A : vector<16xf32>
        %sub3A_205 = arith.constant 1.000000e+00 : f32
        %sub3A_206 = vector.broadcast %sub3A_205 : f32 to vector<16xf32>
        %sub3A_207 = arith.subf %sub3A_206, %sub3A_155 : vector<16xf32>
        %sub3A_208 = arith.constant 1.000000e+00 : f32
        %sub3A_209 = vector.broadcast %sub3A_208 : f32 to vector<16xf32>
        %sub3A_210 = arith.subf %sub3A_209, %sub3A_164 : vector<16xf32>
        %pack3A = tpu.pack_subelements %sub3A_210, %sub3A_210 {pack_format = #tpu.pack_format<interleaved>, positions = array<i32: 0, 1>} : vector<16xf32>, vector<16xf32> -> vector<32xbf16>
        %pack3A_211 = tpu.pack_subelements %sub3A_164, %sub3A_164 {pack_format = #tpu.pack_format<interleaved>, positions = array<i32: 0, 1>} : vector<16xf32>, vector<16xf32> -> vector<32xbf16>
        %pack3A_212 = tpu.pack_subelements %sub3A_207, %sub3A_207 {pack_format = #tpu.pack_format<interleaved>, positions = array<i32: 0, 1>} : vector<16xf32>, vector<16xf32> -> vector<32xbf16>
        %pack3A_213 = tpu.pack_subelements %sub3A_155, %sub3A_155 {pack_format = #tpu.pack_format<interleaved>, positions = array<i32: 0, 1>} : vector<16xf32>, vector<16xf32> -> vector<32xbf16>
        %pack3A_214 = tpu.pack_subelements %sub3A_204, %sub3A_204 {pack_format = #tpu.pack_format<interleaved>, positions = array<i32: 0, 1>} : vector<16xf32>, vector<16xf32> -> vector<32xbf16>
        %pack3A_215 = tpu.pack_subelements %sub3A, %sub3A {pack_format = #tpu.pack_format<interleaved>, positions = array<i32: 0, 1>} : vector<16xf32>, vector<16xf32> -> vector<32xbf16>
        %gather3A_216 = tpu.vector_load_idx %arg9[%xor3A_194] : memref<16384xi32, #tpu.memory_space<vmem>>[vector<16xi32>], vector<16xi32>,
        %bitcast3A = vector.bitcast %gather3A_216 : vector<16xi32> to vector<32xbf16>
        %mul3A_217 = arith.mulf %bitcast3A, %pack3A : vector<32xbf16>
        %gather3A_218 = tpu.vector_load_idx %arg9[%xor3A_195] : memref<16384xi32, #tpu.memory_space<vmem>>[vector<16xi32>], vector<16xi32>,
        %bitcast3A_219 = vector.bitcast %gather3A_218 : vector<16xi32> to vector<32xbf16>
        %mul3A_220 = arith.mulf %bitcast3A_219, %pack3A_211 : vector<32xbf16>
        %add3A_221 = arith.addf %mul3A_217, %mul3A_220 : vector<32xbf16>
        %gather3A_222 = tpu.vector_load_idx %arg9[%xor3A_196] : memref<16384xi32, #tpu.memory_space<vmem>>[vector<16xi32>], vector<16xi32>,
        %bitcast3A_223 = vector.bitcast %gather3A_222 : vector<16xi32> to vector<32xbf16>
        %mul3A_224 = arith.mulf %bitcast3A_223, %pack3A : vector<32xbf16>
        %gather3A_225 = tpu.vector_load_idx %arg9[%xor3A_197] : memref<16384xi32, #tpu.memory_space<vmem>>[vector<16xi32>], vector<16xi32>,
        %bitcast3A_226 = vector.bitcast %gather3A_225 : vector<16xi32> to vector<32xbf16>
        %mul3A_227 = arith.mulf %bitcast3A_226, %pack3A_211 : vector<32xbf16>
        %add3A_228 = arith.addf %mul3A_224, %mul3A_227 : vector<32xbf16>
        %gather3A_229 = tpu.vector_load_idx %arg9[%xor3A_198] : memref<16384xi32, #tpu.memory_space<vmem>>[vector<16xi32>], vector<16xi32>,
        %bitcast3A_230 = vector.bitcast %gather3A_229 : vector<16xi32> to vector<32xbf16>
        %mul3A_231 = arith.mulf %bitcast3A_230, %pack3A : vector<32xbf16>
        %gather3A_232 = tpu.vector_load_idx %arg9[%xor3A_199] : memref<16384xi32, #tpu.memory_space<vmem>>[vector<16xi32>], vector<16xi32>,
        %bitcast3A_233 = vector.bitcast %gather3A_232 : vector<16xi32> to vector<32xbf16>
        %mul3A_234 = arith.mulf %bitcast3A_233, %pack3A_211 : vector<32xbf16>
        %add3A_235 = arith.addf %mul3A_231, %mul3A_234 : vector<32xbf16>
        %gather3A_236 = tpu.vector_load_idx %arg9[%xor3A_200] : memref<16384xi32, #tpu.memory_space<vmem>>[vector<16xi32>], vector<16xi32>,
        %bitcast3A_237 = vector.bitcast %gather3A_236 : vector<16xi32> to vector<32xbf16>
        %mul3A_238 = arith.mulf %bitcast3A_237, %pack3A : vector<32xbf16>
        %gather3A_239 = tpu.vector_load_idx %arg9[%xor3A_201] : memref<16384xi32, #tpu.memory_space<vmem>>[vector<16xi32>], vector<16xi32>,
        %bitcast3A_240 = vector.bitcast %gather3A_239 : vector<16xi32> to vector<32xbf16>
        %mul3A_241 = arith.mulf %bitcast3A_240, %pack3A_211 : vector<32xbf16>
        %add3A_242 = arith.addf %mul3A_238, %mul3A_241 : vector<32xbf16>
        %mul3A_243 = arith.mulf %add3A_221, %pack3A_212 : vector<32xbf16>
        %mul3A_244 = arith.mulf %add3A_228, %pack3A_213 : vector<32xbf16>
        %add3A_245 = arith.addf %mul3A_243, %mul3A_244 : vector<32xbf16>
        %mul3A_246 = arith.mulf %add3A_235, %pack3A_212 : vector<32xbf16>
        %mul3A_247 = arith.mulf %add3A_242, %pack3A_213 : vector<32xbf16>
        %add3A_248 = arith.addf %mul3A_246, %mul3A_247 : vector<32xbf16>
        %mul3A_249 = arith.mulf %add3A_245, %pack3A_214 : vector<32xbf16>
        %mul3A_250 = arith.mulf %add3A_248, %pack3A_215 : vector<32xbf16>
        %add3A_251 = arith.addf %mul3A_249, %mul3A_250 : vector<32xbf16>
        %unpack3A = tpu.unpack_subelements %add3A_251, 0 {pack_format = #tpu.pack_format<interleaved>} : vector<32xbf16> -> vector<16xf32>
        %unpack3A_252 = tpu.unpack_subelements %add3A_251, 1 {pack_format = #tpu.pack_format<interleaved>} : vector<32xbf16> -> vector<16xf32>
        %swap3A = arith.index_cast %mul3A_139 : i32 to index
        %swap3A_253 = tpu.vector_load %arg16[%swap3A] {strides = array<i32>} : memref<8192xf32, #tpu.memory_space<vmem>>, vector<16xf32>,
        tpu.vector_store %arg16[%swap3A], %unpack3A {strides = array<i32>} : memref<8192xf32, #tpu.memory_space<vmem>>, vector<16xf32>,
        %swap3A_254 = arith.index_cast %mul3A_139 : i32 to index
        %swap3A_255 = tpu.vector_load %arg18[%swap3A_254] {strides = array<i32>} : memref<8192xf32, #tpu.memory_space<vmem>>, vector<16xf32>,
        tpu.vector_store %arg18[%swap3A_254], %unpack3A_252 {strides = array<i32>} : memref<8192xf32, #tpu.memory_space<vmem>>, vector<16xf32>,
        %scan3A_256 = arith.constant 1 : i32
        %scan3A_257 = arith.addi %scan3A_133, %scan3A_256 : i32
        %mul3A_258 = arith.constant 1 : i32
        %mul3A_259 = arith.muli %scan3A_257, %mul3A_258 : i32
        %add3A_260 = arith.constant 0 : i32
        %add3A_261 = arith.addi %add3A_260, %mul3A_259 : i32
        %mul3A_262 = arith.constant 16 : i32
        %mul3A_263 = arith.muli %add3A_261, %mul3A_262 : i32
        %get3A_264 = arith.index_cast %mul3A_263 : i32 to index
        %get3A_265 = tpu.vector_load %arg10[%get3A_264] {strides = array<i32>} : memref<8192xf32, #tpu.memory_space<vmem>>, vector<16xf32>,
        %add3A_266 = arith.constant 3.000000e+00 : f32
        %add3A_267 = vector.broadcast %add3A_266 : f32 to vector<16xf32>
        %add3A_268 = arith.addf %get3A_265, %add3A_267 : vector<16xf32>
        %mul3A_269 = arith.mulf %add3A_268, %gather3A : vector<16xf32>
        %convert_element_type3A_270 = arith.fptosi %mul3A_269 : vector<16xf32> to vector<16xi32>
        %convert_element_type3A_271 = arith.sitofp %convert_element_type3A_270 : vector<16xi32> to vector<16xf32>
        %sub3A_272 = arith.subf %mul3A_269, %convert_element_type3A_271 : vector<16xf32>
        %get3A_273 = arith.index_cast %mul3A_263 : i32 to index
        %get3A_274 = tpu.vector_load %arg12[%get3A_273] {strides = array<i32>} : memref<8192xf32, #tpu.memory_space<vmem>>, vector<16xf32>,
        %add3A_275 = arith.constant 3.000000e+00 : f32
        %add3A_276 = vector.broadcast %add3A_275 : f32 to vector<16xf32>
        %add3A_277 = arith.addf %get3A_274, %add3A_276 : vector<16xf32>
        %mul3A_278 = arith.mulf %add3A_277, %gather3A : vector<16xf32>
        %convert_element_type3A_279 = arith.fptosi %mul3A_278 : vector<16xf32> to vector<16xi32>
        %convert_element_type3A_280 = arith.sitofp %convert_element_type3A_279 : vector<16xi32> to vector<16xf32>
        %sub3A_281 = arith.subf %mul3A_278, %convert_element_type3A_280 : vector<16xf32>
        %get3A_282 = arith.index_cast %mul3A_263 : i32 to index
        %get3A_283 = tpu.vector_load %arg14[%get3A_282] {strides = array<i32>} : memref<8192xf32, #tpu.memory_space<vmem>>, vector<16xf32>,
        %add3A_284 = arith.constant 3.000000e+00 : f32
        %add3A_285 = vector.broadcast %add3A_284 : f32 to vector<16xf32>
        %add3A_286 = arith.addf %get3A_283, %add3A_285 : vector<16xf32>
        %mul3A_287 = arith.mulf %add3A_286, %gather3A : vector<16xf32>
        %convert_element_type3A_288 = arith.fptosi %mul3A_287 : vector<16xf32> to vector<16xi32>
        %convert_element_type3A_289 = arith.sitofp %convert_element_type3A_288 : vector<16xi32> to vector<16xf32>
        %sub3A_290 = arith.subf %mul3A_287, %convert_element_type3A_289 : vector<16xf32>
        %add3A_291 = arith.constant 1 : i32
        %add3A_292 = vector.broadcast %add3A_291 : i32 to vector<16xi32>
        %add3A_293 = arith.addi %convert_element_type3A_270, %add3A_292 : vector<16xi32>
        %mul3A_294 = arith.constant -1640531535 : i32
        %mul3A_295 = vector.broadcast %mul3A_294 : i32 to vector<16xi32>
        %mul3A_296 = arith.muli %convert_element_type3A_279, %mul3A_295 : vector<16xi32>
        %and3A_297 = arith.constant 16383 : i32
        %and3A_298 = vector.broadcast %and3A_297 : i32 to vector<16xi32>
        %and3A_299 = arith.andi %mul3A_296, %and3A_298 : vector<16xi32>
        %add3A_300 = arith.constant -1640531535 : i32
        %add3A_301 = vector.broadcast %add3A_300 : i32 to vector<16xi32>
        %add3A_302 = arith.addi %and3A_299, %add3A_301 : vector<16xi32>
        %and3A_303 = arith.constant 16383 : i32
        %and3A_304 = vector.broadcast %and3A_303 : i32 to vector<16xi32>
        %and3A_305 = arith.andi %add3A_302, %and3A_304 : vector<16xi32>
        %mul3A_306 = arith.constant 805459861 : i32
        %mul3A_307 = vector.broadcast %mul3A_306 : i32 to vector<16xi32>
        %mul3A_308 = arith.muli %convert_element_type3A_288, %mul3A_307 : vector<16xi32>
        %and3A_309 = arith.constant 16383 : i32
        %and3A_310 = vector.broadcast %and3A_309 : i32 to vector<16xi32>
        %and3A_311 = arith.andi %mul3A_308, %and3A_310 : vector<16xi32>
        %add3A_312 = arith.constant 805459861 : i32
        %add3A_313 = vector.broadcast %add3A_312 : i32 to vector<16xi32>
        %add3A_314 = arith.addi %and3A_311, %add3A_313 : vector<16xi32>
        %and3A_315 = arith.constant 16383 : i32
        %and3A_316 = vector.broadcast %and3A_315 : i32 to vector<16xi32>
        %and3A_317 = arith.andi %add3A_314, %and3A_316 : vector<16xi32>
        %xor3A_318 = arith.xori %convert_element_type3A_270, %and3A_299 : vector<16xi32>
        %xor3A_319 = arith.xori %convert_element_type3A_270, %and3A_305 : vector<16xi32>
        %xor3A_320 = arith.xori %add3A_293, %and3A_299 : vector<16xi32>
        %xor3A_321 = arith.xori %add3A_293, %and3A_305 : vector<16xi32>
        %xor3A_322 = arith.xori %xor3A_318, %and3A_311 : vector<16xi32>
        %xor3A_323 = arith.xori %xor3A_318, %and3A_317 : vector<16xi32>
        %xor3A_324 = arith.xori %xor3A_319, %and3A_311 : vector<16xi32>
        %xor3A_325 = arith.xori %xor3A_319, %and3A_317 : vector<16xi32>
        %xor3A_326 = arith.xori %xor3A_320, %and3A_311 : vector<16xi32>
        %xor3A_327 = arith.xori %xor3A_320, %and3A_317 : vector<16xi32>
        %xor3A_328 = arith.xori %xor3A_321, %and3A_311 : vector<16xi32>
        %xor3A_329 = arith.xori %xor3A_321, %and3A_317 : vector<16xi32>
        %sub3A_330 = arith.constant 1.000000e+00 : f32
        %sub3A_331 = vector.broadcast %sub3A_330 : f32 to vector<16xf32>
        %sub3A_332 = arith.subf %sub3A_331, %sub3A_272 : vector<16xf32>
        %sub3A_333 = arith.constant 1.000000e+00 : f32
        %sub3A_334 = vector.broadcast %sub3A_333 : f32 to vector<16xf32>
        %sub3A_335 = arith.subf %sub3A_334, %sub3A_281 : vector<16xf32>
        %sub3A_336 = arith.constant 1.000000e+00 : f32
        %sub3A_337 = vector.broadcast %sub3A_336 : f32 to vector<16xf32>
        %sub3A_338 = arith.subf %sub3A_337, %sub3A_290 : vector<16xf32>
        %pack3A_339 = tpu.pack_subelements %sub3A_338, %sub3A_338 {pack_format = #tpu.pack_format<interleaved>, positions = array<i32: 0, 1>} : vector<16xf32>, vector<16xf32> -> vector<32xbf16>
        %pack3A_340 = tpu.pack_subelements %sub3A_290, %sub3A_290 {pack_format = #tpu.pack_format<interleaved>, positions = array<i32: 0, 1>} : vector<16xf32>, vector<16xf32> -> vector<32xbf16>
        %pack3A_341 = tpu.pack_subelements %sub3A_335, %sub3A_335 {pack_format = #tpu.pack_format<interleaved>, positions = array<i32: 0, 1>} : vector<16xf32>, vector<16xf32> -> vector<32xbf16>
        %pack3A_342 = tpu.pack_subelements %sub3A_281, %sub3A_281 {pack_format = #tpu.pack_format<interleaved>, positions = array<i32: 0, 1>} : vector<16xf32>, vector<16xf32> -> vector<32xbf16>
        %pack3A_343 = tpu.pack_subelements %sub3A_332, %sub3A_332 {pack_format = #tpu.pack_format<interleaved>, positions = array<i32: 0, 1>} : vector<16xf32>, vector<16xf32> -> vector<32xbf16>
        %pack3A_344 = tpu.pack_subelements %sub3A_272, %sub3A_272 {pack_format = #tpu.pack_format<interleaved>, positions = array<i32: 0, 1>} : vector<16xf32>, vector<16xf32> -> vector<32xbf16>
        %gather3A_345 = tpu.vector_load_idx %arg9[%xor3A_322] : memref<16384xi32, #tpu.memory_space<vmem>>[vector<16xi32>], vector<16xi32>,
        %bitcast3A_346 = vector.bitcast %gather3A_345 : vector<16xi32> to vector<32xbf16>
        %mul3A_347 = arith.mulf %bitcast3A_346, %pack3A_339 : vector<32xbf16>
        %gather3A_348 = tpu.vector_load_idx %arg9[%xor3A_323] : memref<16384xi32, #tpu.memory_space<vmem>>[vector<16xi32>], vector<16xi32>,
        %bitcast3A_349 = vector.bitcast %gather3A_348 : vector<16xi32> to vector<32xbf16>
        %mul3A_350 = arith.mulf %bitcast3A_349, %pack3A_340 : vector<32xbf16>
        %add3A_351 = arith.addf %mul3A_347, %mul3A_350 : vector<32xbf16>
        %gather3A_352 = tpu.vector_load_idx %arg9[%xor3A_324] : memref<16384xi32, #tpu.memory_space<vmem>>[vector<16xi32>], vector<16xi32>,
        %bitcast3A_353 = vector.bitcast %gather3A_352 : vector<16xi32> to vector<32xbf16>
        %mul3A_354 = arith.mulf %bitcast3A_353, %pack3A_339 : vector<32xbf16>
        %gather3A_355 = tpu.vector_load_idx %arg9[%xor3A_325] : memref<16384xi32, #tpu.memory_space<vmem>>[vector<16xi32>], vector<16xi32>,
        %bitcast3A_356 = vector.bitcast %gather3A_355 : vector<16xi32> to vector<32xbf16>
        %mul3A_357 = arith.mulf %bitcast3A_356, %pack3A_340 : vector<32xbf16>
        %add3A_358 = arith.addf %mul3A_354, %mul3A_357 : vector<32xbf16>
        %gather3A_359 = tpu.vector_load_idx %arg9[%xor3A_326] : memref<16384xi32, #tpu.memory_space<vmem>>[vector<16xi32>], vector<16xi32>,
        %bitcast3A_360 = vector.bitcast %gather3A_359 : vector<16xi32> to vector<32xbf16>
        %mul3A_361 = arith.mulf %bitcast3A_360, %pack3A_339 : vector<32xbf16>
        %gather3A_362 = tpu.vector_load_idx %arg9[%xor3A_327] : memref<16384xi32, #tpu.memory_space<vmem>>[vector<16xi32>], vector<16xi32>,
        %bitcast3A_363 = vector.bitcast %gather3A_362 : vector<16xi32> to vector<32xbf16>
        %mul3A_364 = arith.mulf %bitcast3A_363, %pack3A_340 : vector<32xbf16>
        %add3A_365 = arith.addf %mul3A_361, %mul3A_364 : vector<32xbf16>
        %gather3A_366 = tpu.vector_load_idx %arg9[%xor3A_328] : memref<16384xi32, #tpu.memory_space<vmem>>[vector<16xi32>], vector<16xi32>,
        %bitcast3A_367 = vector.bitcast %gather3A_366 : vector<16xi32> to vector<32xbf16>
        %mul3A_368 = arith.mulf %bitcast3A_367, %pack3A_339 : vector<32xbf16>
        %gather3A_369 = tpu.vector_load_idx %arg9[%xor3A_329] : memref<16384xi32, #tpu.memory_space<vmem>>[vector<16xi32>], vector<16xi32>,
        %bitcast3A_370 = vector.bitcast %gather3A_369 : vector<16xi32> to vector<32xbf16>
        %mul3A_371 = arith.mulf %bitcast3A_370, %pack3A_340 : vector<32xbf16>
        %add3A_372 = arith.addf %mul3A_368, %mul3A_371 : vector<32xbf16>
        %mul3A_373 = arith.mulf %add3A_351, %pack3A_341 : vector<32xbf16>
        %mul3A_374 = arith.mulf %add3A_358, %pack3A_342 : vector<32xbf16>
        %add3A_375 = arith.addf %mul3A_373, %mul3A_374 : vector<32xbf16>
        %mul3A_376 = arith.mulf %add3A_365, %pack3A_341 : vector<32xbf16>
        %mul3A_377 = arith.mulf %add3A_372, %pack3A_342 : vector<32xbf16>
        %add3A_378 = arith.addf %mul3A_376, %mul3A_377 : vector<32xbf16>
        %mul3A_379 = arith.mulf %add3A_375, %pack3A_343 : vector<32xbf16>
        %mul3A_380 = arith.mulf %add3A_378, %pack3A_344 : vector<32xbf16>
        %add3A_381 = arith.addf %mul3A_379, %mul3A_380 : vector<32xbf16>
        %unpack3A_382 = tpu.unpack_subelements %add3A_381, 0 {pack_format = #tpu.pack_format<interleaved>} : vector<32xbf16> -> vector<16xf32>
        %unpack3A_383 = tpu.unpack_subelements %add3A_381, 1 {pack_format = #tpu.pack_format<interleaved>} : vector<32xbf16> -> vector<16xf32>
        %swap3A_384 = arith.index_cast %mul3A_263 : i32 to index
        %swap3A_385 = tpu.vector_load %arg16[%swap3A_384] {strides = array<i32>} : memref<8192xf32, #tpu.memory_space<vmem>>, vector<16xf32>,
        tpu.vector_store %arg16[%swap3A_384], %unpack3A_382 {strides = array<i32>} : memref<8192xf32, #tpu.memory_space<vmem>>, vector<16xf32>,
        %swap3A_386 = arith.index_cast %mul3A_263 : i32 to index
        %swap3A_387 = tpu.vector_load %arg18[%swap3A_386] {strides = array<i32>} : memref<8192xf32, #tpu.memory_space<vmem>>, vector<16xf32>,
        tpu.vector_store %arg18[%swap3A_386], %unpack3A_383 {strides = array<i32>} : memref<8192xf32, #tpu.memory_space<vmem>>, vector<16xf32>,
        %scan3A_388 = arith.constant 2 : i32
        %scan3A_389 = arith.addi %scan3A_133, %scan3A_388 : i32
        %mul3A_390 = arith.constant 1 : i32
        %mul3A_391 = arith.muli %scan3A_389, %mul3A_390 : i32
        %add3A_392 = arith.constant 0 : i32
        %add3A_393 = arith.addi %add3A_392, %mul3A_391 : i32
        %mul3A_394 = arith.constant 16 : i32
        %mul3A_395 = arith.muli %add3A_393, %mul3A_394 : i32
        %get3A_396 = arith.index_cast %mul3A_395 : i32 to index
        %get3A_397 = tpu.vector_load %arg10[%get3A_396] {strides = array<i32>} : memref<8192xf32, #tpu.memory_space<vmem>>, vector<16xf32>,
        %add3A_398 = arith.constant 3.000000e+00 : f32
        %add3A_399 = vector.broadcast %add3A_398 : f32 to vector<16xf32>
        %add3A_400 = arith.addf %get3A_397, %add3A_399 : vector<16xf32>
        %mul3A_401 = arith.mulf %add3A_400, %gather3A : vector<16xf32>
        %convert_element_type3A_402 = arith.fptosi %mul3A_401 : vector<16xf32> to vector<16xi32>
        %convert_element_type3A_403 = arith.sitofp %convert_element_type3A_402 : vector<16xi32> to vector<16xf32>
        %sub3A_404 = arith.subf %mul3A_401, %convert_element_type3A_403 : vector<16xf32>
        %get3A_405 = arith.index_cast %mul3A_395 : i32 to index
        %get3A_406 = tpu.vector_load %arg12[%get3A_405] {strides = array<i32>} : memref<8192xf32, #tpu.memory_space<vmem>>, vector<16xf32>,
        %add3A_407 = arith.constant 3.000000e+00 : f32
        %add3A_408 = vector.broadcast %add3A_407 : f32 to vector<16xf32>
        %add3A_409 = arith.addf %get3A_406, %add3A_408 : vector<16xf32>
        %mul3A_410 = arith.mulf %add3A_409, %gather3A : vector<16xf32>
        %convert_element_type3A_411 = arith.fptosi %mul3A_410 : vector<16xf32> to vector<16xi32>
        %convert_element_type3A_412 = arith.sitofp %convert_element_type3A_411 : vector<16xi32> to vector<16xf32>
        %sub3A_413 = arith.subf %mul3A_410, %convert_element_type3A_412 : vector<16xf32>
        %get3A_414 = arith.index_cast %mul3A_395 : i32 to index
        %get3A_415 = tpu.vector_load %arg14[%get3A_414] {strides = array<i32>} : memref<8192xf32, #tpu.memory_space<vmem>>, vector<16xf32>,
        %add3A_416 = arith.constant 3.000000e+00 : f32
        %add3A_417 = vector.broadcast %add3A_416 : f32 to vector<16xf32>
        %add3A_418 = arith.addf %get3A_415, %add3A_417 : vector<16xf32>
        %mul3A_419 = arith.mulf %add3A_418, %gather3A : vector<16xf32>
        %convert_element_type3A_420 = arith.fptosi %mul3A_419 : vector<16xf32> to vector<16xi32>
        %convert_element_type3A_421 = arith.sitofp %convert_element_type3A_420 : vector<16xi32> to vector<16xf32>
        %sub3A_422 = arith.subf %mul3A_419, %convert_element_type3A_421 : vector<16xf32>
        %add3A_423 = arith.constant 1 : i32
        %add3A_424 = vector.broadcast %add3A_423 : i32 to vector<16xi32>
        %add3A_425 = arith.addi %convert_element_type3A_402, %add3A_424 : vector<16xi32>
        %mul3A_426 = arith.constant -1640531535 : i32
        %mul3A_427 = vector.broadcast %mul3A_426 : i32 to vector<16xi32>
        %mul3A_428 = arith.muli %convert_element_type3A_411, %mul3A_427 : vector<16xi32>
        %and3A_429 = arith.constant 16383 : i32
        %and3A_430 = vector.broadcast %and3A_429 : i32 to vector<16xi32>
        %and3A_431 = arith.andi %mul3A_428, %and3A_430 : vector<16xi32>
        %add3A_432 = arith.constant -1640531535 : i32
        %add3A_433 = vector.broadcast %add3A_432 : i32 to vector<16xi32>
        %add3A_434 = arith.addi %and3A_431, %add3A_433 : vector<16xi32>
        %and3A_435 = arith.constant 16383 : i32
        %and3A_436 = vector.broadcast %and3A_435 : i32 to vector<16xi32>
        %and3A_437 = arith.andi %add3A_434, %and3A_436 : vector<16xi32>
        %mul3A_438 = arith.constant 805459861 : i32
        %mul3A_439 = vector.broadcast %mul3A_438 : i32 to vector<16xi32>
        %mul3A_440 = arith.muli %convert_element_type3A_420, %mul3A_439 : vector<16xi32>
        %and3A_441 = arith.constant 16383 : i32
        %and3A_442 = vector.broadcast %and3A_441 : i32 to vector<16xi32>
        %and3A_443 = arith.andi %mul3A_440, %and3A_442 : vector<16xi32>
        %add3A_444 = arith.constant 805459861 : i32
        %add3A_445 = vector.broadcast %add3A_444 : i32 to vector<16xi32>
        %add3A_446 = arith.addi %and3A_443, %add3A_445 : vector<16xi32>
        %and3A_447 = arith.constant 16383 : i32
        %and3A_448 = vector.broadcast %and3A_447 : i32 to vector<16xi32>
        %and3A_449 = arith.andi %add3A_446, %and3A_448 : vector<16xi32>
        %xor3A_450 = arith.xori %convert_element_type3A_402, %and3A_431 : vector<16xi32>
        %xor3A_451 = arith.xori %convert_element_type3A_402, %and3A_437 : vector<16xi32>
        %xor3A_452 = arith.xori %add3A_425, %and3A_431 : vector<16xi32>
        %xor3A_453 = arith.xori %add3A_425, %and3A_437 : vector<16xi32>
        %xor3A_454 = arith.xori %xor3A_450, %and3A_443 : vector<16xi32>
        %xor3A_455 = arith.xori %xor3A_450, %and3A_449 : vector<16xi32>
        %xor3A_456 = arith.xori %xor3A_451, %and3A_443 : vector<16xi32>
        %xor3A_457 = arith.xori %xor3A_451, %and3A_449 : vector<16xi32>
        %xor3A_458 = arith.xori %xor3A_452, %and3A_443 : vector<16xi32>
        %xor3A_459 = arith.xori %xor3A_452, %and3A_449 : vector<16xi32>
        %xor3A_460 = arith.xori %xor3A_453, %and3A_443 : vector<16xi32>
        %xor3A_461 = arith.xori %xor3A_453, %and3A_449 : vector<16xi32>
        %sub3A_462 = arith.constant 1.000000e+00 : f32
        %sub3A_463 = vector.broadcast %sub3A_462 : f32 to vector<16xf32>
        %sub3A_464 = arith.subf %sub3A_463, %sub3A_404 : vector<16xf32>
        %sub3A_465 = arith.constant 1.000000e+00 : f32
        %sub3A_466 = vector.broadcast %sub3A_465 : f32 to vector<16xf32>
        %sub3A_467 = arith.subf %sub3A_466, %sub3A_413 : vector<16xf32>
        %sub3A_468 = arith.constant 1.000000e+00 : f32
        %sub3A_469 = vector.broadcast %sub3A_468 : f32 to vector<16xf32>
        %sub3A_470 = arith.subf %sub3A_469, %sub3A_422 : vector<16xf32>
        %pack3A_471 = tpu.pack_subelements %sub3A_470, %sub3A_470 {pack_format = #tpu.pack_format<interleaved>, positions = array<i32: 0, 1>} : vector<16xf32>, vector<16xf32> -> vector<32xbf16>
        %pack3A_472 = tpu.pack_subelements %sub3A_422, %sub3A_422 {pack_format = #tpu.pack_format<interleaved>, positions = array<i32: 0, 1>} : vector<16xf32>, vector<16xf32> -> vector<32xbf16>
        %pack3A_473 = tpu.pack_subelements %sub3A_467, %sub3A_467 {pack_format = #tpu.pack_format<interleaved>, positions = array<i32: 0, 1>} : vector<16xf32>, vector<16xf32> -> vector<32xbf16>
        %pack3A_474 = tpu.pack_subelements %sub3A_413, %sub3A_413 {pack_format = #tpu.pack_format<interleaved>, positions = array<i32: 0, 1>} : vector<16xf32>, vector<16xf32> -> vector<32xbf16>
        %pack3A_475 = tpu.pack_subelements %sub3A_464, %sub3A_464 {pack_format = #tpu.pack_format<interleaved>, positions = array<i32: 0, 1>} : vector<16xf32>, vector<16xf32> -> vector<32xbf16>
        %pack3A_476 = tpu.pack_subelements %sub3A_404, %sub3A_404 {pack_format = #tpu.pack_format<interleaved>, positions = array<i32: 0, 1>} : vector<16xf32>, vector<16xf32> -> vector<32xbf16>
        %gather3A_477 = tpu.vector_load_idx %arg9[%xor3A_454] : memref<16384xi32, #tpu.memory_space<vmem>>[vector<16xi32>], vector<16xi32>,
        %bitcast3A_478 = vector.bitcast %gather3A_477 : vector<16xi32> to vector<32xbf16>
        %mul3A_479 = arith.mulf %bitcast3A_478, %pack3A_471 : vector<32xbf16>
        %gather3A_480 = tpu.vector_load_idx %arg9[%xor3A_455] : memref<16384xi32, #tpu.memory_space<vmem>>[vector<16xi32>], vector<16xi32>,
        %bitcast3A_481 = vector.bitcast %gather3A_480 : vector<16xi32> to vector<32xbf16>
        %mul3A_482 = arith.mulf %bitcast3A_481, %pack3A_472 : vector<32xbf16>
        %add3A_483 = arith.addf %mul3A_479, %mul3A_482 : vector<32xbf16>
        %gather3A_484 = tpu.vector_load_idx %arg9[%xor3A_456] : memref<16384xi32, #tpu.memory_space<vmem>>[vector<16xi32>], vector<16xi32>,
        %bitcast3A_485 = vector.bitcast %gather3A_484 : vector<16xi32> to vector<32xbf16>
        %mul3A_486 = arith.mulf %bitcast3A_485, %pack3A_471 : vector<32xbf16>
        %gather3A_487 = tpu.vector_load_idx %arg9[%xor3A_457] : memref<16384xi32, #tpu.memory_space<vmem>>[vector<16xi32>], vector<16xi32>,
        %bitcast3A_488 = vector.bitcast %gather3A_487 : vector<16xi32> to vector<32xbf16>
        %mul3A_489 = arith.mulf %bitcast3A_488, %pack3A_472 : vector<32xbf16>
        %add3A_490 = arith.addf %mul3A_486, %mul3A_489 : vector<32xbf16>
        %gather3A_491 = tpu.vector_load_idx %arg9[%xor3A_458] : memref<16384xi32, #tpu.memory_space<vmem>>[vector<16xi32>], vector<16xi32>,
        %bitcast3A_492 = vector.bitcast %gather3A_491 : vector<16xi32> to vector<32xbf16>
        %mul3A_493 = arith.mulf %bitcast3A_492, %pack3A_471 : vector<32xbf16>
        %gather3A_494 = tpu.vector_load_idx %arg9[%xor3A_459] : memref<16384xi32, #tpu.memory_space<vmem>>[vector<16xi32>], vector<16xi32>,
        %bitcast3A_495 = vector.bitcast %gather3A_494 : vector<16xi32> to vector<32xbf16>
        %mul3A_496 = arith.mulf %bitcast3A_495, %pack3A_472 : vector<32xbf16>
        %add3A_497 = arith.addf %mul3A_493, %mul3A_496 : vector<32xbf16>
        %gather3A_498 = tpu.vector_load_idx %arg9[%xor3A_460] : memref<16384xi32, #tpu.memory_space<vmem>>[vector<16xi32>], vector<16xi32>,
        %bitcast3A_499 = vector.bitcast %gather3A_498 : vector<16xi32> to vector<32xbf16>
        %mul3A_500 = arith.mulf %bitcast3A_499, %pack3A_471 : vector<32xbf16>
        %gather3A_501 = tpu.vector_load_idx %arg9[%xor3A_461] : memref<16384xi32, #tpu.memory_space<vmem>>[vector<16xi32>], vector<16xi32>,
        %bitcast3A_502 = vector.bitcast %gather3A_501 : vector<16xi32> to vector<32xbf16>
        %mul3A_503 = arith.mulf %bitcast3A_502, %pack3A_472 : vector<32xbf16>
        %add3A_504 = arith.addf %mul3A_500, %mul3A_503 : vector<32xbf16>
        %mul3A_505 = arith.mulf %add3A_483, %pack3A_473 : vector<32xbf16>
        %mul3A_506 = arith.mulf %add3A_490, %pack3A_474 : vector<32xbf16>
        %add3A_507 = arith.addf %mul3A_505, %mul3A_506 : vector<32xbf16>
        %mul3A_508 = arith.mulf %add3A_497, %pack3A_473 : vector<32xbf16>
        %mul3A_509 = arith.mulf %add3A_504, %pack3A_474 : vector<32xbf16>
        %add3A_510 = arith.addf %mul3A_508, %mul3A_509 : vector<32xbf16>
        %mul3A_511 = arith.mulf %add3A_507, %pack3A_475 : vector<32xbf16>
        %mul3A_512 = arith.mulf %add3A_510, %pack3A_476 : vector<32xbf16>
        %add3A_513 = arith.addf %mul3A_511, %mul3A_512 : vector<32xbf16>
        %unpack3A_514 = tpu.unpack_subelements %add3A_513, 0 {pack_format = #tpu.pack_format<interleaved>} : vector<32xbf16> -> vector<16xf32>
        %unpack3A_515 = tpu.unpack_subelements %add3A_513, 1 {pack_format = #tpu.pack_format<interleaved>} : vector<32xbf16> -> vector<16xf32>
        %swap3A_516 = arith.index_cast %mul3A_395 : i32 to index
        %swap3A_517 = tpu.vector_load %arg16[%swap3A_516] {strides = array<i32>} : memref<8192xf32, #tpu.memory_space<vmem>>, vector<16xf32>,
        tpu.vector_store %arg16[%swap3A_516], %unpack3A_514 {strides = array<i32>} : memref<8192xf32, #tpu.memory_space<vmem>>, vector<16xf32>,
        %swap3A_518 = arith.index_cast %mul3A_395 : i32 to index
        %swap3A_519 = tpu.vector_load %arg18[%swap3A_518] {strides = array<i32>} : memref<8192xf32, #tpu.memory_space<vmem>>, vector<16xf32>,
        tpu.vector_store %arg18[%swap3A_518], %unpack3A_515 {strides = array<i32>} : memref<8192xf32, #tpu.memory_space<vmem>>, vector<16xf32>,
        %scan3A_520 = arith.constant 3 : i32
        %scan3A_521 = arith.addi %scan3A_133, %scan3A_520 : i32
        %mul3A_522 = arith.constant 1 : i32
        %mul3A_523 = arith.muli %scan3A_521, %mul3A_522 : i32
        %add3A_524 = arith.constant 0 : i32
        %add3A_525 = arith.addi %add3A_524, %mul3A_523 : i32
        %mul3A_526 = arith.constant 16 : i32
        %mul3A_527 = arith.muli %add3A_525, %mul3A_526 : i32
        %get3A_528 = arith.index_cast %mul3A_527 : i32 to index
        %get3A_529 = tpu.vector_load %arg10[%get3A_528] {strides = array<i32>} : memref<8192xf32, #tpu.memory_space<vmem>>, vector<16xf32>,
        %add3A_530 = arith.constant 3.000000e+00 : f32
        %add3A_531 = vector.broadcast %add3A_530 : f32 to vector<16xf32>
        %add3A_532 = arith.addf %get3A_529, %add3A_531 : vector<16xf32>
        %mul3A_533 = arith.mulf %add3A_532, %gather3A : vector<16xf32>
        %convert_element_type3A_534 = arith.fptosi %mul3A_533 : vector<16xf32> to vector<16xi32>
        %convert_element_type3A_535 = arith.sitofp %convert_element_type3A_534 : vector<16xi32> to vector<16xf32>
        %sub3A_536 = arith.subf %mul3A_533, %convert_element_type3A_535 : vector<16xf32>
        %get3A_537 = arith.index_cast %mul3A_527 : i32 to index
        %get3A_538 = tpu.vector_load %arg12[%get3A_537] {strides = array<i32>} : memref<8192xf32, #tpu.memory_space<vmem>>, vector<16xf32>,
        %add3A_539 = arith.constant 3.000000e+00 : f32
        %add3A_540 = vector.broadcast %add3A_539 : f32 to vector<16xf32>
        %add3A_541 = arith.addf %get3A_538, %add3A_540 : vector<16xf32>
        %mul3A_542 = arith.mulf %add3A_541, %gather3A : vector<16xf32>
        %convert_element_type3A_543 = arith.fptosi %mul3A_542 : vector<16xf32> to vector<16xi32>
        %convert_element_type3A_544 = arith.sitofp %convert_element_type3A_543 : vector<16xi32> to vector<16xf32>
        %sub3A_545 = arith.subf %mul3A_542, %convert_element_type3A_544 : vector<16xf32>
        %get3A_546 = arith.index_cast %mul3A_527 : i32 to index
        %get3A_547 = tpu.vector_load %arg14[%get3A_546] {strides = array<i32>} : memref<8192xf32, #tpu.memory_space<vmem>>, vector<16xf32>,
        %add3A_548 = arith.constant 3.000000e+00 : f32
        %add3A_549 = vector.broadcast %add3A_548 : f32 to vector<16xf32>
        %add3A_550 = arith.addf %get3A_547, %add3A_549 : vector<16xf32>
        %mul3A_551 = arith.mulf %add3A_550, %gather3A : vector<16xf32>
        %convert_element_type3A_552 = arith.fptosi %mul3A_551 : vector<16xf32> to vector<16xi32>
        %convert_element_type3A_553 = arith.sitofp %convert_element_type3A_552 : vector<16xi32> to vector<16xf32>
        %sub3A_554 = arith.subf %mul3A_551, %convert_element_type3A_553 : vector<16xf32>
        %add3A_555 = arith.constant 1 : i32
        %add3A_556 = vector.broadcast %add3A_555 : i32 to vector<16xi32>
        %add3A_557 = arith.addi %convert_element_type3A_534, %add3A_556 : vector<16xi32>
        %mul3A_558 = arith.constant -1640531535 : i32
        %mul3A_559 = vector.broadcast %mul3A_558 : i32 to vector<16xi32>
        %mul3A_560 = arith.muli %convert_element_type3A_543, %mul3A_559 : vector<16xi32>
        %and3A_561 = arith.constant 16383 : i32
        %and3A_562 = vector.broadcast %and3A_561 : i32 to vector<16xi32>
        %and3A_563 = arith.andi %mul3A_560, %and3A_562 : vector<16xi32>
        %add3A_564 = arith.constant -1640531535 : i32
        %add3A_565 = vector.broadcast %add3A_564 : i32 to vector<16xi32>
        %add3A_566 = arith.addi %and3A_563, %add3A_565 : vector<16xi32>
        %and3A_567 = arith.constant 16383 : i32
        %and3A_568 = vector.broadcast %and3A_567 : i32 to vector<16xi32>
        %and3A_569 = arith.andi %add3A_566, %and3A_568 : vector<16xi32>
        %mul3A_570 = arith.constant 805459861 : i32
        %mul3A_571 = vector.broadcast %mul3A_570 : i32 to vector<16xi32>
        %mul3A_572 = arith.muli %convert_element_type3A_552, %mul3A_571 : vector<16xi32>
        %and3A_573 = arith.constant 16383 : i32
        %and3A_574 = vector.broadcast %and3A_573 : i32 to vector<16xi32>
        %and3A_575 = arith.andi %mul3A_572, %and3A_574 : vector<16xi32>
        %add3A_576 = arith.constant 805459861 : i32
        %add3A_577 = vector.broadcast %add3A_576 : i32 to vector<16xi32>
        %add3A_578 = arith.addi %and3A_575, %add3A_577 : vector<16xi32>
        %and3A_579 = arith.constant 16383 : i32
        %and3A_580 = vector.broadcast %and3A_579 : i32 to vector<16xi32>
        %and3A_581 = arith.andi %add3A_578, %and3A_580 : vector<16xi32>
        %xor3A_582 = arith.xori %convert_element_type3A_534, %and3A_563 : vector<16xi32>
        %xor3A_583 = arith.xori %convert_element_type3A_534, %and3A_569 : vector<16xi32>
        %xor3A_584 = arith.xori %add3A_557, %and3A_563 : vector<16xi32>
        %xor3A_585 = arith.xori %add3A_557, %and3A_569 : vector<16xi32>
        %xor3A_586 = arith.xori %xor3A_582, %and3A_575 : vector<16xi32>
        %xor3A_587 = arith.xori %xor3A_582, %and3A_581 : vector<16xi32>
        %xor3A_588 = arith.xori %xor3A_583, %and3A_575 : vector<16xi32>
        %xor3A_589 = arith.xori %xor3A_583, %and3A_581 : vector<16xi32>
        %xor3A_590 = arith.xori %xor3A_584, %and3A_575 : vector<16xi32>
        %xor3A_591 = arith.xori %xor3A_584, %and3A_581 : vector<16xi32>
        %xor3A_592 = arith.xori %xor3A_585, %and3A_575 : vector<16xi32>
        %xor3A_593 = arith.xori %xor3A_585, %and3A_581 : vector<16xi32>
        %sub3A_594 = arith.constant 1.000000e+00 : f32
        %sub3A_595 = vector.broadcast %sub3A_594 : f32 to vector<16xf32>
        %sub3A_596 = arith.subf %sub3A_595, %sub3A_536 : vector<16xf32>
        %sub3A_597 = arith.constant 1.000000e+00 : f32
        %sub3A_598 = vector.broadcast %sub3A_597 : f32 to vector<16xf32>
        %sub3A_599 = arith.subf %sub3A_598, %sub3A_545 : vector<16xf32>
        %sub3A_600 = arith.constant 1.000000e+00 : f32
        %sub3A_601 = vector.broadcast %sub3A_600 : f32 to vector<16xf32>
        %sub3A_602 = arith.subf %sub3A_601, %sub3A_554 : vector<16xf32>
        %pack3A_603 = tpu.pack_subelements %sub3A_602, %sub3A_602 {pack_format = #tpu.pack_format<interleaved>, positions = array<i32: 0, 1>} : vector<16xf32>, vector<16xf32> -> vector<32xbf16>
        %pack3A_604 = tpu.pack_subelements %sub3A_554, %sub3A_554 {pack_format = #tpu.pack_format<interleaved>, positions = array<i32: 0, 1>} : vector<16xf32>, vector<16xf32> -> vector<32xbf16>
        %pack3A_605 = tpu.pack_subelements %sub3A_599, %sub3A_599 {pack_format = #tpu.pack_format<interleaved>, positions = array<i32: 0, 1>} : vector<16xf32>, vector<16xf32> -> vector<32xbf16>
        %pack3A_606 = tpu.pack_subelements %sub3A_545, %sub3A_545 {pack_format = #tpu.pack_format<interleaved>, positions = array<i32: 0, 1>} : vector<16xf32>, vector<16xf32> -> vector<32xbf16>
        %pack3A_607 = tpu.pack_subelements %sub3A_596, %sub3A_596 {pack_format = #tpu.pack_format<interleaved>, positions = array<i32: 0, 1>} : vector<16xf32>, vector<16xf32> -> vector<32xbf16>
        %pack3A_608 = tpu.pack_subelements %sub3A_536, %sub3A_536 {pack_format = #tpu.pack_format<interleaved>, positions = array<i32: 0, 1>} : vector<16xf32>, vector<16xf32> -> vector<32xbf16>
        %gather3A_609 = tpu.vector_load_idx %arg9[%xor3A_586] : memref<16384xi32, #tpu.memory_space<vmem>>[vector<16xi32>], vector<16xi32>,
        %bitcast3A_610 = vector.bitcast %gather3A_609 : vector<16xi32> to vector<32xbf16>
        %mul3A_611 = arith.mulf %bitcast3A_610, %pack3A_603 : vector<32xbf16>
        %gather3A_612 = tpu.vector_load_idx %arg9[%xor3A_587] : memref<16384xi32, #tpu.memory_space<vmem>>[vector<16xi32>], vector<16xi32>,
        %bitcast3A_613 = vector.bitcast %gather3A_612 : vector<16xi32> to vector<32xbf16>
        %mul3A_614 = arith.mulf %bitcast3A_613, %pack3A_604 : vector<32xbf16>
        %add3A_615 = arith.addf %mul3A_611, %mul3A_614 : vector<32xbf16>
        %gather3A_616 = tpu.vector_load_idx %arg9[%xor3A_588] : memref<16384xi32, #tpu.memory_space<vmem>>[vector<16xi32>], vector<16xi32>,
        %bitcast3A_617 = vector.bitcast %gather3A_616 : vector<16xi32> to vector<32xbf16>
        %mul3A_618 = arith.mulf %bitcast3A_617, %pack3A_603 : vector<32xbf16>
        %gather3A_619 = tpu.vector_load_idx %arg9[%xor3A_589] : memref<16384xi32, #tpu.memory_space<vmem>>[vector<16xi32>], vector<16xi32>,
        %bitcast3A_620 = vector.bitcast %gather3A_619 : vector<16xi32> to vector<32xbf16>
        %mul3A_621 = arith.mulf %bitcast3A_620, %pack3A_604 : vector<32xbf16>
        %add3A_622 = arith.addf %mul3A_618, %mul3A_621 : vector<32xbf16>
        %gather3A_623 = tpu.vector_load_idx %arg9[%xor3A_590] : memref<16384xi32, #tpu.memory_space<vmem>>[vector<16xi32>], vector<16xi32>,
        %bitcast3A_624 = vector.bitcast %gather3A_623 : vector<16xi32> to vector<32xbf16>
        %mul3A_625 = arith.mulf %bitcast3A_624, %pack3A_603 : vector<32xbf16>
        %gather3A_626 = tpu.vector_load_idx %arg9[%xor3A_591] : memref<16384xi32, #tpu.memory_space<vmem>>[vector<16xi32>], vector<16xi32>,
        %bitcast3A_627 = vector.bitcast %gather3A_626 : vector<16xi32> to vector<32xbf16>
        %mul3A_628 = arith.mulf %bitcast3A_627, %pack3A_604 : vector<32xbf16>
        %add3A_629 = arith.addf %mul3A_625, %mul3A_628 : vector<32xbf16>
        %gather3A_630 = tpu.vector_load_idx %arg9[%xor3A_592] : memref<16384xi32, #tpu.memory_space<vmem>>[vector<16xi32>], vector<16xi32>,
        %bitcast3A_631 = vector.bitcast %gather3A_630 : vector<16xi32> to vector<32xbf16>
        %mul3A_632 = arith.mulf %bitcast3A_631, %pack3A_603 : vector<32xbf16>
        %gather3A_633 = tpu.vector_load_idx %arg9[%xor3A_593] : memref<16384xi32, #tpu.memory_space<vmem>>[vector<16xi32>], vector<16xi32>,
        %bitcast3A_634 = vector.bitcast %gather3A_633 : vector<16xi32> to vector<32xbf16>
        %mul3A_635 = arith.mulf %bitcast3A_634, %pack3A_604 : vector<32xbf16>
        %add3A_636 = arith.addf %mul3A_632, %mul3A_635 : vector<32xbf16>
        %mul3A_637 = arith.mulf %add3A_615, %pack3A_605 : vector<32xbf16>
        %mul3A_638 = arith.mulf %add3A_622, %pack3A_606 : vector<32xbf16>
        %add3A_639 = arith.addf %mul3A_637, %mul3A_638 : vector<32xbf16>
        %mul3A_640 = arith.mulf %add3A_629, %pack3A_605 : vector<32xbf16>
        %mul3A_641 = arith.mulf %add3A_636, %pack3A_606 : vector<32xbf16>
        %add3A_642 = arith.addf %mul3A_640, %mul3A_641 : vector<32xbf16>
        %mul3A_643 = arith.mulf %add3A_639, %pack3A_607 : vector<32xbf16>
        %mul3A_644 = arith.mulf %add3A_642, %pack3A_608 : vector<32xbf16>
        %add3A_645 = arith.addf %mul3A_643, %mul3A_644 : vector<32xbf16>
        %unpack3A_646 = tpu.unpack_subelements %add3A_645, 0 {pack_format = #tpu.pack_format<interleaved>} : vector<32xbf16> -> vector<16xf32>
        %unpack3A_647 = tpu.unpack_subelements %add3A_645, 1 {pack_format = #tpu.pack_format<interleaved>} : vector<32xbf16> -> vector<16xf32>
        %swap3A_648 = arith.index_cast %mul3A_527 : i32 to index
        %swap3A_649 = tpu.vector_load %arg16[%swap3A_648] {strides = array<i32>} : memref<8192xf32, #tpu.memory_space<vmem>>, vector<16xf32>,
        tpu.vector_store %arg16[%swap3A_648], %unpack3A_646 {strides = array<i32>} : memref<8192xf32, #tpu.memory_space<vmem>>, vector<16xf32>,
        %swap3A_650 = arith.index_cast %mul3A_527 : i32 to index
        %swap3A_651 = tpu.vector_load %arg18[%swap3A_650] {strides = array<i32>} : memref<8192xf32, #tpu.memory_space<vmem>>, vector<16xf32>,
        tpu.vector_store %arg18[%swap3A_650], %unpack3A_647 {strides = array<i32>} : memref<8192xf32, #tpu.memory_space<vmem>>, vector<16xf32>,
        %scan3A_652 = arith.constant 4 : i32
        %scan3A_653 = arith.addi %scan3A_133, %scan3A_652 : i32
        %mul3A_654 = arith.constant 1 : i32
        %mul3A_655 = arith.muli %scan3A_653, %mul3A_654 : i32
        %add3A_656 = arith.constant 0 : i32
        %add3A_657 = arith.addi %add3A_656, %mul3A_655 : i32
        %mul3A_658 = arith.constant 16 : i32
        %mul3A_659 = arith.muli %add3A_657, %mul3A_658 : i32
        %get3A_660 = arith.index_cast %mul3A_659 : i32 to index
        %get3A_661 = tpu.vector_load %arg10[%get3A_660] {strides = array<i32>} : memref<8192xf32, #tpu.memory_space<vmem>>, vector<16xf32>,
        %add3A_662 = arith.constant 3.000000e+00 : f32
        %add3A_663 = vector.broadcast %add3A_662 : f32 to vector<16xf32>
        %add3A_664 = arith.addf %get3A_661, %add3A_663 : vector<16xf32>
        %mul3A_665 = arith.mulf %add3A_664, %gather3A : vector<16xf32>
        %convert_element_type3A_666 = arith.fptosi %mul3A_665 : vector<16xf32> to vector<16xi32>
        %convert_element_type3A_667 = arith.sitofp %convert_element_type3A_666 : vector<16xi32> to vector<16xf32>
        %sub3A_668 = arith.subf %mul3A_665, %convert_element_type3A_667 : vector<16xf32>
        %get3A_669 = arith.index_cast %mul3A_659 : i32 to index
        %get3A_670 = tpu.vector_load %arg12[%get3A_669] {strides = array<i32>} : memref<8192xf32, #tpu.memory_space<vmem>>, vector<16xf32>,
        %add3A_671 = arith.constant 3.000000e+00 : f32
        %add3A_672 = vector.broadcast %add3A_671 : f32 to vector<16xf32>
        %add3A_673 = arith.addf %get3A_670, %add3A_672 : vector<16xf32>
        %mul3A_674 = arith.mulf %add3A_673, %gather3A : vector<16xf32>
        %convert_element_type3A_675 = arith.fptosi %mul3A_674 : vector<16xf32> to vector<16xi32>
        %convert_element_type3A_676 = arith.sitofp %convert_element_type3A_675 : vector<16xi32> to vector<16xf32>
        %sub3A_677 = arith.subf %mul3A_674, %convert_element_type3A_676 : vector<16xf32>
        %get3A_678 = arith.index_cast %mul3A_659 : i32 to index
        %get3A_679 = tpu.vector_load %arg14[%get3A_678] {strides = array<i32>} : memref<8192xf32, #tpu.memory_space<vmem>>, vector<16xf32>,
        %add3A_680 = arith.constant 3.000000e+00 : f32
        %add3A_681 = vector.broadcast %add3A_680 : f32 to vector<16xf32>
        %add3A_682 = arith.addf %get3A_679, %add3A_681 : vector<16xf32>
        %mul3A_683 = arith.mulf %add3A_682, %gather3A : vector<16xf32>
        %convert_element_type3A_684 = arith.fptosi %mul3A_683 : vector<16xf32> to vector<16xi32>
        %convert_element_type3A_685 = arith.sitofp %convert_element_type3A_684 : vector<16xi32> to vector<16xf32>
        %sub3A_686 = arith.subf %mul3A_683, %convert_element_type3A_685 : vector<16xf32>
        %add3A_687 = arith.constant 1 : i32
        %add3A_688 = vector.broadcast %add3A_687 : i32 to vector<16xi32>
        %add3A_689 = arith.addi %convert_element_type3A_666, %add3A_688 : vector<16xi32>
        %mul3A_690 = arith.constant -1640531535 : i32
        %mul3A_691 = vector.broadcast %mul3A_690 : i32 to vector<16xi32>
        %mul3A_692 = arith.muli %convert_element_type3A_675, %mul3A_691 : vector<16xi32>
        %and3A_693 = arith.constant 16383 : i32
        %and3A_694 = vector.broadcast %and3A_693 : i32 to vector<16xi32>
        %and3A_695 = arith.andi %mul3A_692, %and3A_694 : vector<16xi32>
        %add3A_696 = arith.constant -1640531535 : i32
        %add3A_697 = vector.broadcast %add3A_696 : i32 to vector<16xi32>
        %add3A_698 = arith.addi %and3A_695, %add3A_697 : vector<16xi32>
        %and3A_699 = arith.constant 16383 : i32
        %and3A_700 = vector.broadcast %and3A_699 : i32 to vector<16xi32>
        %and3A_701 = arith.andi %add3A_698, %and3A_700 : vector<16xi32>
        %mul3A_702 = arith.constant 805459861 : i32
        %mul3A_703 = vector.broadcast %mul3A_702 : i32 to vector<16xi32>
        %mul3A_704 = arith.muli %convert_element_type3A_684, %mul3A_703 : vector<16xi32>
        %and3A_705 = arith.constant 16383 : i32
        %and3A_706 = vector.broadcast %and3A_705 : i32 to vector<16xi32>
        %and3A_707 = arith.andi %mul3A_704, %and3A_706 : vector<16xi32>
        %add3A_708 = arith.constant 805459861 : i32
        %add3A_709 = vector.broadcast %add3A_708 : i32 to vector<16xi32>
        %add3A_710 = arith.addi %and3A_707, %add3A_709 : vector<16xi32>
        %and3A_711 = arith.constant 16383 : i32
        %and3A_712 = vector.broadcast %and3A_711 : i32 to vector<16xi32>
        %and3A_713 = arith.andi %add3A_710, %and3A_712 : vector<16xi32>
        %xor3A_714 = arith.xori %convert_element_type3A_666, %and3A_695 : vector<16xi32>
        %xor3A_715 = arith.xori %convert_element_type3A_666, %and3A_701 : vector<16xi32>
        %xor3A_716 = arith.xori %add3A_689, %and3A_695 : vector<16xi32>
        %xor3A_717 = arith.xori %add3A_689, %and3A_701 : vector<16xi32>
        %xor3A_718 = arith.xori %xor3A_714, %and3A_707 : vector<16xi32>
        %xor3A_719 = arith.xori %xor3A_714, %and3A_713 : vector<16xi32>
        %xor3A_720 = arith.xori %xor3A_715, %and3A_707 : vector<16xi32>
        %xor3A_721 = arith.xori %xor3A_715, %and3A_713 : vector<16xi32>
        %xor3A_722 = arith.xori %xor3A_716, %and3A_707 : vector<16xi32>
        %xor3A_723 = arith.xori %xor3A_716, %and3A_713 : vector<16xi32>
        %xor3A_724 = arith.xori %xor3A_717, %and3A_707 : vector<16xi32>
        %xor3A_725 = arith.xori %xor3A_717, %and3A_713 : vector<16xi32>
        %sub3A_726 = arith.constant 1.000000e+00 : f32
        %sub3A_727 = vector.broadcast %sub3A_726 : f32 to vector<16xf32>
        %sub3A_728 = arith.subf %sub3A_727, %sub3A_668 : vector<16xf32>
        %sub3A_729 = arith.constant 1.000000e+00 : f32
        %sub3A_730 = vector.broadcast %sub3A_729 : f32 to vector<16xf32>
        %sub3A_731 = arith.subf %sub3A_730, %sub3A_677 : vector<16xf32>
        %sub3A_732 = arith.constant 1.000000e+00 : f32
        %sub3A_733 = vector.broadcast %sub3A_732 : f32 to vector<16xf32>
        %sub3A_734 = arith.subf %sub3A_733, %sub3A_686 : vector<16xf32>
        %pack3A_735 = tpu.pack_subelements %sub3A_734, %sub3A_734 {pack_format = #tpu.pack_format<interleaved>, positions = array<i32: 0, 1>} : vector<16xf32>, vector<16xf32> -> vector<32xbf16>
        %pack3A_736 = tpu.pack_subelements %sub3A_686, %sub3A_686 {pack_format = #tpu.pack_format<interleaved>, positions = array<i32: 0, 1>} : vector<16xf32>, vector<16xf32> -> vector<32xbf16>
        %pack3A_737 = tpu.pack_subelements %sub3A_731, %sub3A_731 {pack_format = #tpu.pack_format<interleaved>, positions = array<i32: 0, 1>} : vector<16xf32>, vector<16xf32> -> vector<32xbf16>
        %pack3A_738 = tpu.pack_subelements %sub3A_677, %sub3A_677 {pack_format = #tpu.pack_format<interleaved>, positions = array<i32: 0, 1>} : vector<16xf32>, vector<16xf32> -> vector<32xbf16>
        %pack3A_739 = tpu.pack_subelements %sub3A_728, %sub3A_728 {pack_format = #tpu.pack_format<interleaved>, positions = array<i32: 0, 1>} : vector<16xf32>, vector<16xf32> -> vector<32xbf16>
        %pack3A_740 = tpu.pack_subelements %sub3A_668, %sub3A_668 {pack_format = #tpu.pack_format<interleaved>, positions = array<i32: 0, 1>} : vector<16xf32>, vector<16xf32> -> vector<32xbf16>
        %gather3A_741 = tpu.vector_load_idx %arg9[%xor3A_718] : memref<16384xi32, #tpu.memory_space<vmem>>[vector<16xi32>], vector<16xi32>,
        %bitcast3A_742 = vector.bitcast %gather3A_741 : vector<16xi32> to vector<32xbf16>
        %mul3A_743 = arith.mulf %bitcast3A_742, %pack3A_735 : vector<32xbf16>
        %gather3A_744 = tpu.vector_load_idx %arg9[%xor3A_719] : memref<16384xi32, #tpu.memory_space<vmem>>[vector<16xi32>], vector<16xi32>,
        %bitcast3A_745 = vector.bitcast %gather3A_744 : vector<16xi32> to vector<32xbf16>
        %mul3A_746 = arith.mulf %bitcast3A_745, %pack3A_736 : vector<32xbf16>
        %add3A_747 = arith.addf %mul3A_743, %mul3A_746 : vector<32xbf16>
        %gather3A_748 = tpu.vector_load_idx %arg9[%xor3A_720] : memref<16384xi32, #tpu.memory_space<vmem>>[vector<16xi32>], vector<16xi32>,
        %bitcast3A_749 = vector.bitcast %gather3A_748 : vector<16xi32> to vector<32xbf16>
        %mul3A_750 = arith.mulf %bitcast3A_749, %pack3A_735 : vector<32xbf16>
        %gather3A_751 = tpu.vector_load_idx %arg9[%xor3A_721] : memref<16384xi32, #tpu.memory_space<vmem>>[vector<16xi32>], vector<16xi32>,
        %bitcast3A_752 = vector.bitcast %gather3A_751 : vector<16xi32> to vector<32xbf16>
        %mul3A_753 = arith.mulf %bitcast3A_752, %pack3A_736 : vector<32xbf16>
        %add3A_754 = arith.addf %mul3A_750, %mul3A_753 : vector<32xbf16>
        %gather3A_755 = tpu.vector_load_idx %arg9[%xor3A_722] : memref<16384xi32, #tpu.memory_space<vmem>>[vector<16xi32>], vector<16xi32>,
        %bitcast3A_756 = vector.bitcast %gather3A_755 : vector<16xi32> to vector<32xbf16>
        %mul3A_757 = arith.mulf %bitcast3A_756, %pack3A_735 : vector<32xbf16>
        %gather3A_758 = tpu.vector_load_idx %arg9[%xor3A_723] : memref<16384xi32, #tpu.memory_space<vmem>>[vector<16xi32>], vector<16xi32>,
        %bitcast3A_759 = vector.bitcast %gather3A_758 : vector<16xi32> to vector<32xbf16>
        %mul3A_760 = arith.mulf %bitcast3A_759, %pack3A_736 : vector<32xbf16>
        %add3A_761 = arith.addf %mul3A_757, %mul3A_760 : vector<32xbf16>
        %gather3A_762 = tpu.vector_load_idx %arg9[%xor3A_724] : memref<16384xi32, #tpu.memory_space<vmem>>[vector<16xi32>], vector<16xi32>,
        %bitcast3A_763 = vector.bitcast %gather3A_762 : vector<16xi32> to vector<32xbf16>
        %mul3A_764 = arith.mulf %bitcast3A_763, %pack3A_735 : vector<32xbf16>
        %gather3A_765 = tpu.vector_load_idx %arg9[%xor3A_725] : memref<16384xi32, #tpu.memory_space<vmem>>[vector<16xi32>], vector<16xi32>,
        %bitcast3A_766 = vector.bitcast %gather3A_765 : vector<16xi32> to vector<32xbf16>
        %mul3A_767 = arith.mulf %bitcast3A_766, %pack3A_736 : vector<32xbf16>
        %add3A_768 = arith.addf %mul3A_764, %mul3A_767 : vector<32xbf16>
        %mul3A_769 = arith.mulf %add3A_747, %pack3A_737 : vector<32xbf16>
        %mul3A_770 = arith.mulf %add3A_754, %pack3A_738 : vector<32xbf16>
        %add3A_771 = arith.addf %mul3A_769, %mul3A_770 : vector<32xbf16>
        %mul3A_772 = arith.mulf %add3A_761, %pack3A_737 : vector<32xbf16>
        %mul3A_773 = arith.mulf %add3A_768, %pack3A_738 : vector<32xbf16>
        %add3A_774 = arith.addf %mul3A_772, %mul3A_773 : vector<32xbf16>
        %mul3A_775 = arith.mulf %add3A_771, %pack3A_739 : vector<32xbf16>
        %mul3A_776 = arith.mulf %add3A_774, %pack3A_740 : vector<32xbf16>
        %add3A_777 = arith.addf %mul3A_775, %mul3A_776 : vector<32xbf16>
        %unpack3A_778 = tpu.unpack_subelements %add3A_777, 0 {pack_format = #tpu.pack_format<interleaved>} : vector<32xbf16> -> vector<16xf32>
        %unpack3A_779 = tpu.unpack_subelements %add3A_777, 1 {pack_format = #tpu.pack_format<interleaved>} : vector<32xbf16> -> vector<16xf32>
        %swap3A_780 = arith.index_cast %mul3A_659 : i32 to index
        %swap3A_781 = tpu.vector_load %arg16[%swap3A_780] {strides = array<i32>} : memref<8192xf32, #tpu.memory_space<vmem>>, vector<16xf32>,
        tpu.vector_store %arg16[%swap3A_780], %unpack3A_778 {strides = array<i32>} : memref<8192xf32, #tpu.memory_space<vmem>>, vector<16xf32>,
        %swap3A_782 = arith.index_cast %mul3A_659 : i32 to index
        %swap3A_783 = tpu.vector_load %arg18[%swap3A_782] {strides = array<i32>} : memref<8192xf32, #tpu.memory_space<vmem>>, vector<16xf32>,
        tpu.vector_store %arg18[%swap3A_782], %unpack3A_779 {strides = array<i32>} : memref<8192xf32, #tpu.memory_space<vmem>>, vector<16xf32>,
        %scan3A_784 = arith.constant 5 : i32
        %scan3A_785 = arith.addi %scan3A_133, %scan3A_784 : i32
        %mul3A_786 = arith.constant 1 : i32
        %mul3A_787 = arith.muli %scan3A_785, %mul3A_786 : i32
        %add3A_788 = arith.constant 0 : i32
        %add3A_789 = arith.addi %add3A_788, %mul3A_787 : i32
        %mul3A_790 = arith.constant 16 : i32
        %mul3A_791 = arith.muli %add3A_789, %mul3A_790 : i32
        %get3A_792 = arith.index_cast %mul3A_791 : i32 to index
        %get3A_793 = tpu.vector_load %arg10[%get3A_792] {strides = array<i32>} : memref<8192xf32, #tpu.memory_space<vmem>>, vector<16xf32>,
        %add3A_794 = arith.constant 3.000000e+00 : f32
        %add3A_795 = vector.broadcast %add3A_794 : f32 to vector<16xf32>
        %add3A_796 = arith.addf %get3A_793, %add3A_795 : vector<16xf32>
        %mul3A_797 = arith.mulf %add3A_796, %gather3A : vector<16xf32>
        %convert_element_type3A_798 = arith.fptosi %mul3A_797 : vector<16xf32> to vector<16xi32>
        %convert_element_type3A_799 = arith.sitofp %convert_element_type3A_798 : vector<16xi32> to vector<16xf32>
        %sub3A_800 = arith.subf %mul3A_797, %convert_element_type3A_799 : vector<16xf32>
        %get3A_801 = arith.index_cast %mul3A_791 : i32 to index
        %get3A_802 = tpu.vector_load %arg12[%get3A_801] {strides = array<i32>} : memref<8192xf32, #tpu.memory_space<vmem>>, vector<16xf32>,
        %add3A_803 = arith.constant 3.000000e+00 : f32
        %add3A_804 = vector.broadcast %add3A_803 : f32 to vector<16xf32>
        %add3A_805 = arith.addf %get3A_802, %add3A_804 : vector<16xf32>
        %mul3A_806 = arith.mulf %add3A_805, %gather3A : vector<16xf32>
        %convert_element_type3A_807 = arith.fptosi %mul3A_806 : vector<16xf32> to vector<16xi32>
        %convert_element_type3A_808 = arith.sitofp %convert_element_type3A_807 : vector<16xi32> to vector<16xf32>
        %sub3A_809 = arith.subf %mul3A_806, %convert_element_type3A_808 : vector<16xf32>
        %get3A_810 = arith.index_cast %mul3A_791 : i32 to index
        %get3A_811 = tpu.vector_load %arg14[%get3A_810] {strides = array<i32>} : memref<8192xf32, #tpu.memory_space<vmem>>, vector<16xf32>,
        %add3A_812 = arith.constant 3.000000e+00 : f32
        %add3A_813 = vector.broadcast %add3A_812 : f32 to vector<16xf32>
        %add3A_814 = arith.addf %get3A_811, %add3A_813 : vector<16xf32>
        %mul3A_815 = arith.mulf %add3A_814, %gather3A : vector<16xf32>
        %convert_element_type3A_816 = arith.fptosi %mul3A_815 : vector<16xf32> to vector<16xi32>
        %convert_element_type3A_817 = arith.sitofp %convert_element_type3A_816 : vector<16xi32> to vector<16xf32>
        %sub3A_818 = arith.subf %mul3A_815, %convert_element_type3A_817 : vector<16xf32>
        %add3A_819 = arith.constant 1 : i32
        %add3A_820 = vector.broadcast %add3A_819 : i32 to vector<16xi32>
        %add3A_821 = arith.addi %convert_element_type3A_798, %add3A_820 : vector<16xi32>
        %mul3A_822 = arith.constant -1640531535 : i32
        %mul3A_823 = vector.broadcast %mul3A_822 : i32 to vector<16xi32>
        %mul3A_824 = arith.muli %convert_element_type3A_807, %mul3A_823 : vector<16xi32>
        %and3A_825 = arith.constant 16383 : i32
        %and3A_826 = vector.broadcast %and3A_825 : i32 to vector<16xi32>
        %and3A_827 = arith.andi %mul3A_824, %and3A_826 : vector<16xi32>
        %add3A_828 = arith.constant -1640531535 : i32
        %add3A_829 = vector.broadcast %add3A_828 : i32 to vector<16xi32>
        %add3A_830 = arith.addi %and3A_827, %add3A_829 : vector<16xi32>
        %and3A_831 = arith.constant 16383 : i32
        %and3A_832 = vector.broadcast %and3A_831 : i32 to vector<16xi32>
        %and3A_833 = arith.andi %add3A_830, %and3A_832 : vector<16xi32>
        %mul3A_834 = arith.constant 805459861 : i32
        %mul3A_835 = vector.broadcast %mul3A_834 : i32 to vector<16xi32>
        %mul3A_836 = arith.muli %convert_element_type3A_816, %mul3A_835 : vector<16xi32>
        %and3A_837 = arith.constant 16383 : i32
        %and3A_838 = vector.broadcast %and3A_837 : i32 to vector<16xi32>
        %and3A_839 = arith.andi %mul3A_836, %and3A_838 : vector<16xi32>
        %add3A_840 = arith.constant 805459861 : i32
        %add3A_841 = vector.broadcast %add3A_840 : i32 to vector<16xi32>
        %add3A_842 = arith.addi %and3A_839, %add3A_841 : vector<16xi32>
        %and3A_843 = arith.constant 16383 : i32
        %and3A_844 = vector.broadcast %and3A_843 : i32 to vector<16xi32>
        %and3A_845 = arith.andi %add3A_842, %and3A_844 : vector<16xi32>
        %xor3A_846 = arith.xori %convert_element_type3A_798, %and3A_827 : vector<16xi32>
        %xor3A_847 = arith.xori %convert_element_type3A_798, %and3A_833 : vector<16xi32>
        %xor3A_848 = arith.xori %add3A_821, %and3A_827 : vector<16xi32>
        %xor3A_849 = arith.xori %add3A_821, %and3A_833 : vector<16xi32>
        %xor3A_850 = arith.xori %xor3A_846, %and3A_839 : vector<16xi32>
        %xor3A_851 = arith.xori %xor3A_846, %and3A_845 : vector<16xi32>
        %xor3A_852 = arith.xori %xor3A_847, %and3A_839 : vector<16xi32>
        %xor3A_853 = arith.xori %xor3A_847, %and3A_845 : vector<16xi32>
        %xor3A_854 = arith.xori %xor3A_848, %and3A_839 : vector<16xi32>
        %xor3A_855 = arith.xori %xor3A_848, %and3A_845 : vector<16xi32>
        %xor3A_856 = arith.xori %xor3A_849, %and3A_839 : vector<16xi32>
        %xor3A_857 = arith.xori %xor3A_849, %and3A_845 : vector<16xi32>
        %sub3A_858 = arith.constant 1.000000e+00 : f32
        %sub3A_859 = vector.broadcast %sub3A_858 : f32 to vector<16xf32>
        %sub3A_860 = arith.subf %sub3A_859, %sub3A_800 : vector<16xf32>
        %sub3A_861 = arith.constant 1.000000e+00 : f32
        %sub3A_862 = vector.broadcast %sub3A_861 : f32 to vector<16xf32>
        %sub3A_863 = arith.subf %sub3A_862, %sub3A_809 : vector<16xf32>
        %sub3A_864 = arith.constant 1.000000e+00 : f32
        %sub3A_865 = vector.broadcast %sub3A_864 : f32 to vector<16xf32>
        %sub3A_866 = arith.subf %sub3A_865, %sub3A_818 : vector<16xf32>
        %pack3A_867 = tpu.pack_subelements %sub3A_866, %sub3A_866 {pack_format = #tpu.pack_format<interleaved>, positions = array<i32: 0, 1>} : vector<16xf32>, vector<16xf32> -> vector<32xbf16>
        %pack3A_868 = tpu.pack_subelements %sub3A_818, %sub3A_818 {pack_format = #tpu.pack_format<interleaved>, positions = array<i32: 0, 1>} : vector<16xf32>, vector<16xf32> -> vector<32xbf16>
        %pack3A_869 = tpu.pack_subelements %sub3A_863, %sub3A_863 {pack_format = #tpu.pack_format<interleaved>, positions = array<i32: 0, 1>} : vector<16xf32>, vector<16xf32> -> vector<32xbf16>
        %pack3A_870 = tpu.pack_subelements %sub3A_809, %sub3A_809 {pack_format = #tpu.pack_format<interleaved>, positions = array<i32: 0, 1>} : vector<16xf32>, vector<16xf32> -> vector<32xbf16>
        %pack3A_871 = tpu.pack_subelements %sub3A_860, %sub3A_860 {pack_format = #tpu.pack_format<interleaved>, positions = array<i32: 0, 1>} : vector<16xf32>, vector<16xf32> -> vector<32xbf16>
        %pack3A_872 = tpu.pack_subelements %sub3A_800, %sub3A_800 {pack_format = #tpu.pack_format<interleaved>, positions = array<i32: 0, 1>} : vector<16xf32>, vector<16xf32> -> vector<32xbf16>
        %gather3A_873 = tpu.vector_load_idx %arg9[%xor3A_850] : memref<16384xi32, #tpu.memory_space<vmem>>[vector<16xi32>], vector<16xi32>,
        %bitcast3A_874 = vector.bitcast %gather3A_873 : vector<16xi32> to vector<32xbf16>
        %mul3A_875 = arith.mulf %bitcast3A_874, %pack3A_867 : vector<32xbf16>
        %gather3A_876 = tpu.vector_load_idx %arg9[%xor3A_851] : memref<16384xi32, #tpu.memory_space<vmem>>[vector<16xi32>], vector<16xi32>,
        %bitcast3A_877 = vector.bitcast %gather3A_876 : vector<16xi32> to vector<32xbf16>
        %mul3A_878 = arith.mulf %bitcast3A_877, %pack3A_868 : vector<32xbf16>
        %add3A_879 = arith.addf %mul3A_875, %mul3A_878 : vector<32xbf16>
        %gather3A_880 = tpu.vector_load_idx %arg9[%xor3A_852] : memref<16384xi32, #tpu.memory_space<vmem>>[vector<16xi32>], vector<16xi32>,
        %bitcast3A_881 = vector.bitcast %gather3A_880 : vector<16xi32> to vector<32xbf16>
        %mul3A_882 = arith.mulf %bitcast3A_881, %pack3A_867 : vector<32xbf16>
        %gather3A_883 = tpu.vector_load_idx %arg9[%xor3A_853] : memref<16384xi32, #tpu.memory_space<vmem>>[vector<16xi32>], vector<16xi32>,
        %bitcast3A_884 = vector.bitcast %gather3A_883 : vector<16xi32> to vector<32xbf16>
        %mul3A_885 = arith.mulf %bitcast3A_884, %pack3A_868 : vector<32xbf16>
        %add3A_886 = arith.addf %mul3A_882, %mul3A_885 : vector<32xbf16>
        %gather3A_887 = tpu.vector_load_idx %arg9[%xor3A_854] : memref<16384xi32, #tpu.memory_space<vmem>>[vector<16xi32>], vector<16xi32>,
        %bitcast3A_888 = vector.bitcast %gather3A_887 : vector<16xi32> to vector<32xbf16>
        %mul3A_889 = arith.mulf %bitcast3A_888, %pack3A_867 : vector<32xbf16>
        %gather3A_890 = tpu.vector_load_idx %arg9[%xor3A_855] : memref<16384xi32, #tpu.memory_space<vmem>>[vector<16xi32>], vector<16xi32>,
        %bitcast3A_891 = vector.bitcast %gather3A_890 : vector<16xi32> to vector<32xbf16>
        %mul3A_892 = arith.mulf %bitcast3A_891, %pack3A_868 : vector<32xbf16>
        %add3A_893 = arith.addf %mul3A_889, %mul3A_892 : vector<32xbf16>
        %gather3A_894 = tpu.vector_load_idx %arg9[%xor3A_856] : memref<16384xi32, #tpu.memory_space<vmem>>[vector<16xi32>], vector<16xi32>,
        %bitcast3A_895 = vector.bitcast %gather3A_894 : vector<16xi32> to vector<32xbf16>
        %mul3A_896 = arith.mulf %bitcast3A_895, %pack3A_867 : vector<32xbf16>
        %gather3A_897 = tpu.vector_load_idx %arg9[%xor3A_857] : memref<16384xi32, #tpu.memory_space<vmem>>[vector<16xi32>], vector<16xi32>,
        %bitcast3A_898 = vector.bitcast %gather3A_897 : vector<16xi32> to vector<32xbf16>
        %mul3A_899 = arith.mulf %bitcast3A_898, %pack3A_868 : vector<32xbf16>
        %add3A_900 = arith.addf %mul3A_896, %mul3A_899 : vector<32xbf16>
        %mul3A_901 = arith.mulf %add3A_879, %pack3A_869 : vector<32xbf16>
        %mul3A_902 = arith.mulf %add3A_886, %pack3A_870 : vector<32xbf16>
        %add3A_903 = arith.addf %mul3A_901, %mul3A_902 : vector<32xbf16>
        %mul3A_904 = arith.mulf %add3A_893, %pack3A_869 : vector<32xbf16>
        %mul3A_905 = arith.mulf %add3A_900, %pack3A_870 : vector<32xbf16>
        %add3A_906 = arith.addf %mul3A_904, %mul3A_905 : vector<32xbf16>
        %mul3A_907 = arith.mulf %add3A_903, %pack3A_871 : vector<32xbf16>
        %mul3A_908 = arith.mulf %add3A_906, %pack3A_872 : vector<32xbf16>
        %add3A_909 = arith.addf %mul3A_907, %mul3A_908 : vector<32xbf16>
        %unpack3A_910 = tpu.unpack_subelements %add3A_909, 0 {pack_format = #tpu.pack_format<interleaved>} : vector<32xbf16> -> vector<16xf32>
        %unpack3A_911 = tpu.unpack_subelements %add3A_909, 1 {pack_format = #tpu.pack_format<interleaved>} : vector<32xbf16> -> vector<16xf32>
        %swap3A_912 = arith.index_cast %mul3A_791 : i32 to index
        %swap3A_913 = tpu.vector_load %arg16[%swap3A_912] {strides = array<i32>} : memref<8192xf32, #tpu.memory_space<vmem>>, vector<16xf32>,
        tpu.vector_store %arg16[%swap3A_912], %unpack3A_910 {strides = array<i32>} : memref<8192xf32, #tpu.memory_space<vmem>>, vector<16xf32>,
        %swap3A_914 = arith.index_cast %mul3A_791 : i32 to index
        %swap3A_915 = tpu.vector_load %arg18[%swap3A_914] {strides = array<i32>} : memref<8192xf32, #tpu.memory_space<vmem>>, vector<16xf32>,
        tpu.vector_store %arg18[%swap3A_914], %unpack3A_911 {strides = array<i32>} : memref<8192xf32, #tpu.memory_space<vmem>>, vector<16xf32>,
        %scan3A_916 = arith.constant 6 : i32
        %scan3A_917 = arith.addi %scan3A_133, %scan3A_916 : i32
        %mul3A_918 = arith.constant 1 : i32
        %mul3A_919 = arith.muli %scan3A_917, %mul3A_918 : i32
        %add3A_920 = arith.constant 0 : i32
        %add3A_921 = arith.addi %add3A_920, %mul3A_919 : i32
        %mul3A_922 = arith.constant 16 : i32
        %mul3A_923 = arith.muli %add3A_921, %mul3A_922 : i32
        %get3A_924 = arith.index_cast %mul3A_923 : i32 to index
        %get3A_925 = tpu.vector_load %arg10[%get3A_924] {strides = array<i32>} : memref<8192xf32, #tpu.memory_space<vmem>>, vector<16xf32>,
        %add3A_926 = arith.constant 3.000000e+00 : f32
        %add3A_927 = vector.broadcast %add3A_926 : f32 to vector<16xf32>
        %add3A_928 = arith.addf %get3A_925, %add3A_927 : vector<16xf32>
        %mul3A_929 = arith.mulf %add3A_928, %gather3A : vector<16xf32>
        %convert_element_type3A_930 = arith.fptosi %mul3A_929 : vector<16xf32> to vector<16xi32>
        %convert_element_type3A_931 = arith.sitofp %convert_element_type3A_930 : vector<16xi32> to vector<16xf32>
        %sub3A_932 = arith.subf %mul3A_929, %convert_element_type3A_931 : vector<16xf32>
        %get3A_933 = arith.index_cast %mul3A_923 : i32 to index
        %get3A_934 = tpu.vector_load %arg12[%get3A_933] {strides = array<i32>} : memref<8192xf32, #tpu.memory_space<vmem>>, vector<16xf32>,
        %add3A_935 = arith.constant 3.000000e+00 : f32
        %add3A_936 = vector.broadcast %add3A_935 : f32 to vector<16xf32>
        %add3A_937 = arith.addf %get3A_934, %add3A_936 : vector<16xf32>
        %mul3A_938 = arith.mulf %add3A_937, %gather3A : vector<16xf32>
        %convert_element_type3A_939 = arith.fptosi %mul3A_938 : vector<16xf32> to vector<16xi32>
        %convert_element_type3A_940 = arith.sitofp %convert_element_type3A_939 : vector<16xi32> to vector<16xf32>
        %sub3A_941 = arith.subf %mul3A_938, %convert_element_type3A_940 : vector<16xf32>
        %get3A_942 = arith.index_cast %mul3A_923 : i32 to index
        %get3A_943 = tpu.vector_load %arg14[%get3A_942] {strides = array<i32>} : memref<8192xf32, #tpu.memory_space<vmem>>, vector<16xf32>,
        %add3A_944 = arith.constant 3.000000e+00 : f32
        %add3A_945 = vector.broadcast %add3A_944 : f32 to vector<16xf32>
        %add3A_946 = arith.addf %get3A_943, %add3A_945 : vector<16xf32>
        %mul3A_947 = arith.mulf %add3A_946, %gather3A : vector<16xf32>
        %convert_element_type3A_948 = arith.fptosi %mul3A_947 : vector<16xf32> to vector<16xi32>
        %convert_element_type3A_949 = arith.sitofp %convert_element_type3A_948 : vector<16xi32> to vector<16xf32>
        %sub3A_950 = arith.subf %mul3A_947, %convert_element_type3A_949 : vector<16xf32>
        %add3A_951 = arith.constant 1 : i32
        %add3A_952 = vector.broadcast %add3A_951 : i32 to vector<16xi32>
        %add3A_953 = arith.addi %convert_element_type3A_930, %add3A_952 : vector<16xi32>
        %mul3A_954 = arith.constant -1640531535 : i32
        %mul3A_955 = vector.broadcast %mul3A_954 : i32 to vector<16xi32>
        %mul3A_956 = arith.muli %convert_element_type3A_939, %mul3A_955 : vector<16xi32>
        %and3A_957 = arith.constant 16383 : i32
        %and3A_958 = vector.broadcast %and3A_957 : i32 to vector<16xi32>
        %and3A_959 = arith.andi %mul3A_956, %and3A_958 : vector<16xi32>
        %add3A_960 = arith.constant -1640531535 : i32
        %add3A_961 = vector.broadcast %add3A_960 : i32 to vector<16xi32>
        %add3A_962 = arith.addi %and3A_959, %add3A_961 : vector<16xi32>
        %and3A_963 = arith.constant 16383 : i32
        %and3A_964 = vector.broadcast %and3A_963 : i32 to vector<16xi32>
        %and3A_965 = arith.andi %add3A_962, %and3A_964 : vector<16xi32>
        %mul3A_966 = arith.constant 805459861 : i32
        %mul3A_967 = vector.broadcast %mul3A_966 : i32 to vector<16xi32>
        %mul3A_968 = arith.muli %convert_element_type3A_948, %mul3A_967 : vector<16xi32>
        %and3A_969 = arith.constant 16383 : i32
        %and3A_970 = vector.broadcast %and3A_969 : i32 to vector<16xi32>
        %and3A_971 = arith.andi %mul3A_968, %and3A_970 : vector<16xi32>
        %add3A_972 = arith.constant 805459861 : i32
        %add3A_973 = vector.broadcast %add3A_972 : i32 to vector<16xi32>
        %add3A_974 = arith.addi %and3A_971, %add3A_973 : vector<16xi32>
        %and3A_975 = arith.constant 16383 : i32
        %and3A_976 = vector.broadcast %and3A_975 : i32 to vector<16xi32>
        %and3A_977 = arith.andi %add3A_974, %and3A_976 : vector<16xi32>
        %xor3A_978 = arith.xori %convert_element_type3A_930, %and3A_959 : vector<16xi32>
        %xor3A_979 = arith.xori %convert_element_type3A_930, %and3A_965 : vector<16xi32>
        %xor3A_980 = arith.xori %add3A_953, %and3A_959 : vector<16xi32>
        %xor3A_981 = arith.xori %add3A_953, %and3A_965 : vector<16xi32>
        %xor3A_982 = arith.xori %xor3A_978, %and3A_971 : vector<16xi32>
        %xor3A_983 = arith.xori %xor3A_978, %and3A_977 : vector<16xi32>
        %xor3A_984 = arith.xori %xor3A_979, %and3A_971 : vector<16xi32>
        %xor3A_985 = arith.xori %xor3A_979, %and3A_977 : vector<16xi32>
        %xor3A_986 = arith.xori %xor3A_980, %and3A_971 : vector<16xi32>
        %xor3A_987 = arith.xori %xor3A_980, %and3A_977 : vector<16xi32>
        %xor3A_988 = arith.xori %xor3A_981, %and3A_971 : vector<16xi32>
        %xor3A_989 = arith.xori %xor3A_981, %and3A_977 : vector<16xi32>
        %sub3A_990 = arith.constant 1.000000e+00 : f32
        %sub3A_991 = vector.broadcast %sub3A_990 : f32 to vector<16xf32>
        %sub3A_992 = arith.subf %sub3A_991, %sub3A_932 : vector<16xf32>
        %sub3A_993 = arith.constant 1.000000e+00 : f32
        %sub3A_994 = vector.broadcast %sub3A_993 : f32 to vector<16xf32>
        %sub3A_995 = arith.subf %sub3A_994, %sub3A_941 : vector<16xf32>
        %sub3A_996 = arith.constant 1.000000e+00 : f32
        %sub3A_997 = vector.broadcast %sub3A_996 : f32 to vector<16xf32>
        %sub3A_998 = arith.subf %sub3A_997, %sub3A_950 : vector<16xf32>
        %pack3A_999 = tpu.pack_subelements %sub3A_998, %sub3A_998 {pack_format = #tpu.pack_format<interleaved>, positions = array<i32: 0, 1>} : vector<16xf32>, vector<16xf32> -> vector<32xbf16>
        %pack3A_1000 = tpu.pack_subelements %sub3A_950, %sub3A_950 {pack_format = #tpu.pack_format<interleaved>, positions = array<i32: 0, 1>} : vector<16xf32>, vector<16xf32> -> vector<32xbf16>
        %pack3A_1001 = tpu.pack_subelements %sub3A_995, %sub3A_995 {pack_format = #tpu.pack_format<interleaved>, positions = array<i32: 0, 1>} : vector<16xf32>, vector<16xf32> -> vector<32xbf16>
        %pack3A_1002 = tpu.pack_subelements %sub3A_941, %sub3A_941 {pack_format = #tpu.pack_format<interleaved>, positions = array<i32: 0, 1>} : vector<16xf32>, vector<16xf32> -> vector<32xbf16>
        %pack3A_1003 = tpu.pack_subelements %sub3A_992, %sub3A_992 {pack_format = #tpu.pack_format<interleaved>, positions = array<i32: 0, 1>} : vector<16xf32>, vector<16xf32> -> vector<32xbf16>
        %pack3A_1004 = tpu.pack_subelements %sub3A_932, %sub3A_932 {pack_format = #tpu.pack_format<interleaved>, positions = array<i32: 0, 1>} : vector<16xf32>, vector<16xf32> -> vector<32xbf16>
        %gather3A_1005 = tpu.vector_load_idx %arg9[%xor3A_982] : memref<16384xi32, #tpu.memory_space<vmem>>[vector<16xi32>], vector<16xi32>,
        %bitcast3A_1006 = vector.bitcast %gather3A_1005 : vector<16xi32> to vector<32xbf16>
        %mul3A_1007 = arith.mulf %bitcast3A_1006, %pack3A_999 : vector<32xbf16>
        %gather3A_1008 = tpu.vector_load_idx %arg9[%xor3A_983] : memref<16384xi32, #tpu.memory_space<vmem>>[vector<16xi32>], vector<16xi32>,
        %bitcast3A_1009 = vector.bitcast %gather3A_1008 : vector<16xi32> to vector<32xbf16>
        %mul3A_1010 = arith.mulf %bitcast3A_1009, %pack3A_1000 : vector<32xbf16>
        %add3A_1011 = arith.addf %mul3A_1007, %mul3A_1010 : vector<32xbf16>
        %gather3A_1012 = tpu.vector_load_idx %arg9[%xor3A_984] : memref<16384xi32, #tpu.memory_space<vmem>>[vector<16xi32>], vector<16xi32>,
        %bitcast3A_1013 = vector.bitcast %gather3A_1012 : vector<16xi32> to vector<32xbf16>
        %mul3A_1014 = arith.mulf %bitcast3A_1013, %pack3A_999 : vector<32xbf16>
        %gather3A_1015 = tpu.vector_load_idx %arg9[%xor3A_985] : memref<16384xi32, #tpu.memory_space<vmem>>[vector<16xi32>], vector<16xi32>,
        %bitcast3A_1016 = vector.bitcast %gather3A_1015 : vector<16xi32> to vector<32xbf16>
        %mul3A_1017 = arith.mulf %bitcast3A_1016, %pack3A_1000 : vector<32xbf16>
        %add3A_1018 = arith.addf %mul3A_1014, %mul3A_1017 : vector<32xbf16>
        %gather3A_1019 = tpu.vector_load_idx %arg9[%xor3A_986] : memref<16384xi32, #tpu.memory_space<vmem>>[vector<16xi32>], vector<16xi32>,
        %bitcast3A_1020 = vector.bitcast %gather3A_1019 : vector<16xi32> to vector<32xbf16>
        %mul3A_1021 = arith.mulf %bitcast3A_1020, %pack3A_999 : vector<32xbf16>
        %gather3A_1022 = tpu.vector_load_idx %arg9[%xor3A_987] : memref<16384xi32, #tpu.memory_space<vmem>>[vector<16xi32>], vector<16xi32>,
        %bitcast3A_1023 = vector.bitcast %gather3A_1022 : vector<16xi32> to vector<32xbf16>
        %mul3A_1024 = arith.mulf %bitcast3A_1023, %pack3A_1000 : vector<32xbf16>
        %add3A_1025 = arith.addf %mul3A_1021, %mul3A_1024 : vector<32xbf16>
        %gather3A_1026 = tpu.vector_load_idx %arg9[%xor3A_988] : memref<16384xi32, #tpu.memory_space<vmem>>[vector<16xi32>], vector<16xi32>,
        %bitcast3A_1027 = vector.bitcast %gather3A_1026 : vector<16xi32> to vector<32xbf16>
        %mul3A_1028 = arith.mulf %bitcast3A_1027, %pack3A_999 : vector<32xbf16>
        %gather3A_1029 = tpu.vector_load_idx %arg9[%xor3A_989] : memref<16384xi32, #tpu.memory_space<vmem>>[vector<16xi32>], vector<16xi32>,
        %bitcast3A_1030 = vector.bitcast %gather3A_1029 : vector<16xi32> to vector<32xbf16>
        %mul3A_1031 = arith.mulf %bitcast3A_1030, %pack3A_1000 : vector<32xbf16>
        %add3A_1032 = arith.addf %mul3A_1028, %mul3A_1031 : vector<32xbf16>
        %mul3A_1033 = arith.mulf %add3A_1011, %pack3A_1001 : vector<32xbf16>
        %mul3A_1034 = arith.mulf %add3A_1018, %pack3A_1002 : vector<32xbf16>
        %add3A_1035 = arith.addf %mul3A_1033, %mul3A_1034 : vector<32xbf16>
        %mul3A_1036 = arith.mulf %add3A_1025, %pack3A_1001 : vector<32xbf16>
        %mul3A_1037 = arith.mulf %add3A_1032, %pack3A_1002 : vector<32xbf16>
        %add3A_1038 = arith.addf %mul3A_1036, %mul3A_1037 : vector<32xbf16>
        %mul3A_1039 = arith.mulf %add3A_1035, %pack3A_1003 : vector<32xbf16>
        %mul3A_1040 = arith.mulf %add3A_1038, %pack3A_1004 : vector<32xbf16>
        %add3A_1041 = arith.addf %mul3A_1039, %mul3A_1040 : vector<32xbf16>
        %unpack3A_1042 = tpu.unpack_subelements %add3A_1041, 0 {pack_format = #tpu.pack_format<interleaved>} : vector<32xbf16> -> vector<16xf32>
        %unpack3A_1043 = tpu.unpack_subelements %add3A_1041, 1 {pack_format = #tpu.pack_format<interleaved>} : vector<32xbf16> -> vector<16xf32>
        %swap3A_1044 = arith.index_cast %mul3A_923 : i32 to index
        %swap3A_1045 = tpu.vector_load %arg16[%swap3A_1044] {strides = array<i32>} : memref<8192xf32, #tpu.memory_space<vmem>>, vector<16xf32>,
        tpu.vector_store %arg16[%swap3A_1044], %unpack3A_1042 {strides = array<i32>} : memref<8192xf32, #tpu.memory_space<vmem>>, vector<16xf32>,
        %swap3A_1046 = arith.index_cast %mul3A_923 : i32 to index
        %swap3A_1047 = tpu.vector_load %arg18[%swap3A_1046] {strides = array<i32>} : memref<8192xf32, #tpu.memory_space<vmem>>, vector<16xf32>,
        tpu.vector_store %arg18[%swap3A_1046], %unpack3A_1043 {strides = array<i32>} : memref<8192xf32, #tpu.memory_space<vmem>>, vector<16xf32>,
        %scan3A_1048 = arith.constant 7 : i32
        %scan3A_1049 = arith.addi %scan3A_133, %scan3A_1048 : i32
        %mul3A_1050 = arith.constant 1 : i32
        %mul3A_1051 = arith.muli %scan3A_1049, %mul3A_1050 : i32
        %add3A_1052 = arith.constant 0 : i32
        %add3A_1053 = arith.addi %add3A_1052, %mul3A_1051 : i32
        %mul3A_1054 = arith.constant 16 : i32
        %mul3A_1055 = arith.muli %add3A_1053, %mul3A_1054 : i32
        %get3A_1056 = arith.index_cast %mul3A_1055 : i32 to index
        %get3A_1057 = tpu.vector_load %arg10[%get3A_1056] {strides = array<i32>} : memref<8192xf32, #tpu.memory_space<vmem>>, vector<16xf32>,
        %add3A_1058 = arith.constant 3.000000e+00 : f32
        %add3A_1059 = vector.broadcast %add3A_1058 : f32 to vector<16xf32>
        %add3A_1060 = arith.addf %get3A_1057, %add3A_1059 : vector<16xf32>
        %mul3A_1061 = arith.mulf %add3A_1060, %gather3A : vector<16xf32>
        %convert_element_type3A_1062 = arith.fptosi %mul3A_1061 : vector<16xf32> to vector<16xi32>
        %convert_element_type3A_1063 = arith.sitofp %convert_element_type3A_1062 : vector<16xi32> to vector<16xf32>
        %sub3A_1064 = arith.subf %mul3A_1061, %convert_element_type3A_1063 : vector<16xf32>
        %get3A_1065 = arith.index_cast %mul3A_1055 : i32 to index
        %get3A_1066 = tpu.vector_load %arg12[%get3A_1065] {strides = array<i32>} : memref<8192xf32, #tpu.memory_space<vmem>>, vector<16xf32>,
        %add3A_1067 = arith.constant 3.000000e+00 : f32
        %add3A_1068 = vector.broadcast %add3A_1067 : f32 to vector<16xf32>
        %add3A_1069 = arith.addf %get3A_1066, %add3A_1068 : vector<16xf32>
        %mul3A_1070 = arith.mulf %add3A_1069, %gather3A : vector<16xf32>
        %convert_element_type3A_1071 = arith.fptosi %mul3A_1070 : vector<16xf32> to vector<16xi32>
        %convert_element_type3A_1072 = arith.sitofp %convert_element_type3A_1071 : vector<16xi32> to vector<16xf32>
        %sub3A_1073 = arith.subf %mul3A_1070, %convert_element_type3A_1072 : vector<16xf32>
        %get3A_1074 = arith.index_cast %mul3A_1055 : i32 to index
        %get3A_1075 = tpu.vector_load %arg14[%get3A_1074] {strides = array<i32>} : memref<8192xf32, #tpu.memory_space<vmem>>, vector<16xf32>,
        %add3A_1076 = arith.constant 3.000000e+00 : f32
        %add3A_1077 = vector.broadcast %add3A_1076 : f32 to vector<16xf32>
        %add3A_1078 = arith.addf %get3A_1075, %add3A_1077 : vector<16xf32>
        %mul3A_1079 = arith.mulf %add3A_1078, %gather3A : vector<16xf32>
        %convert_element_type3A_1080 = arith.fptosi %mul3A_1079 : vector<16xf32> to vector<16xi32>
        %convert_element_type3A_1081 = arith.sitofp %convert_element_type3A_1080 : vector<16xi32> to vector<16xf32>
        %sub3A_1082 = arith.subf %mul3A_1079, %convert_element_type3A_1081 : vector<16xf32>
        %add3A_1083 = arith.constant 1 : i32
        %add3A_1084 = vector.broadcast %add3A_1083 : i32 to vector<16xi32>
        %add3A_1085 = arith.addi %convert_element_type3A_1062, %add3A_1084 : vector<16xi32>
        %mul3A_1086 = arith.constant -1640531535 : i32
        %mul3A_1087 = vector.broadcast %mul3A_1086 : i32 to vector<16xi32>
        %mul3A_1088 = arith.muli %convert_element_type3A_1071, %mul3A_1087 : vector<16xi32>
        %and3A_1089 = arith.constant 16383 : i32
        %and3A_1090 = vector.broadcast %and3A_1089 : i32 to vector<16xi32>
        %and3A_1091 = arith.andi %mul3A_1088, %and3A_1090 : vector<16xi32>
        %add3A_1092 = arith.constant -1640531535 : i32
        %add3A_1093 = vector.broadcast %add3A_1092 : i32 to vector<16xi32>
        %add3A_1094 = arith.addi %and3A_1091, %add3A_1093 : vector<16xi32>
        %and3A_1095 = arith.constant 16383 : i32
        %and3A_1096 = vector.broadcast %and3A_1095 : i32 to vector<16xi32>
        %and3A_1097 = arith.andi %add3A_1094, %and3A_1096 : vector<16xi32>
        %mul3A_1098 = arith.constant 805459861 : i32
        %mul3A_1099 = vector.broadcast %mul3A_1098 : i32 to vector<16xi32>
        %mul3A_1100 = arith.muli %convert_element_type3A_1080, %mul3A_1099 : vector<16xi32>
        %and3A_1101 = arith.constant 16383 : i32
        %and3A_1102 = vector.broadcast %and3A_1101 : i32 to vector<16xi32>
        %and3A_1103 = arith.andi %mul3A_1100, %and3A_1102 : vector<16xi32>
        %add3A_1104 = arith.constant 805459861 : i32
        %add3A_1105 = vector.broadcast %add3A_1104 : i32 to vector<16xi32>
        %add3A_1106 = arith.addi %and3A_1103, %add3A_1105 : vector<16xi32>
        %and3A_1107 = arith.constant 16383 : i32
        %and3A_1108 = vector.broadcast %and3A_1107 : i32 to vector<16xi32>
        %and3A_1109 = arith.andi %add3A_1106, %and3A_1108 : vector<16xi32>
        %xor3A_1110 = arith.xori %convert_element_type3A_1062, %and3A_1091 : vector<16xi32>
        %xor3A_1111 = arith.xori %convert_element_type3A_1062, %and3A_1097 : vector<16xi32>
        %xor3A_1112 = arith.xori %add3A_1085, %and3A_1091 : vector<16xi32>
        %xor3A_1113 = arith.xori %add3A_1085, %and3A_1097 : vector<16xi32>
        %xor3A_1114 = arith.xori %xor3A_1110, %and3A_1103 : vector<16xi32>
        %xor3A_1115 = arith.xori %xor3A_1110, %and3A_1109 : vector<16xi32>
        %xor3A_1116 = arith.xori %xor3A_1111, %and3A_1103 : vector<16xi32>
        %xor3A_1117 = arith.xori %xor3A_1111, %and3A_1109 : vector<16xi32>
        %xor3A_1118 = arith.xori %xor3A_1112, %and3A_1103 : vector<16xi32>
        %xor3A_1119 = arith.xori %xor3A_1112, %and3A_1109 : vector<16xi32>
        %xor3A_1120 = arith.xori %xor3A_1113, %and3A_1103 : vector<16xi32>
        %xor3A_1121 = arith.xori %xor3A_1113, %and3A_1109 : vector<16xi32>
        %sub3A_1122 = arith.constant 1.000000e+00 : f32
        %sub3A_1123 = vector.broadcast %sub3A_1122 : f32 to vector<16xf32>
        %sub3A_1124 = arith.subf %sub3A_1123, %sub3A_1064 : vector<16xf32>
        %sub3A_1125 = arith.constant 1.000000e+00 : f32
        %sub3A_1126 = vector.broadcast %sub3A_1125 : f32 to vector<16xf32>
        %sub3A_1127 = arith.subf %sub3A_1126, %sub3A_1073 : vector<16xf32>
        %sub3A_1128 = arith.constant 1.000000e+00 : f32
        %sub3A_1129 = vector.broadcast %sub3A_1128 : f32 to vector<16xf32>
        %sub3A_1130 = arith.subf %sub3A_1129, %sub3A_1082 : vector<16xf32>
        %pack3A_1131 = tpu.pack_subelements %sub3A_1130, %sub3A_1130 {pack_format = #tpu.pack_format<interleaved>, positions = array<i32: 0, 1>} : vector<16xf32>, vector<16xf32> -> vector<32xbf16>
        %pack3A_1132 = tpu.pack_subelements %sub3A_1082, %sub3A_1082 {pack_format = #tpu.pack_format<interleaved>, positions = array<i32: 0, 1>} : vector<16xf32>, vector<16xf32> -> vector<32xbf16>
        %pack3A_1133 = tpu.pack_subelements %sub3A_1127, %sub3A_1127 {pack_format = #tpu.pack_format<interleaved>, positions = array<i32: 0, 1>} : vector<16xf32>, vector<16xf32> -> vector<32xbf16>
        %pack3A_1134 = tpu.pack_subelements %sub3A_1073, %sub3A_1073 {pack_format = #tpu.pack_format<interleaved>, positions = array<i32: 0, 1>} : vector<16xf32>, vector<16xf32> -> vector<32xbf16>
        %pack3A_1135 = tpu.pack_subelements %sub3A_1124, %sub3A_1124 {pack_format = #tpu.pack_format<interleaved>, positions = array<i32: 0, 1>} : vector<16xf32>, vector<16xf32> -> vector<32xbf16>
        %pack3A_1136 = tpu.pack_subelements %sub3A_1064, %sub3A_1064 {pack_format = #tpu.pack_format<interleaved>, positions = array<i32: 0, 1>} : vector<16xf32>, vector<16xf32> -> vector<32xbf16>
        %gather3A_1137 = tpu.vector_load_idx %arg9[%xor3A_1114] : memref<16384xi32, #tpu.memory_space<vmem>>[vector<16xi32>], vector<16xi32>,
        %bitcast3A_1138 = vector.bitcast %gather3A_1137 : vector<16xi32> to vector<32xbf16>
        %mul3A_1139 = arith.mulf %bitcast3A_1138, %pack3A_1131 : vector<32xbf16>
        %gather3A_1140 = tpu.vector_load_idx %arg9[%xor3A_1115] : memref<16384xi32, #tpu.memory_space<vmem>>[vector<16xi32>], vector<16xi32>,
        %bitcast3A_1141 = vector.bitcast %gather3A_1140 : vector<16xi32> to vector<32xbf16>
        %mul3A_1142 = arith.mulf %bitcast3A_1141, %pack3A_1132 : vector<32xbf16>
        %add3A_1143 = arith.addf %mul3A_1139, %mul3A_1142 : vector<32xbf16>
        %gather3A_1144 = tpu.vector_load_idx %arg9[%xor3A_1116] : memref<16384xi32, #tpu.memory_space<vmem>>[vector<16xi32>], vector<16xi32>,
        %bitcast3A_1145 = vector.bitcast %gather3A_1144 : vector<16xi32> to vector<32xbf16>
        %mul3A_1146 = arith.mulf %bitcast3A_1145, %pack3A_1131 : vector<32xbf16>
        %gather3A_1147 = tpu.vector_load_idx %arg9[%xor3A_1117] : memref<16384xi32, #tpu.memory_space<vmem>>[vector<16xi32>], vector<16xi32>,
        %bitcast3A_1148 = vector.bitcast %gather3A_1147 : vector<16xi32> to vector<32xbf16>
        %mul3A_1149 = arith.mulf %bitcast3A_1148, %pack3A_1132 : vector<32xbf16>
        %add3A_1150 = arith.addf %mul3A_1146, %mul3A_1149 : vector<32xbf16>
        %gather3A_1151 = tpu.vector_load_idx %arg9[%xor3A_1118] : memref<16384xi32, #tpu.memory_space<vmem>>[vector<16xi32>], vector<16xi32>,
        %bitcast3A_1152 = vector.bitcast %gather3A_1151 : vector<16xi32> to vector<32xbf16>
        %mul3A_1153 = arith.mulf %bitcast3A_1152, %pack3A_1131 : vector<32xbf16>
        %gather3A_1154 = tpu.vector_load_idx %arg9[%xor3A_1119] : memref<16384xi32, #tpu.memory_space<vmem>>[vector<16xi32>], vector<16xi32>,
        %bitcast3A_1155 = vector.bitcast %gather3A_1154 : vector<16xi32> to vector<32xbf16>
        %mul3A_1156 = arith.mulf %bitcast3A_1155, %pack3A_1132 : vector<32xbf16>
        %add3A_1157 = arith.addf %mul3A_1153, %mul3A_1156 : vector<32xbf16>
        %gather3A_1158 = tpu.vector_load_idx %arg9[%xor3A_1120] : memref<16384xi32, #tpu.memory_space<vmem>>[vector<16xi32>], vector<16xi32>,
        %bitcast3A_1159 = vector.bitcast %gather3A_1158 : vector<16xi32> to vector<32xbf16>
        %mul3A_1160 = arith.mulf %bitcast3A_1159, %pack3A_1131 : vector<32xbf16>
        %gather3A_1161 = tpu.vector_load_idx %arg9[%xor3A_1121] : memref<16384xi32, #tpu.memory_space<vmem>>[vector<16xi32>], vector<16xi32>,
        %bitcast3A_1162 = vector.bitcast %gather3A_1161 : vector<16xi32> to vector<32xbf16>
        %mul3A_1163 = arith.mulf %bitcast3A_1162, %pack3A_1132 : vector<32xbf16>
        %add3A_1164 = arith.addf %mul3A_1160, %mul3A_1163 : vector<32xbf16>
        %mul3A_1165 = arith.mulf %add3A_1143, %pack3A_1133 : vector<32xbf16>
        %mul3A_1166 = arith.mulf %add3A_1150, %pack3A_1134 : vector<32xbf16>
        %add3A_1167 = arith.addf %mul3A_1165, %mul3A_1166 : vector<32xbf16>
        %mul3A_1168 = arith.mulf %add3A_1157, %pack3A_1133 : vector<32xbf16>
        %mul3A_1169 = arith.mulf %add3A_1164, %pack3A_1134 : vector<32xbf16>
        %add3A_1170 = arith.addf %mul3A_1168, %mul3A_1169 : vector<32xbf16>
        %mul3A_1171 = arith.mulf %add3A_1167, %pack3A_1135 : vector<32xbf16>
        %mul3A_1172 = arith.mulf %add3A_1170, %pack3A_1136 : vector<32xbf16>
        %add3A_1173 = arith.addf %mul3A_1171, %mul3A_1172 : vector<32xbf16>
        %unpack3A_1174 = tpu.unpack_subelements %add3A_1173, 0 {pack_format = #tpu.pack_format<interleaved>} : vector<32xbf16> -> vector<16xf32>
        %unpack3A_1175 = tpu.unpack_subelements %add3A_1173, 1 {pack_format = #tpu.pack_format<interleaved>} : vector<32xbf16> -> vector<16xf32>
        %swap3A_1176 = arith.index_cast %mul3A_1055 : i32 to index
        %swap3A_1177 = tpu.vector_load %arg16[%swap3A_1176] {strides = array<i32>} : memref<8192xf32, #tpu.memory_space<vmem>>, vector<16xf32>,
        tpu.vector_store %arg16[%swap3A_1176], %unpack3A_1174 {strides = array<i32>} : memref<8192xf32, #tpu.memory_space<vmem>>, vector<16xf32>,
        %swap3A_1178 = arith.index_cast %mul3A_1055 : i32 to index
        %swap3A_1179 = tpu.vector_load %arg18[%swap3A_1178] {strides = array<i32>} : memref<8192xf32, #tpu.memory_space<vmem>>, vector<16xf32>,
        tpu.vector_store %arg18[%swap3A_1178], %unpack3A_1175 {strides = array<i32>} : memref<8192xf32, #tpu.memory_space<vmem>>, vector<16xf32>,
      }
      %scan3A_74 = arith.constant 512 : i32
      %mul3A_75 = arith.constant 8192 : i32
      %mul3A_76 = arith.muli %add3A_58, %mul3A_75 : i32
      %add3A_77 = arith.addi %mul3A_0, %mul3A_76 : i32
      %dma_start3A_78 = arith.constant 0 : i32
      %dma_start3A_79 = tpu.memref_slice %arg7[%dma_start3A_78, %arg1, %add3A_77] : memref<2x16x524288xf32, #tpu.memory_space<hbm>> -> memref<1x1x8192xf32, #tpu.memory_space<hbm>>
      %dma_start3A_80 = tpu.memref_squeeze %dma_start3A_79 : memref<1x1x8192xf32, #tpu.memory_space<hbm>> -> memref<8192xf32, #tpu.memory_space<hbm>>
      %dma_start3A_81 = tpu.memref_slice %arg7[%dma_start3A_78, %arg1, %add3A_77] : memref<2x16x524288xf32, #tpu.memory_space<hbm>> -> memref<1x1x8192xf32, #tpu.memory_space<hbm>>
      %dma_start3A_82 = tpu.memref_squeeze %dma_start3A_81 : memref<1x1x8192xf32, #tpu.memory_space<hbm>> -> memref<8192xf32, #tpu.memory_space<hbm>>
      tpu.enqueue_dma source(%arg16 : memref<8192xf32, #tpu.memory_space<vmem>>) target(%dma_start3A_82 : memref<8192xf32, #tpu.memory_space<hbm>>) target_semaphore(%arg22 : memref<!tpu.dma_semaphore, #tpu.memory_space<semaphore_mem>>)
      %dma_start3A_83 = arith.constant 1 : i32
      %dma_start3A_84 = tpu.memref_slice %arg7[%dma_start3A_83, %arg1, %add3A_77] : memref<2x16x524288xf32, #tpu.memory_space<hbm>> -> memref<1x1x8192xf32, #tpu.memory_space<hbm>>
      %dma_start3A_85 = tpu.memref_squeeze %dma_start3A_84 : memref<1x1x8192xf32, #tpu.memory_space<hbm>> -> memref<8192xf32, #tpu.memory_space<hbm>>
      %dma_start3A_86 = tpu.memref_slice %arg7[%dma_start3A_83, %arg1, %add3A_77] : memref<2x16x524288xf32, #tpu.memory_space<hbm>> -> memref<1x1x8192xf32, #tpu.memory_space<hbm>>
      %dma_start3A_87 = tpu.memref_squeeze %dma_start3A_86 : memref<1x1x8192xf32, #tpu.memory_space<hbm>> -> memref<8192xf32, #tpu.memory_space<hbm>>
      tpu.enqueue_dma source(%arg18 : memref<8192xf32, #tpu.memory_space<vmem>>) target(%dma_start3A_87 : memref<8192xf32, #tpu.memory_space<hbm>>) target_semaphore(%arg22 : memref<!tpu.dma_semaphore, #tpu.memory_space<semaphore_mem>>)
      %lt3A = arith.constant 15 : i32
      %lt3A_88 = arith.cmpi slt, %add3A_54, %lt3A : i32
      %convert_element_type3A_89 = arith.extui %lt3A_88 : i1 to i32
      %cond3A_90 = arith.constant 0 : i32
      %cond3A_91 = arith.cmpi ne, %convert_element_type3A_89, %cond3A_90 : i32
      scf.if %cond3A_91 {
        %add3A_133 = arith.constant 2 : i32
        %add3A_134 = arith.addi %add3A_58, %add3A_133 : i32
        %mul3A_135 = arith.constant 8192 : i32
        %mul3A_136 = arith.muli %add3A_134, %mul3A_135 : i32
        %add3A_137 = arith.addi %mul3A_0, %mul3A_136 : i32
        %dma_start3A_138 = tpu.memref_slice %arg2[%add3A_137] : memref<524288xf32, #tpu.memory_space<hbm>> -> memref<8192xf32, #tpu.memory_space<hbm>>
        %dma_start3A_139 = tpu.memref_slice %arg2[%add3A_137] : memref<524288xf32, #tpu.memory_space<hbm>> -> memref<8192xf32, #tpu.memory_space<hbm>>
        tpu.enqueue_dma source(%dma_start3A_139 : memref<8192xf32, #tpu.memory_space<hbm>>) target(%arg10 : memref<8192xf32, #tpu.memory_space<vmem>>) target_semaphore(%arg20 : memref<!tpu.dma_semaphore, #tpu.memory_space<semaphore_mem>>)
        %dma_start3A_140 = tpu.memref_slice %arg3[%add3A_137] : memref<524288xf32, #tpu.memory_space<hbm>> -> memref<8192xf32, #tpu.memory_space<hbm>>
        %dma_start3A_141 = tpu.memref_slice %arg3[%add3A_137] : memref<524288xf32, #tpu.memory_space<hbm>> -> memref<8192xf32, #tpu.memory_space<hbm>>
        tpu.enqueue_dma source(%dma_start3A_141 : memref<8192xf32, #tpu.memory_space<hbm>>) target(%arg12 : memref<8192xf32, #tpu.memory_space<vmem>>) target_semaphore(%arg20 : memref<!tpu.dma_semaphore, #tpu.memory_space<semaphore_mem>>)
        %dma_start3A_142 = tpu.memref_slice %arg4[%add3A_137] : memref<524288xf32, #tpu.memory_space<hbm>> -> memref<8192xf32, #tpu.memory_space<hbm>>
        %dma_start3A_143 = tpu.memref_slice %arg4[%add3A_137] : memref<524288xf32, #tpu.memory_space<hbm>> -> memref<8192xf32, #tpu.memory_space<hbm>>
        tpu.enqueue_dma source(%dma_start3A_143 : memref<8192xf32, #tpu.memory_space<hbm>>) target(%arg14 : memref<8192xf32, #tpu.memory_space<vmem>>) target_semaphore(%arg20 : memref<!tpu.dma_semaphore, #tpu.memory_space<semaphore_mem>>)
      } else {
      }
      %mul3A_92 = arith.constant 2 : i32
      %mul3A_93 = arith.muli %add3A_54, %mul3A_92 : i32
      %add3A_94 = arith.constant 1 : i32
      %add3A_95 = arith.addi %mul3A_93, %add3A_94 : i32
      %mul3A_96 = arith.constant 8192 : i32
      %mul3A_97 = arith.muli %add3A_95, %mul3A_96 : i32
      %add3A_98 = arith.addi %mul3A_0, %mul3A_97 : i32
      %dma_wait3A_99 = tpu.memref_slice %arg2[%add3A_98] : memref<524288xf32, #tpu.memory_space<hbm>> -> memref<8192xf32, #tpu.memory_space<hbm>>
      %dma_wait3A_100 = tpu.memref_slice %arg2[%add3A_98] : memref<524288xf32, #tpu.memory_space<hbm>> -> memref<8192xf32, #tpu.memory_space<hbm>>
      tpu.wait_dma2 semaphore(%arg21 : memref<!tpu.dma_semaphore, #tpu.memory_space<semaphore_mem>>) src(%dma_wait3A_100 : memref<8192xf32, #tpu.memory_space<hbm>>) dst(%arg11 : memref<8192xf32, #tpu.memory_space<vmem>>)
      %dma_wait3A_101 = tpu.memref_slice %arg3[%add3A_98] : memref<524288xf32, #tpu.memory_space<hbm>> -> memref<8192xf32, #tpu.memory_space<hbm>>
      %dma_wait3A_102 = tpu.memref_slice %arg3[%add3A_98] : memref<524288xf32, #tpu.memory_space<hbm>> -> memref<8192xf32, #tpu.memory_space<hbm>>
      tpu.wait_dma2 semaphore(%arg21 : memref<!tpu.dma_semaphore, #tpu.memory_space<semaphore_mem>>) src(%dma_wait3A_102 : memref<8192xf32, #tpu.memory_space<hbm>>) dst(%arg13 : memref<8192xf32, #tpu.memory_space<vmem>>)
      %dma_wait3A_103 = tpu.memref_slice %arg4[%add3A_98] : memref<524288xf32, #tpu.memory_space<hbm>> -> memref<8192xf32, #tpu.memory_space<hbm>>
      %dma_wait3A_104 = tpu.memref_slice %arg4[%add3A_98] : memref<524288xf32, #tpu.memory_space<hbm>> -> memref<8192xf32, #tpu.memory_space<hbm>>
      tpu.wait_dma2 semaphore(%arg21 : memref<!tpu.dma_semaphore, #tpu.memory_space<semaphore_mem>>) src(%dma_wait3A_104 : memref<8192xf32, #tpu.memory_space<hbm>>) dst(%arg15 : memref<8192xf32, #tpu.memory_space<vmem>>)
      %ge3A_105 = arith.constant 1 : i32
      %ge3A_106 = arith.cmpi sge, %add3A_54, %ge3A_105 : i32
      %convert_element_type3A_107 = arith.extui %ge3A_106 : i1 to i32
      %cond3A_108 = arith.constant 0 : i32
      %cond3A_109 = arith.cmpi ne, %convert_element_type3A_107, %cond3A_108 : i32
      scf.if %cond3A_109 {
        %sub3A = arith.constant 2 : i32
        %sub3A_133 = arith.subi %add3A_95, %sub3A : i32
        %mul3A_134 = arith.constant 8192 : i32
        %mul3A_135 = arith.muli %sub3A_133, %mul3A_134 : i32
        %add3A_136 = arith.addi %mul3A_0, %mul3A_135 : i32
        %dma_wait3A_137 = arith.constant 0 : i32
        %dma_wait3A_138 = tpu.memref_slice %arg7[%dma_wait3A_137, %arg1, %add3A_136] : memref<2x16x524288xf32, #tpu.memory_space<hbm>> -> memref<1x1x8192xf32, #tpu.memory_space<hbm>>
        %dma_wait3A_139 = tpu.memref_squeeze %dma_wait3A_138 : memref<1x1x8192xf32, #tpu.memory_space<hbm>> -> memref<8192xf32, #tpu.memory_space<hbm>>
        %dma_wait3A_140 = tpu.memref_slice %arg7[%dma_wait3A_137, %arg1, %add3A_136] : memref<2x16x524288xf32, #tpu.memory_space<hbm>> -> memref<1x1x8192xf32, #tpu.memory_space<hbm>>
        %dma_wait3A_141 = tpu.memref_squeeze %dma_wait3A_140 : memref<1x1x8192xf32, #tpu.memory_space<hbm>> -> memref<8192xf32, #tpu.memory_space<hbm>>
        tpu.wait_dma2 semaphore(%arg23 : memref<!tpu.dma_semaphore, #tpu.memory_space<semaphore_mem>>) src(%arg17 : memref<8192xf32, #tpu.memory_space<vmem>>) dst(%dma_wait3A_141 : memref<8192xf32, #tpu.memory_space<hbm>>)
        %dma_wait3A_142 = arith.constant 1 : i32
        %dma_wait3A_143 = tpu.memref_slice %arg7[%dma_wait3A_142, %arg1, %add3A_136] : memref<2x16x524288xf32, #tpu.memory_space<hbm>> -> memref<1x1x8192xf32, #tpu.memory_space<hbm>>
        %dma_wait3A_144 = tpu.memref_squeeze %dma_wait3A_143 : memref<1x1x8192xf32, #tpu.memory_space<hbm>> -> memref<8192xf32, #tpu.memory_space<hbm>>
        %dma_wait3A_145 = tpu.memref_slice %arg7[%dma_wait3A_142, %arg1, %add3A_136] : memref<2x16x524288xf32, #tpu.memory_space<hbm>> -> memref<1x1x8192xf32, #tpu.memory_space<hbm>>
        %dma_wait3A_146 = tpu.memref_squeeze %dma_wait3A_145 : memref<1x1x8192xf32, #tpu.memory_space<hbm>> -> memref<8192xf32, #tpu.memory_space<hbm>>
        tpu.wait_dma2 semaphore(%arg23 : memref<!tpu.dma_semaphore, #tpu.memory_space<semaphore_mem>>) src(%arg19 : memref<8192xf32, #tpu.memory_space<vmem>>) dst(%dma_wait3A_146 : memref<8192xf32, #tpu.memory_space<hbm>>)
      } else {
      }
      %scan3A_110 = arith.constant 0 : i32
      %scan3A_111 = arith.constant 512 : i32
      %scan3A_112 = arith.addi %scan3A_110, %scan3A_111 : i32
      %scan3A_113 = arith.constant 8 : i32
      scf.for %scan3A_133 = %scan3A_110 to %scan3A_112 step %scan3A_113  : i32 {
        %mul3A_134 = arith.constant 1 : i32
        %mul3A_135 = arith.muli %scan3A_133, %mul3A_134 : i32
        %add3A_136 = arith.constant 0 : i32
        %add3A_137 = arith.addi %add3A_136, %mul3A_135 : i32
        %mul3A_138 = arith.constant 16 : i32
        %mul3A_139 = arith.muli %add3A_137, %mul3A_138 : i32
        %get3A = arith.index_cast %mul3A_139 : i32 to index
        %get3A_140 = tpu.vector_load %arg11[%get3A] {strides = array<i32>} : memref<8192xf32, #tpu.memory_space<vmem>>, vector<16xf32>,
        %add3A_141 = arith.constant 3.000000e+00 : f32
        %add3A_142 = vector.broadcast %add3A_141 : f32 to vector<16xf32>
        %add3A_143 = arith.addf %get3A_140, %add3A_142 : vector<16xf32>
        %mul3A_144 = arith.mulf %add3A_143, %gather3A : vector<16xf32>
        %convert_element_type3A_145 = arith.fptosi %mul3A_144 : vector<16xf32> to vector<16xi32>
        %convert_element_type3A_146 = arith.sitofp %convert_element_type3A_145 : vector<16xi32> to vector<16xf32>
        %sub3A = arith.subf %mul3A_144, %convert_element_type3A_146 : vector<16xf32>
        %get3A_147 = arith.index_cast %mul3A_139 : i32 to index
        %get3A_148 = tpu.vector_load %arg13[%get3A_147] {strides = array<i32>} : memref<8192xf32, #tpu.memory_space<vmem>>, vector<16xf32>,
        %add3A_149 = arith.constant 3.000000e+00 : f32
        %add3A_150 = vector.broadcast %add3A_149 : f32 to vector<16xf32>
        %add3A_151 = arith.addf %get3A_148, %add3A_150 : vector<16xf32>
        %mul3A_152 = arith.mulf %add3A_151, %gather3A : vector<16xf32>
        %convert_element_type3A_153 = arith.fptosi %mul3A_152 : vector<16xf32> to vector<16xi32>
        %convert_element_type3A_154 = arith.sitofp %convert_element_type3A_153 : vector<16xi32> to vector<16xf32>
        %sub3A_155 = arith.subf %mul3A_152, %convert_element_type3A_154 : vector<16xf32>
        %get3A_156 = arith.index_cast %mul3A_139 : i32 to index
        %get3A_157 = tpu.vector_load %arg15[%get3A_156] {strides = array<i32>} : memref<8192xf32, #tpu.memory_space<vmem>>, vector<16xf32>,
        %add3A_158 = arith.constant 3.000000e+00 : f32
        %add3A_159 = vector.broadcast %add3A_158 : f32 to vector<16xf32>
        %add3A_160 = arith.addf %get3A_157, %add3A_159 : vector<16xf32>
        %mul3A_161 = arith.mulf %add3A_160, %gather3A : vector<16xf32>
        %convert_element_type3A_162 = arith.fptosi %mul3A_161 : vector<16xf32> to vector<16xi32>
        %convert_element_type3A_163 = arith.sitofp %convert_element_type3A_162 : vector<16xi32> to vector<16xf32>
        %sub3A_164 = arith.subf %mul3A_161, %convert_element_type3A_163 : vector<16xf32>
        %add3A_165 = arith.constant 1 : i32
        %add3A_166 = vector.broadcast %add3A_165 : i32 to vector<16xi32>
        %add3A_167 = arith.addi %convert_element_type3A_145, %add3A_166 : vector<16xi32>
        %mul3A_168 = arith.constant -1640531535 : i32
        %mul3A_169 = vector.broadcast %mul3A_168 : i32 to vector<16xi32>
        %mul3A_170 = arith.muli %convert_element_type3A_153, %mul3A_169 : vector<16xi32>
        %and3A = arith.constant 16383 : i32
        %and3A_171 = vector.broadcast %and3A : i32 to vector<16xi32>
        %and3A_172 = arith.andi %mul3A_170, %and3A_171 : vector<16xi32>
        %add3A_173 = arith.constant -1640531535 : i32
        %add3A_174 = vector.broadcast %add3A_173 : i32 to vector<16xi32>
        %add3A_175 = arith.addi %and3A_172, %add3A_174 : vector<16xi32>
        %and3A_176 = arith.constant 16383 : i32
        %and3A_177 = vector.broadcast %and3A_176 : i32 to vector<16xi32>
        %and3A_178 = arith.andi %add3A_175, %and3A_177 : vector<16xi32>
        %mul3A_179 = arith.constant 805459861 : i32
        %mul3A_180 = vector.broadcast %mul3A_179 : i32 to vector<16xi32>
        %mul3A_181 = arith.muli %convert_element_type3A_162, %mul3A_180 : vector<16xi32>
        %and3A_182 = arith.constant 16383 : i32
        %and3A_183 = vector.broadcast %and3A_182 : i32 to vector<16xi32>
        %and3A_184 = arith.andi %mul3A_181, %and3A_183 : vector<16xi32>
        %add3A_185 = arith.constant 805459861 : i32
        %add3A_186 = vector.broadcast %add3A_185 : i32 to vector<16xi32>
        %add3A_187 = arith.addi %and3A_184, %add3A_186 : vector<16xi32>
        %and3A_188 = arith.constant 16383 : i32
        %and3A_189 = vector.broadcast %and3A_188 : i32 to vector<16xi32>
        %and3A_190 = arith.andi %add3A_187, %and3A_189 : vector<16xi32>
        %xor3A = arith.xori %convert_element_type3A_145, %and3A_172 : vector<16xi32>
        %xor3A_191 = arith.xori %convert_element_type3A_145, %and3A_178 : vector<16xi32>
        %xor3A_192 = arith.xori %add3A_167, %and3A_172 : vector<16xi32>
        %xor3A_193 = arith.xori %add3A_167, %and3A_178 : vector<16xi32>
        %xor3A_194 = arith.xori %xor3A, %and3A_184 : vector<16xi32>
        %xor3A_195 = arith.xori %xor3A, %and3A_190 : vector<16xi32>
        %xor3A_196 = arith.xori %xor3A_191, %and3A_184 : vector<16xi32>
        %xor3A_197 = arith.xori %xor3A_191, %and3A_190 : vector<16xi32>
        %xor3A_198 = arith.xori %xor3A_192, %and3A_184 : vector<16xi32>
        %xor3A_199 = arith.xori %xor3A_192, %and3A_190 : vector<16xi32>
        %xor3A_200 = arith.xori %xor3A_193, %and3A_184 : vector<16xi32>
        %xor3A_201 = arith.xori %xor3A_193, %and3A_190 : vector<16xi32>
        %sub3A_202 = arith.constant 1.000000e+00 : f32
        %sub3A_203 = vector.broadcast %sub3A_202 : f32 to vector<16xf32>
        %sub3A_204 = arith.subf %sub3A_203, %sub3A : vector<16xf32>
        %sub3A_205 = arith.constant 1.000000e+00 : f32
        %sub3A_206 = vector.broadcast %sub3A_205 : f32 to vector<16xf32>
        %sub3A_207 = arith.subf %sub3A_206, %sub3A_155 : vector<16xf32>
        %sub3A_208 = arith.constant 1.000000e+00 : f32
        %sub3A_209 = vector.broadcast %sub3A_208 : f32 to vector<16xf32>
        %sub3A_210 = arith.subf %sub3A_209, %sub3A_164 : vector<16xf32>
        %pack3A = tpu.pack_subelements %sub3A_210, %sub3A_210 {pack_format = #tpu.pack_format<interleaved>, positions = array<i32: 0, 1>} : vector<16xf32>, vector<16xf32> -> vector<32xbf16>
        %pack3A_211 = tpu.pack_subelements %sub3A_164, %sub3A_164 {pack_format = #tpu.pack_format<interleaved>, positions = array<i32: 0, 1>} : vector<16xf32>, vector<16xf32> -> vector<32xbf16>
        %pack3A_212 = tpu.pack_subelements %sub3A_207, %sub3A_207 {pack_format = #tpu.pack_format<interleaved>, positions = array<i32: 0, 1>} : vector<16xf32>, vector<16xf32> -> vector<32xbf16>
        %pack3A_213 = tpu.pack_subelements %sub3A_155, %sub3A_155 {pack_format = #tpu.pack_format<interleaved>, positions = array<i32: 0, 1>} : vector<16xf32>, vector<16xf32> -> vector<32xbf16>
        %pack3A_214 = tpu.pack_subelements %sub3A_204, %sub3A_204 {pack_format = #tpu.pack_format<interleaved>, positions = array<i32: 0, 1>} : vector<16xf32>, vector<16xf32> -> vector<32xbf16>
        %pack3A_215 = tpu.pack_subelements %sub3A, %sub3A {pack_format = #tpu.pack_format<interleaved>, positions = array<i32: 0, 1>} : vector<16xf32>, vector<16xf32> -> vector<32xbf16>
        %gather3A_216 = tpu.vector_load_idx %arg9[%xor3A_194] : memref<16384xi32, #tpu.memory_space<vmem>>[vector<16xi32>], vector<16xi32>,
        %bitcast3A = vector.bitcast %gather3A_216 : vector<16xi32> to vector<32xbf16>
        %mul3A_217 = arith.mulf %bitcast3A, %pack3A : vector<32xbf16>
        %gather3A_218 = tpu.vector_load_idx %arg9[%xor3A_195] : memref<16384xi32, #tpu.memory_space<vmem>>[vector<16xi32>], vector<16xi32>,
        %bitcast3A_219 = vector.bitcast %gather3A_218 : vector<16xi32> to vector<32xbf16>
        %mul3A_220 = arith.mulf %bitcast3A_219, %pack3A_211 : vector<32xbf16>
        %add3A_221 = arith.addf %mul3A_217, %mul3A_220 : vector<32xbf16>
        %gather3A_222 = tpu.vector_load_idx %arg9[%xor3A_196] : memref<16384xi32, #tpu.memory_space<vmem>>[vector<16xi32>], vector<16xi32>,
        %bitcast3A_223 = vector.bitcast %gather3A_222 : vector<16xi32> to vector<32xbf16>
        %mul3A_224 = arith.mulf %bitcast3A_223, %pack3A : vector<32xbf16>
        %gather3A_225 = tpu.vector_load_idx %arg9[%xor3A_197] : memref<16384xi32, #tpu.memory_space<vmem>>[vector<16xi32>], vector<16xi32>,
        %bitcast3A_226 = vector.bitcast %gather3A_225 : vector<16xi32> to vector<32xbf16>
        %mul3A_227 = arith.mulf %bitcast3A_226, %pack3A_211 : vector<32xbf16>
        %add3A_228 = arith.addf %mul3A_224, %mul3A_227 : vector<32xbf16>
        %gather3A_229 = tpu.vector_load_idx %arg9[%xor3A_198] : memref<16384xi32, #tpu.memory_space<vmem>>[vector<16xi32>], vector<16xi32>,
        %bitcast3A_230 = vector.bitcast %gather3A_229 : vector<16xi32> to vector<32xbf16>
        %mul3A_231 = arith.mulf %bitcast3A_230, %pack3A : vector<32xbf16>
        %gather3A_232 = tpu.vector_load_idx %arg9[%xor3A_199] : memref<16384xi32, #tpu.memory_space<vmem>>[vector<16xi32>], vector<16xi32>,
        %bitcast3A_233 = vector.bitcast %gather3A_232 : vector<16xi32> to vector<32xbf16>
        %mul3A_234 = arith.mulf %bitcast3A_233, %pack3A_211 : vector<32xbf16>
        %add3A_235 = arith.addf %mul3A_231, %mul3A_234 : vector<32xbf16>
        %gather3A_236 = tpu.vector_load_idx %arg9[%xor3A_200] : memref<16384xi32, #tpu.memory_space<vmem>>[vector<16xi32>], vector<16xi32>,
        %bitcast3A_237 = vector.bitcast %gather3A_236 : vector<16xi32> to vector<32xbf16>
        %mul3A_238 = arith.mulf %bitcast3A_237, %pack3A : vector<32xbf16>
        %gather3A_239 = tpu.vector_load_idx %arg9[%xor3A_201] : memref<16384xi32, #tpu.memory_space<vmem>>[vector<16xi32>], vector<16xi32>,
        %bitcast3A_240 = vector.bitcast %gather3A_239 : vector<16xi32> to vector<32xbf16>
        %mul3A_241 = arith.mulf %bitcast3A_240, %pack3A_211 : vector<32xbf16>
        %add3A_242 = arith.addf %mul3A_238, %mul3A_241 : vector<32xbf16>
        %mul3A_243 = arith.mulf %add3A_221, %pack3A_212 : vector<32xbf16>
        %mul3A_244 = arith.mulf %add3A_228, %pack3A_213 : vector<32xbf16>
        %add3A_245 = arith.addf %mul3A_243, %mul3A_244 : vector<32xbf16>
        %mul3A_246 = arith.mulf %add3A_235, %pack3A_212 : vector<32xbf16>
        %mul3A_247 = arith.mulf %add3A_242, %pack3A_213 : vector<32xbf16>
        %add3A_248 = arith.addf %mul3A_246, %mul3A_247 : vector<32xbf16>
        %mul3A_249 = arith.mulf %add3A_245, %pack3A_214 : vector<32xbf16>
        %mul3A_250 = arith.mulf %add3A_248, %pack3A_215 : vector<32xbf16>
        %add3A_251 = arith.addf %mul3A_249, %mul3A_250 : vector<32xbf16>
        %unpack3A = tpu.unpack_subelements %add3A_251, 0 {pack_format = #tpu.pack_format<interleaved>} : vector<32xbf16> -> vector<16xf32>
        %unpack3A_252 = tpu.unpack_subelements %add3A_251, 1 {pack_format = #tpu.pack_format<interleaved>} : vector<32xbf16> -> vector<16xf32>
        %swap3A = arith.index_cast %mul3A_139 : i32 to index
        %swap3A_253 = tpu.vector_load %arg17[%swap3A] {strides = array<i32>} : memref<8192xf32, #tpu.memory_space<vmem>>, vector<16xf32>,
        tpu.vector_store %arg17[%swap3A], %unpack3A {strides = array<i32>} : memref<8192xf32, #tpu.memory_space<vmem>>, vector<16xf32>,
        %swap3A_254 = arith.index_cast %mul3A_139 : i32 to index
        %swap3A_255 = tpu.vector_load %arg19[%swap3A_254] {strides = array<i32>} : memref<8192xf32, #tpu.memory_space<vmem>>, vector<16xf32>,
        tpu.vector_store %arg19[%swap3A_254], %unpack3A_252 {strides = array<i32>} : memref<8192xf32, #tpu.memory_space<vmem>>, vector<16xf32>,
        %scan3A_256 = arith.constant 1 : i32
        %scan3A_257 = arith.addi %scan3A_133, %scan3A_256 : i32
        %mul3A_258 = arith.constant 1 : i32
        %mul3A_259 = arith.muli %scan3A_257, %mul3A_258 : i32
        %add3A_260 = arith.constant 0 : i32
        %add3A_261 = arith.addi %add3A_260, %mul3A_259 : i32
        %mul3A_262 = arith.constant 16 : i32
        %mul3A_263 = arith.muli %add3A_261, %mul3A_262 : i32
        %get3A_264 = arith.index_cast %mul3A_263 : i32 to index
        %get3A_265 = tpu.vector_load %arg11[%get3A_264] {strides = array<i32>} : memref<8192xf32, #tpu.memory_space<vmem>>, vector<16xf32>,
        %add3A_266 = arith.constant 3.000000e+00 : f32
        %add3A_267 = vector.broadcast %add3A_266 : f32 to vector<16xf32>
        %add3A_268 = arith.addf %get3A_265, %add3A_267 : vector<16xf32>
        %mul3A_269 = arith.mulf %add3A_268, %gather3A : vector<16xf32>
        %convert_element_type3A_270 = arith.fptosi %mul3A_269 : vector<16xf32> to vector<16xi32>
        %convert_element_type3A_271 = arith.sitofp %convert_element_type3A_270 : vector<16xi32> to vector<16xf32>
        %sub3A_272 = arith.subf %mul3A_269, %convert_element_type3A_271 : vector<16xf32>
        %get3A_273 = arith.index_cast %mul3A_263 : i32 to index
        %get3A_274 = tpu.vector_load %arg13[%get3A_273] {strides = array<i32>} : memref<8192xf32, #tpu.memory_space<vmem>>, vector<16xf32>,
        %add3A_275 = arith.constant 3.000000e+00 : f32
        %add3A_276 = vector.broadcast %add3A_275 : f32 to vector<16xf32>
        %add3A_277 = arith.addf %get3A_274, %add3A_276 : vector<16xf32>
        %mul3A_278 = arith.mulf %add3A_277, %gather3A : vector<16xf32>
        %convert_element_type3A_279 = arith.fptosi %mul3A_278 : vector<16xf32> to vector<16xi32>
        %convert_element_type3A_280 = arith.sitofp %convert_element_type3A_279 : vector<16xi32> to vector<16xf32>
        %sub3A_281 = arith.subf %mul3A_278, %convert_element_type3A_280 : vector<16xf32>
        %get3A_282 = arith.index_cast %mul3A_263 : i32 to index
        %get3A_283 = tpu.vector_load %arg15[%get3A_282] {strides = array<i32>} : memref<8192xf32, #tpu.memory_space<vmem>>, vector<16xf32>,
        %add3A_284 = arith.constant 3.000000e+00 : f32
        %add3A_285 = vector.broadcast %add3A_284 : f32 to vector<16xf32>
        %add3A_286 = arith.addf %get3A_283, %add3A_285 : vector<16xf32>
        %mul3A_287 = arith.mulf %add3A_286, %gather3A : vector<16xf32>
        %convert_element_type3A_288 = arith.fptosi %mul3A_287 : vector<16xf32> to vector<16xi32>
        %convert_element_type3A_289 = arith.sitofp %convert_element_type3A_288 : vector<16xi32> to vector<16xf32>
        %sub3A_290 = arith.subf %mul3A_287, %convert_element_type3A_289 : vector<16xf32>
        %add3A_291 = arith.constant 1 : i32
        %add3A_292 = vector.broadcast %add3A_291 : i32 to vector<16xi32>
        %add3A_293 = arith.addi %convert_element_type3A_270, %add3A_292 : vector<16xi32>
        %mul3A_294 = arith.constant -1640531535 : i32
        %mul3A_295 = vector.broadcast %mul3A_294 : i32 to vector<16xi32>
        %mul3A_296 = arith.muli %convert_element_type3A_279, %mul3A_295 : vector<16xi32>
        %and3A_297 = arith.constant 16383 : i32
        %and3A_298 = vector.broadcast %and3A_297 : i32 to vector<16xi32>
        %and3A_299 = arith.andi %mul3A_296, %and3A_298 : vector<16xi32>
        %add3A_300 = arith.constant -1640531535 : i32
        %add3A_301 = vector.broadcast %add3A_300 : i32 to vector<16xi32>
        %add3A_302 = arith.addi %and3A_299, %add3A_301 : vector<16xi32>
        %and3A_303 = arith.constant 16383 : i32
        %and3A_304 = vector.broadcast %and3A_303 : i32 to vector<16xi32>
        %and3A_305 = arith.andi %add3A_302, %and3A_304 : vector<16xi32>
        %mul3A_306 = arith.constant 805459861 : i32
        %mul3A_307 = vector.broadcast %mul3A_306 : i32 to vector<16xi32>
        %mul3A_308 = arith.muli %convert_element_type3A_288, %mul3A_307 : vector<16xi32>
        %and3A_309 = arith.constant 16383 : i32
        %and3A_310 = vector.broadcast %and3A_309 : i32 to vector<16xi32>
        %and3A_311 = arith.andi %mul3A_308, %and3A_310 : vector<16xi32>
        %add3A_312 = arith.constant 805459861 : i32
        %add3A_313 = vector.broadcast %add3A_312 : i32 to vector<16xi32>
        %add3A_314 = arith.addi %and3A_311, %add3A_313 : vector<16xi32>
        %and3A_315 = arith.constant 16383 : i32
        %and3A_316 = vector.broadcast %and3A_315 : i32 to vector<16xi32>
        %and3A_317 = arith.andi %add3A_314, %and3A_316 : vector<16xi32>
        %xor3A_318 = arith.xori %convert_element_type3A_270, %and3A_299 : vector<16xi32>
        %xor3A_319 = arith.xori %convert_element_type3A_270, %and3A_305 : vector<16xi32>
        %xor3A_320 = arith.xori %add3A_293, %and3A_299 : vector<16xi32>
        %xor3A_321 = arith.xori %add3A_293, %and3A_305 : vector<16xi32>
        %xor3A_322 = arith.xori %xor3A_318, %and3A_311 : vector<16xi32>
        %xor3A_323 = arith.xori %xor3A_318, %and3A_317 : vector<16xi32>
        %xor3A_324 = arith.xori %xor3A_319, %and3A_311 : vector<16xi32>
        %xor3A_325 = arith.xori %xor3A_319, %and3A_317 : vector<16xi32>
        %xor3A_326 = arith.xori %xor3A_320, %and3A_311 : vector<16xi32>
        %xor3A_327 = arith.xori %xor3A_320, %and3A_317 : vector<16xi32>
        %xor3A_328 = arith.xori %xor3A_321, %and3A_311 : vector<16xi32>
        %xor3A_329 = arith.xori %xor3A_321, %and3A_317 : vector<16xi32>
        %sub3A_330 = arith.constant 1.000000e+00 : f32
        %sub3A_331 = vector.broadcast %sub3A_330 : f32 to vector<16xf32>
        %sub3A_332 = arith.subf %sub3A_331, %sub3A_272 : vector<16xf32>
        %sub3A_333 = arith.constant 1.000000e+00 : f32
        %sub3A_334 = vector.broadcast %sub3A_333 : f32 to vector<16xf32>
        %sub3A_335 = arith.subf %sub3A_334, %sub3A_281 : vector<16xf32>
        %sub3A_336 = arith.constant 1.000000e+00 : f32
        %sub3A_337 = vector.broadcast %sub3A_336 : f32 to vector<16xf32>
        %sub3A_338 = arith.subf %sub3A_337, %sub3A_290 : vector<16xf32>
        %pack3A_339 = tpu.pack_subelements %sub3A_338, %sub3A_338 {pack_format = #tpu.pack_format<interleaved>, positions = array<i32: 0, 1>} : vector<16xf32>, vector<16xf32> -> vector<32xbf16>
        %pack3A_340 = tpu.pack_subelements %sub3A_290, %sub3A_290 {pack_format = #tpu.pack_format<interleaved>, positions = array<i32: 0, 1>} : vector<16xf32>, vector<16xf32> -> vector<32xbf16>
        %pack3A_341 = tpu.pack_subelements %sub3A_335, %sub3A_335 {pack_format = #tpu.pack_format<interleaved>, positions = array<i32: 0, 1>} : vector<16xf32>, vector<16xf32> -> vector<32xbf16>
        %pack3A_342 = tpu.pack_subelements %sub3A_281, %sub3A_281 {pack_format = #tpu.pack_format<interleaved>, positions = array<i32: 0, 1>} : vector<16xf32>, vector<16xf32> -> vector<32xbf16>
        %pack3A_343 = tpu.pack_subelements %sub3A_332, %sub3A_332 {pack_format = #tpu.pack_format<interleaved>, positions = array<i32: 0, 1>} : vector<16xf32>, vector<16xf32> -> vector<32xbf16>
        %pack3A_344 = tpu.pack_subelements %sub3A_272, %sub3A_272 {pack_format = #tpu.pack_format<interleaved>, positions = array<i32: 0, 1>} : vector<16xf32>, vector<16xf32> -> vector<32xbf16>
        %gather3A_345 = tpu.vector_load_idx %arg9[%xor3A_322] : memref<16384xi32, #tpu.memory_space<vmem>>[vector<16xi32>], vector<16xi32>,
        %bitcast3A_346 = vector.bitcast %gather3A_345 : vector<16xi32> to vector<32xbf16>
        %mul3A_347 = arith.mulf %bitcast3A_346, %pack3A_339 : vector<32xbf16>
        %gather3A_348 = tpu.vector_load_idx %arg9[%xor3A_323] : memref<16384xi32, #tpu.memory_space<vmem>>[vector<16xi32>], vector<16xi32>,
        %bitcast3A_349 = vector.bitcast %gather3A_348 : vector<16xi32> to vector<32xbf16>
        %mul3A_350 = arith.mulf %bitcast3A_349, %pack3A_340 : vector<32xbf16>
        %add3A_351 = arith.addf %mul3A_347, %mul3A_350 : vector<32xbf16>
        %gather3A_352 = tpu.vector_load_idx %arg9[%xor3A_324] : memref<16384xi32, #tpu.memory_space<vmem>>[vector<16xi32>], vector<16xi32>,
        %bitcast3A_353 = vector.bitcast %gather3A_352 : vector<16xi32> to vector<32xbf16>
        %mul3A_354 = arith.mulf %bitcast3A_353, %pack3A_339 : vector<32xbf16>
        %gather3A_355 = tpu.vector_load_idx %arg9[%xor3A_325] : memref<16384xi32, #tpu.memory_space<vmem>>[vector<16xi32>], vector<16xi32>,
        %bitcast3A_356 = vector.bitcast %gather3A_355 : vector<16xi32> to vector<32xbf16>
        %mul3A_357 = arith.mulf %bitcast3A_356, %pack3A_340 : vector<32xbf16>
        %add3A_358 = arith.addf %mul3A_354, %mul3A_357 : vector<32xbf16>
        %gather3A_359 = tpu.vector_load_idx %arg9[%xor3A_326] : memref<16384xi32, #tpu.memory_space<vmem>>[vector<16xi32>], vector<16xi32>,
        %bitcast3A_360 = vector.bitcast %gather3A_359 : vector<16xi32> to vector<32xbf16>
        %mul3A_361 = arith.mulf %bitcast3A_360, %pack3A_339 : vector<32xbf16>
        %gather3A_362 = tpu.vector_load_idx %arg9[%xor3A_327] : memref<16384xi32, #tpu.memory_space<vmem>>[vector<16xi32>], vector<16xi32>,
        %bitcast3A_363 = vector.bitcast %gather3A_362 : vector<16xi32> to vector<32xbf16>
        %mul3A_364 = arith.mulf %bitcast3A_363, %pack3A_340 : vector<32xbf16>
        %add3A_365 = arith.addf %mul3A_361, %mul3A_364 : vector<32xbf16>
        %gather3A_366 = tpu.vector_load_idx %arg9[%xor3A_328] : memref<16384xi32, #tpu.memory_space<vmem>>[vector<16xi32>], vector<16xi32>,
        %bitcast3A_367 = vector.bitcast %gather3A_366 : vector<16xi32> to vector<32xbf16>
        %mul3A_368 = arith.mulf %bitcast3A_367, %pack3A_339 : vector<32xbf16>
        %gather3A_369 = tpu.vector_load_idx %arg9[%xor3A_329] : memref<16384xi32, #tpu.memory_space<vmem>>[vector<16xi32>], vector<16xi32>,
        %bitcast3A_370 = vector.bitcast %gather3A_369 : vector<16xi32> to vector<32xbf16>
        %mul3A_371 = arith.mulf %bitcast3A_370, %pack3A_340 : vector<32xbf16>
        %add3A_372 = arith.addf %mul3A_368, %mul3A_371 : vector<32xbf16>
        %mul3A_373 = arith.mulf %add3A_351, %pack3A_341 : vector<32xbf16>
        %mul3A_374 = arith.mulf %add3A_358, %pack3A_342 : vector<32xbf16>
        %add3A_375 = arith.addf %mul3A_373, %mul3A_374 : vector<32xbf16>
        %mul3A_376 = arith.mulf %add3A_365, %pack3A_341 : vector<32xbf16>
        %mul3A_377 = arith.mulf %add3A_372, %pack3A_342 : vector<32xbf16>
        %add3A_378 = arith.addf %mul3A_376, %mul3A_377 : vector<32xbf16>
        %mul3A_379 = arith.mulf %add3A_375, %pack3A_343 : vector<32xbf16>
        %mul3A_380 = arith.mulf %add3A_378, %pack3A_344 : vector<32xbf16>
        %add3A_381 = arith.addf %mul3A_379, %mul3A_380 : vector<32xbf16>
        %unpack3A_382 = tpu.unpack_subelements %add3A_381, 0 {pack_format = #tpu.pack_format<interleaved>} : vector<32xbf16> -> vector<16xf32>
        %unpack3A_383 = tpu.unpack_subelements %add3A_381, 1 {pack_format = #tpu.pack_format<interleaved>} : vector<32xbf16> -> vector<16xf32>
        %swap3A_384 = arith.index_cast %mul3A_263 : i32 to index
        %swap3A_385 = tpu.vector_load %arg17[%swap3A_384] {strides = array<i32>} : memref<8192xf32, #tpu.memory_space<vmem>>, vector<16xf32>,
        tpu.vector_store %arg17[%swap3A_384], %unpack3A_382 {strides = array<i32>} : memref<8192xf32, #tpu.memory_space<vmem>>, vector<16xf32>,
        %swap3A_386 = arith.index_cast %mul3A_263 : i32 to index
        %swap3A_387 = tpu.vector_load %arg19[%swap3A_386] {strides = array<i32>} : memref<8192xf32, #tpu.memory_space<vmem>>, vector<16xf32>,
        tpu.vector_store %arg19[%swap3A_386], %unpack3A_383 {strides = array<i32>} : memref<8192xf32, #tpu.memory_space<vmem>>, vector<16xf32>,
        %scan3A_388 = arith.constant 2 : i32
        %scan3A_389 = arith.addi %scan3A_133, %scan3A_388 : i32
        %mul3A_390 = arith.constant 1 : i32
        %mul3A_391 = arith.muli %scan3A_389, %mul3A_390 : i32
        %add3A_392 = arith.constant 0 : i32
        %add3A_393 = arith.addi %add3A_392, %mul3A_391 : i32
        %mul3A_394 = arith.constant 16 : i32
        %mul3A_395 = arith.muli %add3A_393, %mul3A_394 : i32
        %get3A_396 = arith.index_cast %mul3A_395 : i32 to index
        %get3A_397 = tpu.vector_load %arg11[%get3A_396] {strides = array<i32>} : memref<8192xf32, #tpu.memory_space<vmem>>, vector<16xf32>,
        %add3A_398 = arith.constant 3.000000e+00 : f32
        %add3A_399 = vector.broadcast %add3A_398 : f32 to vector<16xf32>
        %add3A_400 = arith.addf %get3A_397, %add3A_399 : vector<16xf32>
        %mul3A_401 = arith.mulf %add3A_400, %gather3A : vector<16xf32>
        %convert_element_type3A_402 = arith.fptosi %mul3A_401 : vector<16xf32> to vector<16xi32>
        %convert_element_type3A_403 = arith.sitofp %convert_element_type3A_402 : vector<16xi32> to vector<16xf32>
        %sub3A_404 = arith.subf %mul3A_401, %convert_element_type3A_403 : vector<16xf32>
        %get3A_405 = arith.index_cast %mul3A_395 : i32 to index
        %get3A_406 = tpu.vector_load %arg13[%get3A_405] {strides = array<i32>} : memref<8192xf32, #tpu.memory_space<vmem>>, vector<16xf32>,
        %add3A_407 = arith.constant 3.000000e+00 : f32
        %add3A_408 = vector.broadcast %add3A_407 : f32 to vector<16xf32>
        %add3A_409 = arith.addf %get3A_406, %add3A_408 : vector<16xf32>
        %mul3A_410 = arith.mulf %add3A_409, %gather3A : vector<16xf32>
        %convert_element_type3A_411 = arith.fptosi %mul3A_410 : vector<16xf32> to vector<16xi32>
        %convert_element_type3A_412 = arith.sitofp %convert_element_type3A_411 : vector<16xi32> to vector<16xf32>
        %sub3A_413 = arith.subf %mul3A_410, %convert_element_type3A_412 : vector<16xf32>
        %get3A_414 = arith.index_cast %mul3A_395 : i32 to index
        %get3A_415 = tpu.vector_load %arg15[%get3A_414] {strides = array<i32>} : memref<8192xf32, #tpu.memory_space<vmem>>, vector<16xf32>,
        %add3A_416 = arith.constant 3.000000e+00 : f32
        %add3A_417 = vector.broadcast %add3A_416 : f32 to vector<16xf32>
        %add3A_418 = arith.addf %get3A_415, %add3A_417 : vector<16xf32>
        %mul3A_419 = arith.mulf %add3A_418, %gather3A : vector<16xf32>
        %convert_element_type3A_420 = arith.fptosi %mul3A_419 : vector<16xf32> to vector<16xi32>
        %convert_element_type3A_421 = arith.sitofp %convert_element_type3A_420 : vector<16xi32> to vector<16xf32>
        %sub3A_422 = arith.subf %mul3A_419, %convert_element_type3A_421 : vector<16xf32>
        %add3A_423 = arith.constant 1 : i32
        %add3A_424 = vector.broadcast %add3A_423 : i32 to vector<16xi32>
        %add3A_425 = arith.addi %convert_element_type3A_402, %add3A_424 : vector<16xi32>
        %mul3A_426 = arith.constant -1640531535 : i32
        %mul3A_427 = vector.broadcast %mul3A_426 : i32 to vector<16xi32>
        %mul3A_428 = arith.muli %convert_element_type3A_411, %mul3A_427 : vector<16xi32>
        %and3A_429 = arith.constant 16383 : i32
        %and3A_430 = vector.broadcast %and3A_429 : i32 to vector<16xi32>
        %and3A_431 = arith.andi %mul3A_428, %and3A_430 : vector<16xi32>
        %add3A_432 = arith.constant -1640531535 : i32
        %add3A_433 = vector.broadcast %add3A_432 : i32 to vector<16xi32>
        %add3A_434 = arith.addi %and3A_431, %add3A_433 : vector<16xi32>
        %and3A_435 = arith.constant 16383 : i32
        %and3A_436 = vector.broadcast %and3A_435 : i32 to vector<16xi32>
        %and3A_437 = arith.andi %add3A_434, %and3A_436 : vector<16xi32>
        %mul3A_438 = arith.constant 805459861 : i32
        %mul3A_439 = vector.broadcast %mul3A_438 : i32 to vector<16xi32>
        %mul3A_440 = arith.muli %convert_element_type3A_420, %mul3A_439 : vector<16xi32>
        %and3A_441 = arith.constant 16383 : i32
        %and3A_442 = vector.broadcast %and3A_441 : i32 to vector<16xi32>
        %and3A_443 = arith.andi %mul3A_440, %and3A_442 : vector<16xi32>
        %add3A_444 = arith.constant 805459861 : i32
        %add3A_445 = vector.broadcast %add3A_444 : i32 to vector<16xi32>
        %add3A_446 = arith.addi %and3A_443, %add3A_445 : vector<16xi32>
        %and3A_447 = arith.constant 16383 : i32
        %and3A_448 = vector.broadcast %and3A_447 : i32 to vector<16xi32>
        %and3A_449 = arith.andi %add3A_446, %and3A_448 : vector<16xi32>
        %xor3A_450 = arith.xori %convert_element_type3A_402, %and3A_431 : vector<16xi32>
        %xor3A_451 = arith.xori %convert_element_type3A_402, %and3A_437 : vector<16xi32>
        %xor3A_452 = arith.xori %add3A_425, %and3A_431 : vector<16xi32>
        %xor3A_453 = arith.xori %add3A_425, %and3A_437 : vector<16xi32>
        %xor3A_454 = arith.xori %xor3A_450, %and3A_443 : vector<16xi32>
        %xor3A_455 = arith.xori %xor3A_450, %and3A_449 : vector<16xi32>
        %xor3A_456 = arith.xori %xor3A_451, %and3A_443 : vector<16xi32>
        %xor3A_457 = arith.xori %xor3A_451, %and3A_449 : vector<16xi32>
        %xor3A_458 = arith.xori %xor3A_452, %and3A_443 : vector<16xi32>
        %xor3A_459 = arith.xori %xor3A_452, %and3A_449 : vector<16xi32>
        %xor3A_460 = arith.xori %xor3A_453, %and3A_443 : vector<16xi32>
        %xor3A_461 = arith.xori %xor3A_453, %and3A_449 : vector<16xi32>
        %sub3A_462 = arith.constant 1.000000e+00 : f32
        %sub3A_463 = vector.broadcast %sub3A_462 : f32 to vector<16xf32>
        %sub3A_464 = arith.subf %sub3A_463, %sub3A_404 : vector<16xf32>
        %sub3A_465 = arith.constant 1.000000e+00 : f32
        %sub3A_466 = vector.broadcast %sub3A_465 : f32 to vector<16xf32>
        %sub3A_467 = arith.subf %sub3A_466, %sub3A_413 : vector<16xf32>
        %sub3A_468 = arith.constant 1.000000e+00 : f32
        %sub3A_469 = vector.broadcast %sub3A_468 : f32 to vector<16xf32>
        %sub3A_470 = arith.subf %sub3A_469, %sub3A_422 : vector<16xf32>
        %pack3A_471 = tpu.pack_subelements %sub3A_470, %sub3A_470 {pack_format = #tpu.pack_format<interleaved>, positions = array<i32: 0, 1>} : vector<16xf32>, vector<16xf32> -> vector<32xbf16>
        %pack3A_472 = tpu.pack_subelements %sub3A_422, %sub3A_422 {pack_format = #tpu.pack_format<interleaved>, positions = array<i32: 0, 1>} : vector<16xf32>, vector<16xf32> -> vector<32xbf16>
        %pack3A_473 = tpu.pack_subelements %sub3A_467, %sub3A_467 {pack_format = #tpu.pack_format<interleaved>, positions = array<i32: 0, 1>} : vector<16xf32>, vector<16xf32> -> vector<32xbf16>
        %pack3A_474 = tpu.pack_subelements %sub3A_413, %sub3A_413 {pack_format = #tpu.pack_format<interleaved>, positions = array<i32: 0, 1>} : vector<16xf32>, vector<16xf32> -> vector<32xbf16>
        %pack3A_475 = tpu.pack_subelements %sub3A_464, %sub3A_464 {pack_format = #tpu.pack_format<interleaved>, positions = array<i32: 0, 1>} : vector<16xf32>, vector<16xf32> -> vector<32xbf16>
        %pack3A_476 = tpu.pack_subelements %sub3A_404, %sub3A_404 {pack_format = #tpu.pack_format<interleaved>, positions = array<i32: 0, 1>} : vector<16xf32>, vector<16xf32> -> vector<32xbf16>
        %gather3A_477 = tpu.vector_load_idx %arg9[%xor3A_454] : memref<16384xi32, #tpu.memory_space<vmem>>[vector<16xi32>], vector<16xi32>,
        %bitcast3A_478 = vector.bitcast %gather3A_477 : vector<16xi32> to vector<32xbf16>
        %mul3A_479 = arith.mulf %bitcast3A_478, %pack3A_471 : vector<32xbf16>
        %gather3A_480 = tpu.vector_load_idx %arg9[%xor3A_455] : memref<16384xi32, #tpu.memory_space<vmem>>[vector<16xi32>], vector<16xi32>,
        %bitcast3A_481 = vector.bitcast %gather3A_480 : vector<16xi32> to vector<32xbf16>
        %mul3A_482 = arith.mulf %bitcast3A_481, %pack3A_472 : vector<32xbf16>
        %add3A_483 = arith.addf %mul3A_479, %mul3A_482 : vector<32xbf16>
        %gather3A_484 = tpu.vector_load_idx %arg9[%xor3A_456] : memref<16384xi32, #tpu.memory_space<vmem>>[vector<16xi32>], vector<16xi32>,
        %bitcast3A_485 = vector.bitcast %gather3A_484 : vector<16xi32> to vector<32xbf16>
        %mul3A_486 = arith.mulf %bitcast3A_485, %pack3A_471 : vector<32xbf16>
        %gather3A_487 = tpu.vector_load_idx %arg9[%xor3A_457] : memref<16384xi32, #tpu.memory_space<vmem>>[vector<16xi32>], vector<16xi32>,
        %bitcast3A_488 = vector.bitcast %gather3A_487 : vector<16xi32> to vector<32xbf16>
        %mul3A_489 = arith.mulf %bitcast3A_488, %pack3A_472 : vector<32xbf16>
        %add3A_490 = arith.addf %mul3A_486, %mul3A_489 : vector<32xbf16>
        %gather3A_491 = tpu.vector_load_idx %arg9[%xor3A_458] : memref<16384xi32, #tpu.memory_space<vmem>>[vector<16xi32>], vector<16xi32>,
        %bitcast3A_492 = vector.bitcast %gather3A_491 : vector<16xi32> to vector<32xbf16>
        %mul3A_493 = arith.mulf %bitcast3A_492, %pack3A_471 : vector<32xbf16>
        %gather3A_494 = tpu.vector_load_idx %arg9[%xor3A_459] : memref<16384xi32, #tpu.memory_space<vmem>>[vector<16xi32>], vector<16xi32>,
        %bitcast3A_495 = vector.bitcast %gather3A_494 : vector<16xi32> to vector<32xbf16>
        %mul3A_496 = arith.mulf %bitcast3A_495, %pack3A_472 : vector<32xbf16>
        %add3A_497 = arith.addf %mul3A_493, %mul3A_496 : vector<32xbf16>
        %gather3A_498 = tpu.vector_load_idx %arg9[%xor3A_460] : memref<16384xi32, #tpu.memory_space<vmem>>[vector<16xi32>], vector<16xi32>,
        %bitcast3A_499 = vector.bitcast %gather3A_498 : vector<16xi32> to vector<32xbf16>
        %mul3A_500 = arith.mulf %bitcast3A_499, %pack3A_471 : vector<32xbf16>
        %gather3A_501 = tpu.vector_load_idx %arg9[%xor3A_461] : memref<16384xi32, #tpu.memory_space<vmem>>[vector<16xi32>], vector<16xi32>,
        %bitcast3A_502 = vector.bitcast %gather3A_501 : vector<16xi32> to vector<32xbf16>
        %mul3A_503 = arith.mulf %bitcast3A_502, %pack3A_472 : vector<32xbf16>
        %add3A_504 = arith.addf %mul3A_500, %mul3A_503 : vector<32xbf16>
        %mul3A_505 = arith.mulf %add3A_483, %pack3A_473 : vector<32xbf16>
        %mul3A_506 = arith.mulf %add3A_490, %pack3A_474 : vector<32xbf16>
        %add3A_507 = arith.addf %mul3A_505, %mul3A_506 : vector<32xbf16>
        %mul3A_508 = arith.mulf %add3A_497, %pack3A_473 : vector<32xbf16>
        %mul3A_509 = arith.mulf %add3A_504, %pack3A_474 : vector<32xbf16>
        %add3A_510 = arith.addf %mul3A_508, %mul3A_509 : vector<32xbf16>
        %mul3A_511 = arith.mulf %add3A_507, %pack3A_475 : vector<32xbf16>
        %mul3A_512 = arith.mulf %add3A_510, %pack3A_476 : vector<32xbf16>
        %add3A_513 = arith.addf %mul3A_511, %mul3A_512 : vector<32xbf16>
        %unpack3A_514 = tpu.unpack_subelements %add3A_513, 0 {pack_format = #tpu.pack_format<interleaved>} : vector<32xbf16> -> vector<16xf32>
        %unpack3A_515 = tpu.unpack_subelements %add3A_513, 1 {pack_format = #tpu.pack_format<interleaved>} : vector<32xbf16> -> vector<16xf32>
        %swap3A_516 = arith.index_cast %mul3A_395 : i32 to index
        %swap3A_517 = tpu.vector_load %arg17[%swap3A_516] {strides = array<i32>} : memref<8192xf32, #tpu.memory_space<vmem>>, vector<16xf32>,
        tpu.vector_store %arg17[%swap3A_516], %unpack3A_514 {strides = array<i32>} : memref<8192xf32, #tpu.memory_space<vmem>>, vector<16xf32>,
        %swap3A_518 = arith.index_cast %mul3A_395 : i32 to index
        %swap3A_519 = tpu.vector_load %arg19[%swap3A_518] {strides = array<i32>} : memref<8192xf32, #tpu.memory_space<vmem>>, vector<16xf32>,
        tpu.vector_store %arg19[%swap3A_518], %unpack3A_515 {strides = array<i32>} : memref<8192xf32, #tpu.memory_space<vmem>>, vector<16xf32>,
        %scan3A_520 = arith.constant 3 : i32
        %scan3A_521 = arith.addi %scan3A_133, %scan3A_520 : i32
        %mul3A_522 = arith.constant 1 : i32
        %mul3A_523 = arith.muli %scan3A_521, %mul3A_522 : i32
        %add3A_524 = arith.constant 0 : i32
        %add3A_525 = arith.addi %add3A_524, %mul3A_523 : i32
        %mul3A_526 = arith.constant 16 : i32
        %mul3A_527 = arith.muli %add3A_525, %mul3A_526 : i32
        %get3A_528 = arith.index_cast %mul3A_527 : i32 to index
        %get3A_529 = tpu.vector_load %arg11[%get3A_528] {strides = array<i32>} : memref<8192xf32, #tpu.memory_space<vmem>>, vector<16xf32>,
        %add3A_530 = arith.constant 3.000000e+00 : f32
        %add3A_531 = vector.broadcast %add3A_530 : f32 to vector<16xf32>
        %add3A_532 = arith.addf %get3A_529, %add3A_531 : vector<16xf32>
        %mul3A_533 = arith.mulf %add3A_532, %gather3A : vector<16xf32>
        %convert_element_type3A_534 = arith.fptosi %mul3A_533 : vector<16xf32> to vector<16xi32>
        %convert_element_type3A_535 = arith.sitofp %convert_element_type3A_534 : vector<16xi32> to vector<16xf32>
        %sub3A_536 = arith.subf %mul3A_533, %convert_element_type3A_535 : vector<16xf32>
        %get3A_537 = arith.index_cast %mul3A_527 : i32 to index
        %get3A_538 = tpu.vector_load %arg13[%get3A_537] {strides = array<i32>} : memref<8192xf32, #tpu.memory_space<vmem>>, vector<16xf32>,
        %add3A_539 = arith.constant 3.000000e+00 : f32
        %add3A_540 = vector.broadcast %add3A_539 : f32 to vector<16xf32>
        %add3A_541 = arith.addf %get3A_538, %add3A_540 : vector<16xf32>
        %mul3A_542 = arith.mulf %add3A_541, %gather3A : vector<16xf32>
        %convert_element_type3A_543 = arith.fptosi %mul3A_542 : vector<16xf32> to vector<16xi32>
        %convert_element_type3A_544 = arith.sitofp %convert_element_type3A_543 : vector<16xi32> to vector<16xf32>
        %sub3A_545 = arith.subf %mul3A_542, %convert_element_type3A_544 : vector<16xf32>
        %get3A_546 = arith.index_cast %mul3A_527 : i32 to index
        %get3A_547 = tpu.vector_load %arg15[%get3A_546] {strides = array<i32>} : memref<8192xf32, #tpu.memory_space<vmem>>, vector<16xf32>,
        %add3A_548 = arith.constant 3.000000e+00 : f32
        %add3A_549 = vector.broadcast %add3A_548 : f32 to vector<16xf32>
        %add3A_550 = arith.addf %get3A_547, %add3A_549 : vector<16xf32>
        %mul3A_551 = arith.mulf %add3A_550, %gather3A : vector<16xf32>
        %convert_element_type3A_552 = arith.fptosi %mul3A_551 : vector<16xf32> to vector<16xi32>
        %convert_element_type3A_553 = arith.sitofp %convert_element_type3A_552 : vector<16xi32> to vector<16xf32>
        %sub3A_554 = arith.subf %mul3A_551, %convert_element_type3A_553 : vector<16xf32>
        %add3A_555 = arith.constant 1 : i32
        %add3A_556 = vector.broadcast %add3A_555 : i32 to vector<16xi32>
        %add3A_557 = arith.addi %convert_element_type3A_534, %add3A_556 : vector<16xi32>
        %mul3A_558 = arith.constant -1640531535 : i32
        %mul3A_559 = vector.broadcast %mul3A_558 : i32 to vector<16xi32>
        %mul3A_560 = arith.muli %convert_element_type3A_543, %mul3A_559 : vector<16xi32>
        %and3A_561 = arith.constant 16383 : i32
        %and3A_562 = vector.broadcast %and3A_561 : i32 to vector<16xi32>
        %and3A_563 = arith.andi %mul3A_560, %and3A_562 : vector<16xi32>
        %add3A_564 = arith.constant -1640531535 : i32
        %add3A_565 = vector.broadcast %add3A_564 : i32 to vector<16xi32>
        %add3A_566 = arith.addi %and3A_563, %add3A_565 : vector<16xi32>
        %and3A_567 = arith.constant 16383 : i32
        %and3A_568 = vector.broadcast %and3A_567 : i32 to vector<16xi32>
        %and3A_569 = arith.andi %add3A_566, %and3A_568 : vector<16xi32>
        %mul3A_570 = arith.constant 805459861 : i32
        %mul3A_571 = vector.broadcast %mul3A_570 : i32 to vector<16xi32>
        %mul3A_572 = arith.muli %convert_element_type3A_552, %mul3A_571 : vector<16xi32>
        %and3A_573 = arith.constant 16383 : i32
        %and3A_574 = vector.broadcast %and3A_573 : i32 to vector<16xi32>
        %and3A_575 = arith.andi %mul3A_572, %and3A_574 : vector<16xi32>
        %add3A_576 = arith.constant 805459861 : i32
        %add3A_577 = vector.broadcast %add3A_576 : i32 to vector<16xi32>
        %add3A_578 = arith.addi %and3A_575, %add3A_577 : vector<16xi32>
        %and3A_579 = arith.constant 16383 : i32
        %and3A_580 = vector.broadcast %and3A_579 : i32 to vector<16xi32>
        %and3A_581 = arith.andi %add3A_578, %and3A_580 : vector<16xi32>
        %xor3A_582 = arith.xori %convert_element_type3A_534, %and3A_563 : vector<16xi32>
        %xor3A_583 = arith.xori %convert_element_type3A_534, %and3A_569 : vector<16xi32>
        %xor3A_584 = arith.xori %add3A_557, %and3A_563 : vector<16xi32>
        %xor3A_585 = arith.xori %add3A_557, %and3A_569 : vector<16xi32>
        %xor3A_586 = arith.xori %xor3A_582, %and3A_575 : vector<16xi32>
        %xor3A_587 = arith.xori %xor3A_582, %and3A_581 : vector<16xi32>
        %xor3A_588 = arith.xori %xor3A_583, %and3A_575 : vector<16xi32>
        %xor3A_589 = arith.xori %xor3A_583, %and3A_581 : vector<16xi32>
        %xor3A_590 = arith.xori %xor3A_584, %and3A_575 : vector<16xi32>
        %xor3A_591 = arith.xori %xor3A_584, %and3A_581 : vector<16xi32>
        %xor3A_592 = arith.xori %xor3A_585, %and3A_575 : vector<16xi32>
        %xor3A_593 = arith.xori %xor3A_585, %and3A_581 : vector<16xi32>
        %sub3A_594 = arith.constant 1.000000e+00 : f32
        %sub3A_595 = vector.broadcast %sub3A_594 : f32 to vector<16xf32>
        %sub3A_596 = arith.subf %sub3A_595, %sub3A_536 : vector<16xf32>
        %sub3A_597 = arith.constant 1.000000e+00 : f32
        %sub3A_598 = vector.broadcast %sub3A_597 : f32 to vector<16xf32>
        %sub3A_599 = arith.subf %sub3A_598, %sub3A_545 : vector<16xf32>
        %sub3A_600 = arith.constant 1.000000e+00 : f32
        %sub3A_601 = vector.broadcast %sub3A_600 : f32 to vector<16xf32>
        %sub3A_602 = arith.subf %sub3A_601, %sub3A_554 : vector<16xf32>
        %pack3A_603 = tpu.pack_subelements %sub3A_602, %sub3A_602 {pack_format = #tpu.pack_format<interleaved>, positions = array<i32: 0, 1>} : vector<16xf32>, vector<16xf32> -> vector<32xbf16>
        %pack3A_604 = tpu.pack_subelements %sub3A_554, %sub3A_554 {pack_format = #tpu.pack_format<interleaved>, positions = array<i32: 0, 1>} : vector<16xf32>, vector<16xf32> -> vector<32xbf16>
        %pack3A_605 = tpu.pack_subelements %sub3A_599, %sub3A_599 {pack_format = #tpu.pack_format<interleaved>, positions = array<i32: 0, 1>} : vector<16xf32>, vector<16xf32> -> vector<32xbf16>
        %pack3A_606 = tpu.pack_subelements %sub3A_545, %sub3A_545 {pack_format = #tpu.pack_format<interleaved>, positions = array<i32: 0, 1>} : vector<16xf32>, vector<16xf32> -> vector<32xbf16>
        %pack3A_607 = tpu.pack_subelements %sub3A_596, %sub3A_596 {pack_format = #tpu.pack_format<interleaved>, positions = array<i32: 0, 1>} : vector<16xf32>, vector<16xf32> -> vector<32xbf16>
        %pack3A_608 = tpu.pack_subelements %sub3A_536, %sub3A_536 {pack_format = #tpu.pack_format<interleaved>, positions = array<i32: 0, 1>} : vector<16xf32>, vector<16xf32> -> vector<32xbf16>
        %gather3A_609 = tpu.vector_load_idx %arg9[%xor3A_586] : memref<16384xi32, #tpu.memory_space<vmem>>[vector<16xi32>], vector<16xi32>,
        %bitcast3A_610 = vector.bitcast %gather3A_609 : vector<16xi32> to vector<32xbf16>
        %mul3A_611 = arith.mulf %bitcast3A_610, %pack3A_603 : vector<32xbf16>
        %gather3A_612 = tpu.vector_load_idx %arg9[%xor3A_587] : memref<16384xi32, #tpu.memory_space<vmem>>[vector<16xi32>], vector<16xi32>,
        %bitcast3A_613 = vector.bitcast %gather3A_612 : vector<16xi32> to vector<32xbf16>
        %mul3A_614 = arith.mulf %bitcast3A_613, %pack3A_604 : vector<32xbf16>
        %add3A_615 = arith.addf %mul3A_611, %mul3A_614 : vector<32xbf16>
        %gather3A_616 = tpu.vector_load_idx %arg9[%xor3A_588] : memref<16384xi32, #tpu.memory_space<vmem>>[vector<16xi32>], vector<16xi32>,
        %bitcast3A_617 = vector.bitcast %gather3A_616 : vector<16xi32> to vector<32xbf16>
        %mul3A_618 = arith.mulf %bitcast3A_617, %pack3A_603 : vector<32xbf16>
        %gather3A_619 = tpu.vector_load_idx %arg9[%xor3A_589] : memref<16384xi32, #tpu.memory_space<vmem>>[vector<16xi32>], vector<16xi32>,
        %bitcast3A_620 = vector.bitcast %gather3A_619 : vector<16xi32> to vector<32xbf16>
        %mul3A_621 = arith.mulf %bitcast3A_620, %pack3A_604 : vector<32xbf16>
        %add3A_622 = arith.addf %mul3A_618, %mul3A_621 : vector<32xbf16>
        %gather3A_623 = tpu.vector_load_idx %arg9[%xor3A_590] : memref<16384xi32, #tpu.memory_space<vmem>>[vector<16xi32>], vector<16xi32>,
        %bitcast3A_624 = vector.bitcast %gather3A_623 : vector<16xi32> to vector<32xbf16>
        %mul3A_625 = arith.mulf %bitcast3A_624, %pack3A_603 : vector<32xbf16>
        %gather3A_626 = tpu.vector_load_idx %arg9[%xor3A_591] : memref<16384xi32, #tpu.memory_space<vmem>>[vector<16xi32>], vector<16xi32>,
        %bitcast3A_627 = vector.bitcast %gather3A_626 : vector<16xi32> to vector<32xbf16>
        %mul3A_628 = arith.mulf %bitcast3A_627, %pack3A_604 : vector<32xbf16>
        %add3A_629 = arith.addf %mul3A_625, %mul3A_628 : vector<32xbf16>
        %gather3A_630 = tpu.vector_load_idx %arg9[%xor3A_592] : memref<16384xi32, #tpu.memory_space<vmem>>[vector<16xi32>], vector<16xi32>,
        %bitcast3A_631 = vector.bitcast %gather3A_630 : vector<16xi32> to vector<32xbf16>
        %mul3A_632 = arith.mulf %bitcast3A_631, %pack3A_603 : vector<32xbf16>
        %gather3A_633 = tpu.vector_load_idx %arg9[%xor3A_593] : memref<16384xi32, #tpu.memory_space<vmem>>[vector<16xi32>], vector<16xi32>,
        %bitcast3A_634 = vector.bitcast %gather3A_633 : vector<16xi32> to vector<32xbf16>
        %mul3A_635 = arith.mulf %bitcast3A_634, %pack3A_604 : vector<32xbf16>
        %add3A_636 = arith.addf %mul3A_632, %mul3A_635 : vector<32xbf16>
        %mul3A_637 = arith.mulf %add3A_615, %pack3A_605 : vector<32xbf16>
        %mul3A_638 = arith.mulf %add3A_622, %pack3A_606 : vector<32xbf16>
        %add3A_639 = arith.addf %mul3A_637, %mul3A_638 : vector<32xbf16>
        %mul3A_640 = arith.mulf %add3A_629, %pack3A_605 : vector<32xbf16>
        %mul3A_641 = arith.mulf %add3A_636, %pack3A_606 : vector<32xbf16>
        %add3A_642 = arith.addf %mul3A_640, %mul3A_641 : vector<32xbf16>
        %mul3A_643 = arith.mulf %add3A_639, %pack3A_607 : vector<32xbf16>
        %mul3A_644 = arith.mulf %add3A_642, %pack3A_608 : vector<32xbf16>
        %add3A_645 = arith.addf %mul3A_643, %mul3A_644 : vector<32xbf16>
        %unpack3A_646 = tpu.unpack_subelements %add3A_645, 0 {pack_format = #tpu.pack_format<interleaved>} : vector<32xbf16> -> vector<16xf32>
        %unpack3A_647 = tpu.unpack_subelements %add3A_645, 1 {pack_format = #tpu.pack_format<interleaved>} : vector<32xbf16> -> vector<16xf32>
        %swap3A_648 = arith.index_cast %mul3A_527 : i32 to index
        %swap3A_649 = tpu.vector_load %arg17[%swap3A_648] {strides = array<i32>} : memref<8192xf32, #tpu.memory_space<vmem>>, vector<16xf32>,
        tpu.vector_store %arg17[%swap3A_648], %unpack3A_646 {strides = array<i32>} : memref<8192xf32, #tpu.memory_space<vmem>>, vector<16xf32>,
        %swap3A_650 = arith.index_cast %mul3A_527 : i32 to index
        %swap3A_651 = tpu.vector_load %arg19[%swap3A_650] {strides = array<i32>} : memref<8192xf32, #tpu.memory_space<vmem>>, vector<16xf32>,
        tpu.vector_store %arg19[%swap3A_650], %unpack3A_647 {strides = array<i32>} : memref<8192xf32, #tpu.memory_space<vmem>>, vector<16xf32>,
        %scan3A_652 = arith.constant 4 : i32
        %scan3A_653 = arith.addi %scan3A_133, %scan3A_652 : i32
        %mul3A_654 = arith.constant 1 : i32
        %mul3A_655 = arith.muli %scan3A_653, %mul3A_654 : i32
        %add3A_656 = arith.constant 0 : i32
        %add3A_657 = arith.addi %add3A_656, %mul3A_655 : i32
        %mul3A_658 = arith.constant 16 : i32
        %mul3A_659 = arith.muli %add3A_657, %mul3A_658 : i32
        %get3A_660 = arith.index_cast %mul3A_659 : i32 to index
        %get3A_661 = tpu.vector_load %arg11[%get3A_660] {strides = array<i32>} : memref<8192xf32, #tpu.memory_space<vmem>>, vector<16xf32>,
        %add3A_662 = arith.constant 3.000000e+00 : f32
        %add3A_663 = vector.broadcast %add3A_662 : f32 to vector<16xf32>
        %add3A_664 = arith.addf %get3A_661, %add3A_663 : vector<16xf32>
        %mul3A_665 = arith.mulf %add3A_664, %gather3A : vector<16xf32>
        %convert_element_type3A_666 = arith.fptosi %mul3A_665 : vector<16xf32> to vector<16xi32>
        %convert_element_type3A_667 = arith.sitofp %convert_element_type3A_666 : vector<16xi32> to vector<16xf32>
        %sub3A_668 = arith.subf %mul3A_665, %convert_element_type3A_667 : vector<16xf32>
        %get3A_669 = arith.index_cast %mul3A_659 : i32 to index
        %get3A_670 = tpu.vector_load %arg13[%get3A_669] {strides = array<i32>} : memref<8192xf32, #tpu.memory_space<vmem>>, vector<16xf32>,
        %add3A_671 = arith.constant 3.000000e+00 : f32
        %add3A_672 = vector.broadcast %add3A_671 : f32 to vector<16xf32>
        %add3A_673 = arith.addf %get3A_670, %add3A_672 : vector<16xf32>
        %mul3A_674 = arith.mulf %add3A_673, %gather3A : vector<16xf32>
        %convert_element_type3A_675 = arith.fptosi %mul3A_674 : vector<16xf32> to vector<16xi32>
        %convert_element_type3A_676 = arith.sitofp %convert_element_type3A_675 : vector<16xi32> to vector<16xf32>
        %sub3A_677 = arith.subf %mul3A_674, %convert_element_type3A_676 : vector<16xf32>
        %get3A_678 = arith.index_cast %mul3A_659 : i32 to index
        %get3A_679 = tpu.vector_load %arg15[%get3A_678] {strides = array<i32>} : memref<8192xf32, #tpu.memory_space<vmem>>, vector<16xf32>,
        %add3A_680 = arith.constant 3.000000e+00 : f32
        %add3A_681 = vector.broadcast %add3A_680 : f32 to vector<16xf32>
        %add3A_682 = arith.addf %get3A_679, %add3A_681 : vector<16xf32>
        %mul3A_683 = arith.mulf %add3A_682, %gather3A : vector<16xf32>
        %convert_element_type3A_684 = arith.fptosi %mul3A_683 : vector<16xf32> to vector<16xi32>
        %convert_element_type3A_685 = arith.sitofp %convert_element_type3A_684 : vector<16xi32> to vector<16xf32>
        %sub3A_686 = arith.subf %mul3A_683, %convert_element_type3A_685 : vector<16xf32>
        %add3A_687 = arith.constant 1 : i32
        %add3A_688 = vector.broadcast %add3A_687 : i32 to vector<16xi32>
        %add3A_689 = arith.addi %convert_element_type3A_666, %add3A_688 : vector<16xi32>
        %mul3A_690 = arith.constant -1640531535 : i32
        %mul3A_691 = vector.broadcast %mul3A_690 : i32 to vector<16xi32>
        %mul3A_692 = arith.muli %convert_element_type3A_675, %mul3A_691 : vector<16xi32>
        %and3A_693 = arith.constant 16383 : i32
        %and3A_694 = vector.broadcast %and3A_693 : i32 to vector<16xi32>
        %and3A_695 = arith.andi %mul3A_692, %and3A_694 : vector<16xi32>
        %add3A_696 = arith.constant -1640531535 : i32
        %add3A_697 = vector.broadcast %add3A_696 : i32 to vector<16xi32>
        %add3A_698 = arith.addi %and3A_695, %add3A_697 : vector<16xi32>
        %and3A_699 = arith.constant 16383 : i32
        %and3A_700 = vector.broadcast %and3A_699 : i32 to vector<16xi32>
        %and3A_701 = arith.andi %add3A_698, %and3A_700 : vector<16xi32>
        %mul3A_702 = arith.constant 805459861 : i32
        %mul3A_703 = vector.broadcast %mul3A_702 : i32 to vector<16xi32>
        %mul3A_704 = arith.muli %convert_element_type3A_684, %mul3A_703 : vector<16xi32>
        %and3A_705 = arith.constant 16383 : i32
        %and3A_706 = vector.broadcast %and3A_705 : i32 to vector<16xi32>
        %and3A_707 = arith.andi %mul3A_704, %and3A_706 : vector<16xi32>
        %add3A_708 = arith.constant 805459861 : i32
        %add3A_709 = vector.broadcast %add3A_708 : i32 to vector<16xi32>
        %add3A_710 = arith.addi %and3A_707, %add3A_709 : vector<16xi32>
        %and3A_711 = arith.constant 16383 : i32
        %and3A_712 = vector.broadcast %and3A_711 : i32 to vector<16xi32>
        %and3A_713 = arith.andi %add3A_710, %and3A_712 : vector<16xi32>
        %xor3A_714 = arith.xori %convert_element_type3A_666, %and3A_695 : vector<16xi32>
        %xor3A_715 = arith.xori %convert_element_type3A_666, %and3A_701 : vector<16xi32>
        %xor3A_716 = arith.xori %add3A_689, %and3A_695 : vector<16xi32>
        %xor3A_717 = arith.xori %add3A_689, %and3A_701 : vector<16xi32>
        %xor3A_718 = arith.xori %xor3A_714, %and3A_707 : vector<16xi32>
        %xor3A_719 = arith.xori %xor3A_714, %and3A_713 : vector<16xi32>
        %xor3A_720 = arith.xori %xor3A_715, %and3A_707 : vector<16xi32>
        %xor3A_721 = arith.xori %xor3A_715, %and3A_713 : vector<16xi32>
        %xor3A_722 = arith.xori %xor3A_716, %and3A_707 : vector<16xi32>
        %xor3A_723 = arith.xori %xor3A_716, %and3A_713 : vector<16xi32>
        %xor3A_724 = arith.xori %xor3A_717, %and3A_707 : vector<16xi32>
        %xor3A_725 = arith.xori %xor3A_717, %and3A_713 : vector<16xi32>
        %sub3A_726 = arith.constant 1.000000e+00 : f32
        %sub3A_727 = vector.broadcast %sub3A_726 : f32 to vector<16xf32>
        %sub3A_728 = arith.subf %sub3A_727, %sub3A_668 : vector<16xf32>
        %sub3A_729 = arith.constant 1.000000e+00 : f32
        %sub3A_730 = vector.broadcast %sub3A_729 : f32 to vector<16xf32>
        %sub3A_731 = arith.subf %sub3A_730, %sub3A_677 : vector<16xf32>
        %sub3A_732 = arith.constant 1.000000e+00 : f32
        %sub3A_733 = vector.broadcast %sub3A_732 : f32 to vector<16xf32>
        %sub3A_734 = arith.subf %sub3A_733, %sub3A_686 : vector<16xf32>
        %pack3A_735 = tpu.pack_subelements %sub3A_734, %sub3A_734 {pack_format = #tpu.pack_format<interleaved>, positions = array<i32: 0, 1>} : vector<16xf32>, vector<16xf32> -> vector<32xbf16>
        %pack3A_736 = tpu.pack_subelements %sub3A_686, %sub3A_686 {pack_format = #tpu.pack_format<interleaved>, positions = array<i32: 0, 1>} : vector<16xf32>, vector<16xf32> -> vector<32xbf16>
        %pack3A_737 = tpu.pack_subelements %sub3A_731, %sub3A_731 {pack_format = #tpu.pack_format<interleaved>, positions = array<i32: 0, 1>} : vector<16xf32>, vector<16xf32> -> vector<32xbf16>
        %pack3A_738 = tpu.pack_subelements %sub3A_677, %sub3A_677 {pack_format = #tpu.pack_format<interleaved>, positions = array<i32: 0, 1>} : vector<16xf32>, vector<16xf32> -> vector<32xbf16>
        %pack3A_739 = tpu.pack_subelements %sub3A_728, %sub3A_728 {pack_format = #tpu.pack_format<interleaved>, positions = array<i32: 0, 1>} : vector<16xf32>, vector<16xf32> -> vector<32xbf16>
        %pack3A_740 = tpu.pack_subelements %sub3A_668, %sub3A_668 {pack_format = #tpu.pack_format<interleaved>, positions = array<i32: 0, 1>} : vector<16xf32>, vector<16xf32> -> vector<32xbf16>
        %gather3A_741 = tpu.vector_load_idx %arg9[%xor3A_718] : memref<16384xi32, #tpu.memory_space<vmem>>[vector<16xi32>], vector<16xi32>,
        %bitcast3A_742 = vector.bitcast %gather3A_741 : vector<16xi32> to vector<32xbf16>
        %mul3A_743 = arith.mulf %bitcast3A_742, %pack3A_735 : vector<32xbf16>
        %gather3A_744 = tpu.vector_load_idx %arg9[%xor3A_719] : memref<16384xi32, #tpu.memory_space<vmem>>[vector<16xi32>], vector<16xi32>,
        %bitcast3A_745 = vector.bitcast %gather3A_744 : vector<16xi32> to vector<32xbf16>
        %mul3A_746 = arith.mulf %bitcast3A_745, %pack3A_736 : vector<32xbf16>
        %add3A_747 = arith.addf %mul3A_743, %mul3A_746 : vector<32xbf16>
        %gather3A_748 = tpu.vector_load_idx %arg9[%xor3A_720] : memref<16384xi32, #tpu.memory_space<vmem>>[vector<16xi32>], vector<16xi32>,
        %bitcast3A_749 = vector.bitcast %gather3A_748 : vector<16xi32> to vector<32xbf16>
        %mul3A_750 = arith.mulf %bitcast3A_749, %pack3A_735 : vector<32xbf16>
        %gather3A_751 = tpu.vector_load_idx %arg9[%xor3A_721] : memref<16384xi32, #tpu.memory_space<vmem>>[vector<16xi32>], vector<16xi32>,
        %bitcast3A_752 = vector.bitcast %gather3A_751 : vector<16xi32> to vector<32xbf16>
        %mul3A_753 = arith.mulf %bitcast3A_752, %pack3A_736 : vector<32xbf16>
        %add3A_754 = arith.addf %mul3A_750, %mul3A_753 : vector<32xbf16>
        %gather3A_755 = tpu.vector_load_idx %arg9[%xor3A_722] : memref<16384xi32, #tpu.memory_space<vmem>>[vector<16xi32>], vector<16xi32>,
        %bitcast3A_756 = vector.bitcast %gather3A_755 : vector<16xi32> to vector<32xbf16>
        %mul3A_757 = arith.mulf %bitcast3A_756, %pack3A_735 : vector<32xbf16>
        %gather3A_758 = tpu.vector_load_idx %arg9[%xor3A_723] : memref<16384xi32, #tpu.memory_space<vmem>>[vector<16xi32>], vector<16xi32>,
        %bitcast3A_759 = vector.bitcast %gather3A_758 : vector<16xi32> to vector<32xbf16>
        %mul3A_760 = arith.mulf %bitcast3A_759, %pack3A_736 : vector<32xbf16>
        %add3A_761 = arith.addf %mul3A_757, %mul3A_760 : vector<32xbf16>
        %gather3A_762 = tpu.vector_load_idx %arg9[%xor3A_724] : memref<16384xi32, #tpu.memory_space<vmem>>[vector<16xi32>], vector<16xi32>,
        %bitcast3A_763 = vector.bitcast %gather3A_762 : vector<16xi32> to vector<32xbf16>
        %mul3A_764 = arith.mulf %bitcast3A_763, %pack3A_735 : vector<32xbf16>
        %gather3A_765 = tpu.vector_load_idx %arg9[%xor3A_725] : memref<16384xi32, #tpu.memory_space<vmem>>[vector<16xi32>], vector<16xi32>,
        %bitcast3A_766 = vector.bitcast %gather3A_765 : vector<16xi32> to vector<32xbf16>
        %mul3A_767 = arith.mulf %bitcast3A_766, %pack3A_736 : vector<32xbf16>
        %add3A_768 = arith.addf %mul3A_764, %mul3A_767 : vector<32xbf16>
        %mul3A_769 = arith.mulf %add3A_747, %pack3A_737 : vector<32xbf16>
        %mul3A_770 = arith.mulf %add3A_754, %pack3A_738 : vector<32xbf16>
        %add3A_771 = arith.addf %mul3A_769, %mul3A_770 : vector<32xbf16>
        %mul3A_772 = arith.mulf %add3A_761, %pack3A_737 : vector<32xbf16>
        %mul3A_773 = arith.mulf %add3A_768, %pack3A_738 : vector<32xbf16>
        %add3A_774 = arith.addf %mul3A_772, %mul3A_773 : vector<32xbf16>
        %mul3A_775 = arith.mulf %add3A_771, %pack3A_739 : vector<32xbf16>
        %mul3A_776 = arith.mulf %add3A_774, %pack3A_740 : vector<32xbf16>
        %add3A_777 = arith.addf %mul3A_775, %mul3A_776 : vector<32xbf16>
        %unpack3A_778 = tpu.unpack_subelements %add3A_777, 0 {pack_format = #tpu.pack_format<interleaved>} : vector<32xbf16> -> vector<16xf32>
        %unpack3A_779 = tpu.unpack_subelements %add3A_777, 1 {pack_format = #tpu.pack_format<interleaved>} : vector<32xbf16> -> vector<16xf32>
        %swap3A_780 = arith.index_cast %mul3A_659 : i32 to index
        %swap3A_781 = tpu.vector_load %arg17[%swap3A_780] {strides = array<i32>} : memref<8192xf32, #tpu.memory_space<vmem>>, vector<16xf32>,
        tpu.vector_store %arg17[%swap3A_780], %unpack3A_778 {strides = array<i32>} : memref<8192xf32, #tpu.memory_space<vmem>>, vector<16xf32>,
        %swap3A_782 = arith.index_cast %mul3A_659 : i32 to index
        %swap3A_783 = tpu.vector_load %arg19[%swap3A_782] {strides = array<i32>} : memref<8192xf32, #tpu.memory_space<vmem>>, vector<16xf32>,
        tpu.vector_store %arg19[%swap3A_782], %unpack3A_779 {strides = array<i32>} : memref<8192xf32, #tpu.memory_space<vmem>>, vector<16xf32>,
        %scan3A_784 = arith.constant 5 : i32
        %scan3A_785 = arith.addi %scan3A_133, %scan3A_784 : i32
        %mul3A_786 = arith.constant 1 : i32
        %mul3A_787 = arith.muli %scan3A_785, %mul3A_786 : i32
        %add3A_788 = arith.constant 0 : i32
        %add3A_789 = arith.addi %add3A_788, %mul3A_787 : i32
        %mul3A_790 = arith.constant 16 : i32
        %mul3A_791 = arith.muli %add3A_789, %mul3A_790 : i32
        %get3A_792 = arith.index_cast %mul3A_791 : i32 to index
        %get3A_793 = tpu.vector_load %arg11[%get3A_792] {strides = array<i32>} : memref<8192xf32, #tpu.memory_space<vmem>>, vector<16xf32>,
        %add3A_794 = arith.constant 3.000000e+00 : f32
        %add3A_795 = vector.broadcast %add3A_794 : f32 to vector<16xf32>
        %add3A_796 = arith.addf %get3A_793, %add3A_795 : vector<16xf32>
        %mul3A_797 = arith.mulf %add3A_796, %gather3A : vector<16xf32>
        %convert_element_type3A_798 = arith.fptosi %mul3A_797 : vector<16xf32> to vector<16xi32>
        %convert_element_type3A_799 = arith.sitofp %convert_element_type3A_798 : vector<16xi32> to vector<16xf32>
        %sub3A_800 = arith.subf %mul3A_797, %convert_element_type3A_799 : vector<16xf32>
        %get3A_801 = arith.index_cast %mul3A_791 : i32 to index
        %get3A_802 = tpu.vector_load %arg13[%get3A_801] {strides = array<i32>} : memref<8192xf32, #tpu.memory_space<vmem>>, vector<16xf32>,
        %add3A_803 = arith.constant 3.000000e+00 : f32
        %add3A_804 = vector.broadcast %add3A_803 : f32 to vector<16xf32>
        %add3A_805 = arith.addf %get3A_802, %add3A_804 : vector<16xf32>
        %mul3A_806 = arith.mulf %add3A_805, %gather3A : vector<16xf32>
        %convert_element_type3A_807 = arith.fptosi %mul3A_806 : vector<16xf32> to vector<16xi32>
        %convert_element_type3A_808 = arith.sitofp %convert_element_type3A_807 : vector<16xi32> to vector<16xf32>
        %sub3A_809 = arith.subf %mul3A_806, %convert_element_type3A_808 : vector<16xf32>
        %get3A_810 = arith.index_cast %mul3A_791 : i32 to index
        %get3A_811 = tpu.vector_load %arg15[%get3A_810] {strides = array<i32>} : memref<8192xf32, #tpu.memory_space<vmem>>, vector<16xf32>,
        %add3A_812 = arith.constant 3.000000e+00 : f32
        %add3A_813 = vector.broadcast %add3A_812 : f32 to vector<16xf32>
        %add3A_814 = arith.addf %get3A_811, %add3A_813 : vector<16xf32>
        %mul3A_815 = arith.mulf %add3A_814, %gather3A : vector<16xf32>
        %convert_element_type3A_816 = arith.fptosi %mul3A_815 : vector<16xf32> to vector<16xi32>
        %convert_element_type3A_817 = arith.sitofp %convert_element_type3A_816 : vector<16xi32> to vector<16xf32>
        %sub3A_818 = arith.subf %mul3A_815, %convert_element_type3A_817 : vector<16xf32>
        %add3A_819 = arith.constant 1 : i32
        %add3A_820 = vector.broadcast %add3A_819 : i32 to vector<16xi32>
        %add3A_821 = arith.addi %convert_element_type3A_798, %add3A_820 : vector<16xi32>
        %mul3A_822 = arith.constant -1640531535 : i32
        %mul3A_823 = vector.broadcast %mul3A_822 : i32 to vector<16xi32>
        %mul3A_824 = arith.muli %convert_element_type3A_807, %mul3A_823 : vector<16xi32>
        %and3A_825 = arith.constant 16383 : i32
        %and3A_826 = vector.broadcast %and3A_825 : i32 to vector<16xi32>
        %and3A_827 = arith.andi %mul3A_824, %and3A_826 : vector<16xi32>
        %add3A_828 = arith.constant -1640531535 : i32
        %add3A_829 = vector.broadcast %add3A_828 : i32 to vector<16xi32>
        %add3A_830 = arith.addi %and3A_827, %add3A_829 : vector<16xi32>
        %and3A_831 = arith.constant 16383 : i32
        %and3A_832 = vector.broadcast %and3A_831 : i32 to vector<16xi32>
        %and3A_833 = arith.andi %add3A_830, %and3A_832 : vector<16xi32>
        %mul3A_834 = arith.constant 805459861 : i32
        %mul3A_835 = vector.broadcast %mul3A_834 : i32 to vector<16xi32>
        %mul3A_836 = arith.muli %convert_element_type3A_816, %mul3A_835 : vector<16xi32>
        %and3A_837 = arith.constant 16383 : i32
        %and3A_838 = vector.broadcast %and3A_837 : i32 to vector<16xi32>
        %and3A_839 = arith.andi %mul3A_836, %and3A_838 : vector<16xi32>
        %add3A_840 = arith.constant 805459861 : i32
        %add3A_841 = vector.broadcast %add3A_840 : i32 to vector<16xi32>
        %add3A_842 = arith.addi %and3A_839, %add3A_841 : vector<16xi32>
        %and3A_843 = arith.constant 16383 : i32
        %and3A_844 = vector.broadcast %and3A_843 : i32 to vector<16xi32>
        %and3A_845 = arith.andi %add3A_842, %and3A_844 : vector<16xi32>
        %xor3A_846 = arith.xori %convert_element_type3A_798, %and3A_827 : vector<16xi32>
        %xor3A_847 = arith.xori %convert_element_type3A_798, %and3A_833 : vector<16xi32>
        %xor3A_848 = arith.xori %add3A_821, %and3A_827 : vector<16xi32>
        %xor3A_849 = arith.xori %add3A_821, %and3A_833 : vector<16xi32>
        %xor3A_850 = arith.xori %xor3A_846, %and3A_839 : vector<16xi32>
        %xor3A_851 = arith.xori %xor3A_846, %and3A_845 : vector<16xi32>
        %xor3A_852 = arith.xori %xor3A_847, %and3A_839 : vector<16xi32>
        %xor3A_853 = arith.xori %xor3A_847, %and3A_845 : vector<16xi32>
        %xor3A_854 = arith.xori %xor3A_848, %and3A_839 : vector<16xi32>
        %xor3A_855 = arith.xori %xor3A_848, %and3A_845 : vector<16xi32>
        %xor3A_856 = arith.xori %xor3A_849, %and3A_839 : vector<16xi32>
        %xor3A_857 = arith.xori %xor3A_849, %and3A_845 : vector<16xi32>
        %sub3A_858 = arith.constant 1.000000e+00 : f32
        %sub3A_859 = vector.broadcast %sub3A_858 : f32 to vector<16xf32>
        %sub3A_860 = arith.subf %sub3A_859, %sub3A_800 : vector<16xf32>
        %sub3A_861 = arith.constant 1.000000e+00 : f32
        %sub3A_862 = vector.broadcast %sub3A_861 : f32 to vector<16xf32>
        %sub3A_863 = arith.subf %sub3A_862, %sub3A_809 : vector<16xf32>
        %sub3A_864 = arith.constant 1.000000e+00 : f32
        %sub3A_865 = vector.broadcast %sub3A_864 : f32 to vector<16xf32>
        %sub3A_866 = arith.subf %sub3A_865, %sub3A_818 : vector<16xf32>
        %pack3A_867 = tpu.pack_subelements %sub3A_866, %sub3A_866 {pack_format = #tpu.pack_format<interleaved>, positions = array<i32: 0, 1>} : vector<16xf32>, vector<16xf32> -> vector<32xbf16>
        %pack3A_868 = tpu.pack_subelements %sub3A_818, %sub3A_818 {pack_format = #tpu.pack_format<interleaved>, positions = array<i32: 0, 1>} : vector<16xf32>, vector<16xf32> -> vector<32xbf16>
        %pack3A_869 = tpu.pack_subelements %sub3A_863, %sub3A_863 {pack_format = #tpu.pack_format<interleaved>, positions = array<i32: 0, 1>} : vector<16xf32>, vector<16xf32> -> vector<32xbf16>
        %pack3A_870 = tpu.pack_subelements %sub3A_809, %sub3A_809 {pack_format = #tpu.pack_format<interleaved>, positions = array<i32: 0, 1>} : vector<16xf32>, vector<16xf32> -> vector<32xbf16>
        %pack3A_871 = tpu.pack_subelements %sub3A_860, %sub3A_860 {pack_format = #tpu.pack_format<interleaved>, positions = array<i32: 0, 1>} : vector<16xf32>, vector<16xf32> -> vector<32xbf16>
        %pack3A_872 = tpu.pack_subelements %sub3A_800, %sub3A_800 {pack_format = #tpu.pack_format<interleaved>, positions = array<i32: 0, 1>} : vector<16xf32>, vector<16xf32> -> vector<32xbf16>
        %gather3A_873 = tpu.vector_load_idx %arg9[%xor3A_850] : memref<16384xi32, #tpu.memory_space<vmem>>[vector<16xi32>], vector<16xi32>,
        %bitcast3A_874 = vector.bitcast %gather3A_873 : vector<16xi32> to vector<32xbf16>
        %mul3A_875 = arith.mulf %bitcast3A_874, %pack3A_867 : vector<32xbf16>
        %gather3A_876 = tpu.vector_load_idx %arg9[%xor3A_851] : memref<16384xi32, #tpu.memory_space<vmem>>[vector<16xi32>], vector<16xi32>,
        %bitcast3A_877 = vector.bitcast %gather3A_876 : vector<16xi32> to vector<32xbf16>
        %mul3A_878 = arith.mulf %bitcast3A_877, %pack3A_868 : vector<32xbf16>
        %add3A_879 = arith.addf %mul3A_875, %mul3A_878 : vector<32xbf16>
        %gather3A_880 = tpu.vector_load_idx %arg9[%xor3A_852] : memref<16384xi32, #tpu.memory_space<vmem>>[vector<16xi32>], vector<16xi32>,
        %bitcast3A_881 = vector.bitcast %gather3A_880 : vector<16xi32> to vector<32xbf16>
        %mul3A_882 = arith.mulf %bitcast3A_881, %pack3A_867 : vector<32xbf16>
        %gather3A_883 = tpu.vector_load_idx %arg9[%xor3A_853] : memref<16384xi32, #tpu.memory_space<vmem>>[vector<16xi32>], vector<16xi32>,
        %bitcast3A_884 = vector.bitcast %gather3A_883 : vector<16xi32> to vector<32xbf16>
        %mul3A_885 = arith.mulf %bitcast3A_884, %pack3A_868 : vector<32xbf16>
        %add3A_886 = arith.addf %mul3A_882, %mul3A_885 : vector<32xbf16>
        %gather3A_887 = tpu.vector_load_idx %arg9[%xor3A_854] : memref<16384xi32, #tpu.memory_space<vmem>>[vector<16xi32>], vector<16xi32>,
        %bitcast3A_888 = vector.bitcast %gather3A_887 : vector<16xi32> to vector<32xbf16>
        %mul3A_889 = arith.mulf %bitcast3A_888, %pack3A_867 : vector<32xbf16>
        %gather3A_890 = tpu.vector_load_idx %arg9[%xor3A_855] : memref<16384xi32, #tpu.memory_space<vmem>>[vector<16xi32>], vector<16xi32>,
        %bitcast3A_891 = vector.bitcast %gather3A_890 : vector<16xi32> to vector<32xbf16>
        %mul3A_892 = arith.mulf %bitcast3A_891, %pack3A_868 : vector<32xbf16>
        %add3A_893 = arith.addf %mul3A_889, %mul3A_892 : vector<32xbf16>
        %gather3A_894 = tpu.vector_load_idx %arg9[%xor3A_856] : memref<16384xi32, #tpu.memory_space<vmem>>[vector<16xi32>], vector<16xi32>,
        %bitcast3A_895 = vector.bitcast %gather3A_894 : vector<16xi32> to vector<32xbf16>
        %mul3A_896 = arith.mulf %bitcast3A_895, %pack3A_867 : vector<32xbf16>
        %gather3A_897 = tpu.vector_load_idx %arg9[%xor3A_857] : memref<16384xi32, #tpu.memory_space<vmem>>[vector<16xi32>], vector<16xi32>,
        %bitcast3A_898 = vector.bitcast %gather3A_897 : vector<16xi32> to vector<32xbf16>
        %mul3A_899 = arith.mulf %bitcast3A_898, %pack3A_868 : vector<32xbf16>
        %add3A_900 = arith.addf %mul3A_896, %mul3A_899 : vector<32xbf16>
        %mul3A_901 = arith.mulf %add3A_879, %pack3A_869 : vector<32xbf16>
        %mul3A_902 = arith.mulf %add3A_886, %pack3A_870 : vector<32xbf16>
        %add3A_903 = arith.addf %mul3A_901, %mul3A_902 : vector<32xbf16>
        %mul3A_904 = arith.mulf %add3A_893, %pack3A_869 : vector<32xbf16>
        %mul3A_905 = arith.mulf %add3A_900, %pack3A_870 : vector<32xbf16>
        %add3A_906 = arith.addf %mul3A_904, %mul3A_905 : vector<32xbf16>
        %mul3A_907 = arith.mulf %add3A_903, %pack3A_871 : vector<32xbf16>
        %mul3A_908 = arith.mulf %add3A_906, %pack3A_872 : vector<32xbf16>
        %add3A_909 = arith.addf %mul3A_907, %mul3A_908 : vector<32xbf16>
        %unpack3A_910 = tpu.unpack_subelements %add3A_909, 0 {pack_format = #tpu.pack_format<interleaved>} : vector<32xbf16> -> vector<16xf32>
        %unpack3A_911 = tpu.unpack_subelements %add3A_909, 1 {pack_format = #tpu.pack_format<interleaved>} : vector<32xbf16> -> vector<16xf32>
        %swap3A_912 = arith.index_cast %mul3A_791 : i32 to index
        %swap3A_913 = tpu.vector_load %arg17[%swap3A_912] {strides = array<i32>} : memref<8192xf32, #tpu.memory_space<vmem>>, vector<16xf32>,
        tpu.vector_store %arg17[%swap3A_912], %unpack3A_910 {strides = array<i32>} : memref<8192xf32, #tpu.memory_space<vmem>>, vector<16xf32>,
        %swap3A_914 = arith.index_cast %mul3A_791 : i32 to index
        %swap3A_915 = tpu.vector_load %arg19[%swap3A_914] {strides = array<i32>} : memref<8192xf32, #tpu.memory_space<vmem>>, vector<16xf32>,
        tpu.vector_store %arg19[%swap3A_914], %unpack3A_911 {strides = array<i32>} : memref<8192xf32, #tpu.memory_space<vmem>>, vector<16xf32>,
        %scan3A_916 = arith.constant 6 : i32
        %scan3A_917 = arith.addi %scan3A_133, %scan3A_916 : i32
        %mul3A_918 = arith.constant 1 : i32
        %mul3A_919 = arith.muli %scan3A_917, %mul3A_918 : i32
        %add3A_920 = arith.constant 0 : i32
        %add3A_921 = arith.addi %add3A_920, %mul3A_919 : i32
        %mul3A_922 = arith.constant 16 : i32
        %mul3A_923 = arith.muli %add3A_921, %mul3A_922 : i32
        %get3A_924 = arith.index_cast %mul3A_923 : i32 to index
        %get3A_925 = tpu.vector_load %arg11[%get3A_924] {strides = array<i32>} : memref<8192xf32, #tpu.memory_space<vmem>>, vector<16xf32>,
        %add3A_926 = arith.constant 3.000000e+00 : f32
        %add3A_927 = vector.broadcast %add3A_926 : f32 to vector<16xf32>
        %add3A_928 = arith.addf %get3A_925, %add3A_927 : vector<16xf32>
        %mul3A_929 = arith.mulf %add3A_928, %gather3A : vector<16xf32>
        %convert_element_type3A_930 = arith.fptosi %mul3A_929 : vector<16xf32> to vector<16xi32>
        %convert_element_type3A_931 = arith.sitofp %convert_element_type3A_930 : vector<16xi32> to vector<16xf32>
        %sub3A_932 = arith.subf %mul3A_929, %convert_element_type3A_931 : vector<16xf32>
        %get3A_933 = arith.index_cast %mul3A_923 : i32 to index
        %get3A_934 = tpu.vector_load %arg13[%get3A_933] {strides = array<i32>} : memref<8192xf32, #tpu.memory_space<vmem>>, vector<16xf32>,
        %add3A_935 = arith.constant 3.000000e+00 : f32
        %add3A_936 = vector.broadcast %add3A_935 : f32 to vector<16xf32>
        %add3A_937 = arith.addf %get3A_934, %add3A_936 : vector<16xf32>
        %mul3A_938 = arith.mulf %add3A_937, %gather3A : vector<16xf32>
        %convert_element_type3A_939 = arith.fptosi %mul3A_938 : vector<16xf32> to vector<16xi32>
        %convert_element_type3A_940 = arith.sitofp %convert_element_type3A_939 : vector<16xi32> to vector<16xf32>
        %sub3A_941 = arith.subf %mul3A_938, %convert_element_type3A_940 : vector<16xf32>
        %get3A_942 = arith.index_cast %mul3A_923 : i32 to index
        %get3A_943 = tpu.vector_load %arg15[%get3A_942] {strides = array<i32>} : memref<8192xf32, #tpu.memory_space<vmem>>, vector<16xf32>,
        %add3A_944 = arith.constant 3.000000e+00 : f32
        %add3A_945 = vector.broadcast %add3A_944 : f32 to vector<16xf32>
        %add3A_946 = arith.addf %get3A_943, %add3A_945 : vector<16xf32>
        %mul3A_947 = arith.mulf %add3A_946, %gather3A : vector<16xf32>
        %convert_element_type3A_948 = arith.fptosi %mul3A_947 : vector<16xf32> to vector<16xi32>
        %convert_element_type3A_949 = arith.sitofp %convert_element_type3A_948 : vector<16xi32> to vector<16xf32>
        %sub3A_950 = arith.subf %mul3A_947, %convert_element_type3A_949 : vector<16xf32>
        %add3A_951 = arith.constant 1 : i32
        %add3A_952 = vector.broadcast %add3A_951 : i32 to vector<16xi32>
        %add3A_953 = arith.addi %convert_element_type3A_930, %add3A_952 : vector<16xi32>
        %mul3A_954 = arith.constant -1640531535 : i32
        %mul3A_955 = vector.broadcast %mul3A_954 : i32 to vector<16xi32>
        %mul3A_956 = arith.muli %convert_element_type3A_939, %mul3A_955 : vector<16xi32>
        %and3A_957 = arith.constant 16383 : i32
        %and3A_958 = vector.broadcast %and3A_957 : i32 to vector<16xi32>
        %and3A_959 = arith.andi %mul3A_956, %and3A_958 : vector<16xi32>
        %add3A_960 = arith.constant -1640531535 : i32
        %add3A_961 = vector.broadcast %add3A_960 : i32 to vector<16xi32>
        %add3A_962 = arith.addi %and3A_959, %add3A_961 : vector<16xi32>
        %and3A_963 = arith.constant 16383 : i32
        %and3A_964 = vector.broadcast %and3A_963 : i32 to vector<16xi32>
        %and3A_965 = arith.andi %add3A_962, %and3A_964 : vector<16xi32>
        %mul3A_966 = arith.constant 805459861 : i32
        %mul3A_967 = vector.broadcast %mul3A_966 : i32 to vector<16xi32>
        %mul3A_968 = arith.muli %convert_element_type3A_948, %mul3A_967 : vector<16xi32>
        %and3A_969 = arith.constant 16383 : i32
        %and3A_970 = vector.broadcast %and3A_969 : i32 to vector<16xi32>
        %and3A_971 = arith.andi %mul3A_968, %and3A_970 : vector<16xi32>
        %add3A_972 = arith.constant 805459861 : i32
        %add3A_973 = vector.broadcast %add3A_972 : i32 to vector<16xi32>
        %add3A_974 = arith.addi %and3A_971, %add3A_973 : vector<16xi32>
        %and3A_975 = arith.constant 16383 : i32
        %and3A_976 = vector.broadcast %and3A_975 : i32 to vector<16xi32>
        %and3A_977 = arith.andi %add3A_974, %and3A_976 : vector<16xi32>
        %xor3A_978 = arith.xori %convert_element_type3A_930, %and3A_959 : vector<16xi32>
        %xor3A_979 = arith.xori %convert_element_type3A_930, %and3A_965 : vector<16xi32>
        %xor3A_980 = arith.xori %add3A_953, %and3A_959 : vector<16xi32>
        %xor3A_981 = arith.xori %add3A_953, %and3A_965 : vector<16xi32>
        %xor3A_982 = arith.xori %xor3A_978, %and3A_971 : vector<16xi32>
        %xor3A_983 = arith.xori %xor3A_978, %and3A_977 : vector<16xi32>
        %xor3A_984 = arith.xori %xor3A_979, %and3A_971 : vector<16xi32>
        %xor3A_985 = arith.xori %xor3A_979, %and3A_977 : vector<16xi32>
        %xor3A_986 = arith.xori %xor3A_980, %and3A_971 : vector<16xi32>
        %xor3A_987 = arith.xori %xor3A_980, %and3A_977 : vector<16xi32>
        %xor3A_988 = arith.xori %xor3A_981, %and3A_971 : vector<16xi32>
        %xor3A_989 = arith.xori %xor3A_981, %and3A_977 : vector<16xi32>
        %sub3A_990 = arith.constant 1.000000e+00 : f32
        %sub3A_991 = vector.broadcast %sub3A_990 : f32 to vector<16xf32>
        %sub3A_992 = arith.subf %sub3A_991, %sub3A_932 : vector<16xf32>
        %sub3A_993 = arith.constant 1.000000e+00 : f32
        %sub3A_994 = vector.broadcast %sub3A_993 : f32 to vector<16xf32>
        %sub3A_995 = arith.subf %sub3A_994, %sub3A_941 : vector<16xf32>
        %sub3A_996 = arith.constant 1.000000e+00 : f32
        %sub3A_997 = vector.broadcast %sub3A_996 : f32 to vector<16xf32>
        %sub3A_998 = arith.subf %sub3A_997, %sub3A_950 : vector<16xf32>
        %pack3A_999 = tpu.pack_subelements %sub3A_998, %sub3A_998 {pack_format = #tpu.pack_format<interleaved>, positions = array<i32: 0, 1>} : vector<16xf32>, vector<16xf32> -> vector<32xbf16>
        %pack3A_1000 = tpu.pack_subelements %sub3A_950, %sub3A_950 {pack_format = #tpu.pack_format<interleaved>, positions = array<i32: 0, 1>} : vector<16xf32>, vector<16xf32> -> vector<32xbf16>
        %pack3A_1001 = tpu.pack_subelements %sub3A_995, %sub3A_995 {pack_format = #tpu.pack_format<interleaved>, positions = array<i32: 0, 1>} : vector<16xf32>, vector<16xf32> -> vector<32xbf16>
        %pack3A_1002 = tpu.pack_subelements %sub3A_941, %sub3A_941 {pack_format = #tpu.pack_format<interleaved>, positions = array<i32: 0, 1>} : vector<16xf32>, vector<16xf32> -> vector<32xbf16>
        %pack3A_1003 = tpu.pack_subelements %sub3A_992, %sub3A_992 {pack_format = #tpu.pack_format<interleaved>, positions = array<i32: 0, 1>} : vector<16xf32>, vector<16xf32> -> vector<32xbf16>
        %pack3A_1004 = tpu.pack_subelements %sub3A_932, %sub3A_932 {pack_format = #tpu.pack_format<interleaved>, positions = array<i32: 0, 1>} : vector<16xf32>, vector<16xf32> -> vector<32xbf16>
        %gather3A_1005 = tpu.vector_load_idx %arg9[%xor3A_982] : memref<16384xi32, #tpu.memory_space<vmem>>[vector<16xi32>], vector<16xi32>,
        %bitcast3A_1006 = vector.bitcast %gather3A_1005 : vector<16xi32> to vector<32xbf16>
        %mul3A_1007 = arith.mulf %bitcast3A_1006, %pack3A_999 : vector<32xbf16>
        %gather3A_1008 = tpu.vector_load_idx %arg9[%xor3A_983] : memref<16384xi32, #tpu.memory_space<vmem>>[vector<16xi32>], vector<16xi32>,
        %bitcast3A_1009 = vector.bitcast %gather3A_1008 : vector<16xi32> to vector<32xbf16>
        %mul3A_1010 = arith.mulf %bitcast3A_1009, %pack3A_1000 : vector<32xbf16>
        %add3A_1011 = arith.addf %mul3A_1007, %mul3A_1010 : vector<32xbf16>
        %gather3A_1012 = tpu.vector_load_idx %arg9[%xor3A_984] : memref<16384xi32, #tpu.memory_space<vmem>>[vector<16xi32>], vector<16xi32>,
        %bitcast3A_1013 = vector.bitcast %gather3A_1012 : vector<16xi32> to vector<32xbf16>
        %mul3A_1014 = arith.mulf %bitcast3A_1013, %pack3A_999 : vector<32xbf16>
        %gather3A_1015 = tpu.vector_load_idx %arg9[%xor3A_985] : memref<16384xi32, #tpu.memory_space<vmem>>[vector<16xi32>], vector<16xi32>,
        %bitcast3A_1016 = vector.bitcast %gather3A_1015 : vector<16xi32> to vector<32xbf16>
        %mul3A_1017 = arith.mulf %bitcast3A_1016, %pack3A_1000 : vector<32xbf16>
        %add3A_1018 = arith.addf %mul3A_1014, %mul3A_1017 : vector<32xbf16>
        %gather3A_1019 = tpu.vector_load_idx %arg9[%xor3A_986] : memref<16384xi32, #tpu.memory_space<vmem>>[vector<16xi32>], vector<16xi32>,
        %bitcast3A_1020 = vector.bitcast %gather3A_1019 : vector<16xi32> to vector<32xbf16>
        %mul3A_1021 = arith.mulf %bitcast3A_1020, %pack3A_999 : vector<32xbf16>
        %gather3A_1022 = tpu.vector_load_idx %arg9[%xor3A_987] : memref<16384xi32, #tpu.memory_space<vmem>>[vector<16xi32>], vector<16xi32>,
        %bitcast3A_1023 = vector.bitcast %gather3A_1022 : vector<16xi32> to vector<32xbf16>
        %mul3A_1024 = arith.mulf %bitcast3A_1023, %pack3A_1000 : vector<32xbf16>
        %add3A_1025 = arith.addf %mul3A_1021, %mul3A_1024 : vector<32xbf16>
        %gather3A_1026 = tpu.vector_load_idx %arg9[%xor3A_988] : memref<16384xi32, #tpu.memory_space<vmem>>[vector<16xi32>], vector<16xi32>,
        %bitcast3A_1027 = vector.bitcast %gather3A_1026 : vector<16xi32> to vector<32xbf16>
        %mul3A_1028 = arith.mulf %bitcast3A_1027, %pack3A_999 : vector<32xbf16>
        %gather3A_1029 = tpu.vector_load_idx %arg9[%xor3A_989] : memref<16384xi32, #tpu.memory_space<vmem>>[vector<16xi32>], vector<16xi32>,
        %bitcast3A_1030 = vector.bitcast %gather3A_1029 : vector<16xi32> to vector<32xbf16>
        %mul3A_1031 = arith.mulf %bitcast3A_1030, %pack3A_1000 : vector<32xbf16>
        %add3A_1032 = arith.addf %mul3A_1028, %mul3A_1031 : vector<32xbf16>
        %mul3A_1033 = arith.mulf %add3A_1011, %pack3A_1001 : vector<32xbf16>
        %mul3A_1034 = arith.mulf %add3A_1018, %pack3A_1002 : vector<32xbf16>
        %add3A_1035 = arith.addf %mul3A_1033, %mul3A_1034 : vector<32xbf16>
        %mul3A_1036 = arith.mulf %add3A_1025, %pack3A_1001 : vector<32xbf16>
        %mul3A_1037 = arith.mulf %add3A_1032, %pack3A_1002 : vector<32xbf16>
        %add3A_1038 = arith.addf %mul3A_1036, %mul3A_1037 : vector<32xbf16>
        %mul3A_1039 = arith.mulf %add3A_1035, %pack3A_1003 : vector<32xbf16>
        %mul3A_1040 = arith.mulf %add3A_1038, %pack3A_1004 : vector<32xbf16>
        %add3A_1041 = arith.addf %mul3A_1039, %mul3A_1040 : vector<32xbf16>
        %unpack3A_1042 = tpu.unpack_subelements %add3A_1041, 0 {pack_format = #tpu.pack_format<interleaved>} : vector<32xbf16> -> vector<16xf32>
        %unpack3A_1043 = tpu.unpack_subelements %add3A_1041, 1 {pack_format = #tpu.pack_format<interleaved>} : vector<32xbf16> -> vector<16xf32>
        %swap3A_1044 = arith.index_cast %mul3A_923 : i32 to index
        %swap3A_1045 = tpu.vector_load %arg17[%swap3A_1044] {strides = array<i32>} : memref<8192xf32, #tpu.memory_space<vmem>>, vector<16xf32>,
        tpu.vector_store %arg17[%swap3A_1044], %unpack3A_1042 {strides = array<i32>} : memref<8192xf32, #tpu.memory_space<vmem>>, vector<16xf32>,
        %swap3A_1046 = arith.index_cast %mul3A_923 : i32 to index
        %swap3A_1047 = tpu.vector_load %arg19[%swap3A_1046] {strides = array<i32>} : memref<8192xf32, #tpu.memory_space<vmem>>, vector<16xf32>,
        tpu.vector_store %arg19[%swap3A_1046], %unpack3A_1043 {strides = array<i32>} : memref<8192xf32, #tpu.memory_space<vmem>>, vector<16xf32>,
        %scan3A_1048 = arith.constant 7 : i32
        %scan3A_1049 = arith.addi %scan3A_133, %scan3A_1048 : i32
        %mul3A_1050 = arith.constant 1 : i32
        %mul3A_1051 = arith.muli %scan3A_1049, %mul3A_1050 : i32
        %add3A_1052 = arith.constant 0 : i32
        %add3A_1053 = arith.addi %add3A_1052, %mul3A_1051 : i32
        %mul3A_1054 = arith.constant 16 : i32
        %mul3A_1055 = arith.muli %add3A_1053, %mul3A_1054 : i32
        %get3A_1056 = arith.index_cast %mul3A_1055 : i32 to index
        %get3A_1057 = tpu.vector_load %arg11[%get3A_1056] {strides = array<i32>} : memref<8192xf32, #tpu.memory_space<vmem>>, vector<16xf32>,
        %add3A_1058 = arith.constant 3.000000e+00 : f32
        %add3A_1059 = vector.broadcast %add3A_1058 : f32 to vector<16xf32>
        %add3A_1060 = arith.addf %get3A_1057, %add3A_1059 : vector<16xf32>
        %mul3A_1061 = arith.mulf %add3A_1060, %gather3A : vector<16xf32>
        %convert_element_type3A_1062 = arith.fptosi %mul3A_1061 : vector<16xf32> to vector<16xi32>
        %convert_element_type3A_1063 = arith.sitofp %convert_element_type3A_1062 : vector<16xi32> to vector<16xf32>
        %sub3A_1064 = arith.subf %mul3A_1061, %convert_element_type3A_1063 : vector<16xf32>
        %get3A_1065 = arith.index_cast %mul3A_1055 : i32 to index
        %get3A_1066 = tpu.vector_load %arg13[%get3A_1065] {strides = array<i32>} : memref<8192xf32, #tpu.memory_space<vmem>>, vector<16xf32>,
        %add3A_1067 = arith.constant 3.000000e+00 : f32
        %add3A_1068 = vector.broadcast %add3A_1067 : f32 to vector<16xf32>
        %add3A_1069 = arith.addf %get3A_1066, %add3A_1068 : vector<16xf32>
        %mul3A_1070 = arith.mulf %add3A_1069, %gather3A : vector<16xf32>
        %convert_element_type3A_1071 = arith.fptosi %mul3A_1070 : vector<16xf32> to vector<16xi32>
        %convert_element_type3A_1072 = arith.sitofp %convert_element_type3A_1071 : vector<16xi32> to vector<16xf32>
        %sub3A_1073 = arith.subf %mul3A_1070, %convert_element_type3A_1072 : vector<16xf32>
        %get3A_1074 = arith.index_cast %mul3A_1055 : i32 to index
        %get3A_1075 = tpu.vector_load %arg15[%get3A_1074] {strides = array<i32>} : memref<8192xf32, #tpu.memory_space<vmem>>, vector<16xf32>,
        %add3A_1076 = arith.constant 3.000000e+00 : f32
        %add3A_1077 = vector.broadcast %add3A_1076 : f32 to vector<16xf32>
        %add3A_1078 = arith.addf %get3A_1075, %add3A_1077 : vector<16xf32>
        %mul3A_1079 = arith.mulf %add3A_1078, %gather3A : vector<16xf32>
        %convert_element_type3A_1080 = arith.fptosi %mul3A_1079 : vector<16xf32> to vector<16xi32>
        %convert_element_type3A_1081 = arith.sitofp %convert_element_type3A_1080 : vector<16xi32> to vector<16xf32>
        %sub3A_1082 = arith.subf %mul3A_1079, %convert_element_type3A_1081 : vector<16xf32>
        %add3A_1083 = arith.constant 1 : i32
        %add3A_1084 = vector.broadcast %add3A_1083 : i32 to vector<16xi32>
        %add3A_1085 = arith.addi %convert_element_type3A_1062, %add3A_1084 : vector<16xi32>
        %mul3A_1086 = arith.constant -1640531535 : i32
        %mul3A_1087 = vector.broadcast %mul3A_1086 : i32 to vector<16xi32>
        %mul3A_1088 = arith.muli %convert_element_type3A_1071, %mul3A_1087 : vector<16xi32>
        %and3A_1089 = arith.constant 16383 : i32
        %and3A_1090 = vector.broadcast %and3A_1089 : i32 to vector<16xi32>
        %and3A_1091 = arith.andi %mul3A_1088, %and3A_1090 : vector<16xi32>
        %add3A_1092 = arith.constant -1640531535 : i32
        %add3A_1093 = vector.broadcast %add3A_1092 : i32 to vector<16xi32>
        %add3A_1094 = arith.addi %and3A_1091, %add3A_1093 : vector<16xi32>
        %and3A_1095 = arith.constant 16383 : i32
        %and3A_1096 = vector.broadcast %and3A_1095 : i32 to vector<16xi32>
        %and3A_1097 = arith.andi %add3A_1094, %and3A_1096 : vector<16xi32>
        %mul3A_1098 = arith.constant 805459861 : i32
        %mul3A_1099 = vector.broadcast %mul3A_1098 : i32 to vector<16xi32>
        %mul3A_1100 = arith.muli %convert_element_type3A_1080, %mul3A_1099 : vector<16xi32>
        %and3A_1101 = arith.constant 16383 : i32
        %and3A_1102 = vector.broadcast %and3A_1101 : i32 to vector<16xi32>
        %and3A_1103 = arith.andi %mul3A_1100, %and3A_1102 : vector<16xi32>
        %add3A_1104 = arith.constant 805459861 : i32
        %add3A_1105 = vector.broadcast %add3A_1104 : i32 to vector<16xi32>
        %add3A_1106 = arith.addi %and3A_1103, %add3A_1105 : vector<16xi32>
        %and3A_1107 = arith.constant 16383 : i32
        %and3A_1108 = vector.broadcast %and3A_1107 : i32 to vector<16xi32>
        %and3A_1109 = arith.andi %add3A_1106, %and3A_1108 : vector<16xi32>
        %xor3A_1110 = arith.xori %convert_element_type3A_1062, %and3A_1091 : vector<16xi32>
        %xor3A_1111 = arith.xori %convert_element_type3A_1062, %and3A_1097 : vector<16xi32>
        %xor3A_1112 = arith.xori %add3A_1085, %and3A_1091 : vector<16xi32>
        %xor3A_1113 = arith.xori %add3A_1085, %and3A_1097 : vector<16xi32>
        %xor3A_1114 = arith.xori %xor3A_1110, %and3A_1103 : vector<16xi32>
        %xor3A_1115 = arith.xori %xor3A_1110, %and3A_1109 : vector<16xi32>
        %xor3A_1116 = arith.xori %xor3A_1111, %and3A_1103 : vector<16xi32>
        %xor3A_1117 = arith.xori %xor3A_1111, %and3A_1109 : vector<16xi32>
        %xor3A_1118 = arith.xori %xor3A_1112, %and3A_1103 : vector<16xi32>
        %xor3A_1119 = arith.xori %xor3A_1112, %and3A_1109 : vector<16xi32>
        %xor3A_1120 = arith.xori %xor3A_1113, %and3A_1103 : vector<16xi32>
        %xor3A_1121 = arith.xori %xor3A_1113, %and3A_1109 : vector<16xi32>
        %sub3A_1122 = arith.constant 1.000000e+00 : f32
        %sub3A_1123 = vector.broadcast %sub3A_1122 : f32 to vector<16xf32>
        %sub3A_1124 = arith.subf %sub3A_1123, %sub3A_1064 : vector<16xf32>
        %sub3A_1125 = arith.constant 1.000000e+00 : f32
        %sub3A_1126 = vector.broadcast %sub3A_1125 : f32 to vector<16xf32>
        %sub3A_1127 = arith.subf %sub3A_1126, %sub3A_1073 : vector<16xf32>
        %sub3A_1128 = arith.constant 1.000000e+00 : f32
        %sub3A_1129 = vector.broadcast %sub3A_1128 : f32 to vector<16xf32>
        %sub3A_1130 = arith.subf %sub3A_1129, %sub3A_1082 : vector<16xf32>
        %pack3A_1131 = tpu.pack_subelements %sub3A_1130, %sub3A_1130 {pack_format = #tpu.pack_format<interleaved>, positions = array<i32: 0, 1>} : vector<16xf32>, vector<16xf32> -> vector<32xbf16>
        %pack3A_1132 = tpu.pack_subelements %sub3A_1082, %sub3A_1082 {pack_format = #tpu.pack_format<interleaved>, positions = array<i32: 0, 1>} : vector<16xf32>, vector<16xf32> -> vector<32xbf16>
        %pack3A_1133 = tpu.pack_subelements %sub3A_1127, %sub3A_1127 {pack_format = #tpu.pack_format<interleaved>, positions = array<i32: 0, 1>} : vector<16xf32>, vector<16xf32> -> vector<32xbf16>
        %pack3A_1134 = tpu.pack_subelements %sub3A_1073, %sub3A_1073 {pack_format = #tpu.pack_format<interleaved>, positions = array<i32: 0, 1>} : vector<16xf32>, vector<16xf32> -> vector<32xbf16>
        %pack3A_1135 = tpu.pack_subelements %sub3A_1124, %sub3A_1124 {pack_format = #tpu.pack_format<interleaved>, positions = array<i32: 0, 1>} : vector<16xf32>, vector<16xf32> -> vector<32xbf16>
        %pack3A_1136 = tpu.pack_subelements %sub3A_1064, %sub3A_1064 {pack_format = #tpu.pack_format<interleaved>, positions = array<i32: 0, 1>} : vector<16xf32>, vector<16xf32> -> vector<32xbf16>
        %gather3A_1137 = tpu.vector_load_idx %arg9[%xor3A_1114] : memref<16384xi32, #tpu.memory_space<vmem>>[vector<16xi32>], vector<16xi32>,
        %bitcast3A_1138 = vector.bitcast %gather3A_1137 : vector<16xi32> to vector<32xbf16>
        %mul3A_1139 = arith.mulf %bitcast3A_1138, %pack3A_1131 : vector<32xbf16>
        %gather3A_1140 = tpu.vector_load_idx %arg9[%xor3A_1115] : memref<16384xi32, #tpu.memory_space<vmem>>[vector<16xi32>], vector<16xi32>,
        %bitcast3A_1141 = vector.bitcast %gather3A_1140 : vector<16xi32> to vector<32xbf16>
        %mul3A_1142 = arith.mulf %bitcast3A_1141, %pack3A_1132 : vector<32xbf16>
        %add3A_1143 = arith.addf %mul3A_1139, %mul3A_1142 : vector<32xbf16>
        %gather3A_1144 = tpu.vector_load_idx %arg9[%xor3A_1116] : memref<16384xi32, #tpu.memory_space<vmem>>[vector<16xi32>], vector<16xi32>,
        %bitcast3A_1145 = vector.bitcast %gather3A_1144 : vector<16xi32> to vector<32xbf16>
        %mul3A_1146 = arith.mulf %bitcast3A_1145, %pack3A_1131 : vector<32xbf16>
        %gather3A_1147 = tpu.vector_load_idx %arg9[%xor3A_1117] : memref<16384xi32, #tpu.memory_space<vmem>>[vector<16xi32>], vector<16xi32>,
        %bitcast3A_1148 = vector.bitcast %gather3A_1147 : vector<16xi32> to vector<32xbf16>
        %mul3A_1149 = arith.mulf %bitcast3A_1148, %pack3A_1132 : vector<32xbf16>
        %add3A_1150 = arith.addf %mul3A_1146, %mul3A_1149 : vector<32xbf16>
        %gather3A_1151 = tpu.vector_load_idx %arg9[%xor3A_1118] : memref<16384xi32, #tpu.memory_space<vmem>>[vector<16xi32>], vector<16xi32>,
        %bitcast3A_1152 = vector.bitcast %gather3A_1151 : vector<16xi32> to vector<32xbf16>
        %mul3A_1153 = arith.mulf %bitcast3A_1152, %pack3A_1131 : vector<32xbf16>
        %gather3A_1154 = tpu.vector_load_idx %arg9[%xor3A_1119] : memref<16384xi32, #tpu.memory_space<vmem>>[vector<16xi32>], vector<16xi32>,
        %bitcast3A_1155 = vector.bitcast %gather3A_1154 : vector<16xi32> to vector<32xbf16>
        %mul3A_1156 = arith.mulf %bitcast3A_1155, %pack3A_1132 : vector<32xbf16>
        %add3A_1157 = arith.addf %mul3A_1153, %mul3A_1156 : vector<32xbf16>
        %gather3A_1158 = tpu.vector_load_idx %arg9[%xor3A_1120] : memref<16384xi32, #tpu.memory_space<vmem>>[vector<16xi32>], vector<16xi32>,
        %bitcast3A_1159 = vector.bitcast %gather3A_1158 : vector<16xi32> to vector<32xbf16>
        %mul3A_1160 = arith.mulf %bitcast3A_1159, %pack3A_1131 : vector<32xbf16>
        %gather3A_1161 = tpu.vector_load_idx %arg9[%xor3A_1121] : memref<16384xi32, #tpu.memory_space<vmem>>[vector<16xi32>], vector<16xi32>,
        %bitcast3A_1162 = vector.bitcast %gather3A_1161 : vector<16xi32> to vector<32xbf16>
        %mul3A_1163 = arith.mulf %bitcast3A_1162, %pack3A_1132 : vector<32xbf16>
        %add3A_1164 = arith.addf %mul3A_1160, %mul3A_1163 : vector<32xbf16>
        %mul3A_1165 = arith.mulf %add3A_1143, %pack3A_1133 : vector<32xbf16>
        %mul3A_1166 = arith.mulf %add3A_1150, %pack3A_1134 : vector<32xbf16>
        %add3A_1167 = arith.addf %mul3A_1165, %mul3A_1166 : vector<32xbf16>
        %mul3A_1168 = arith.mulf %add3A_1157, %pack3A_1133 : vector<32xbf16>
        %mul3A_1169 = arith.mulf %add3A_1164, %pack3A_1134 : vector<32xbf16>
        %add3A_1170 = arith.addf %mul3A_1168, %mul3A_1169 : vector<32xbf16>
        %mul3A_1171 = arith.mulf %add3A_1167, %pack3A_1135 : vector<32xbf16>
        %mul3A_1172 = arith.mulf %add3A_1170, %pack3A_1136 : vector<32xbf16>
        %add3A_1173 = arith.addf %mul3A_1171, %mul3A_1172 : vector<32xbf16>
        %unpack3A_1174 = tpu.unpack_subelements %add3A_1173, 0 {pack_format = #tpu.pack_format<interleaved>} : vector<32xbf16> -> vector<16xf32>
        %unpack3A_1175 = tpu.unpack_subelements %add3A_1173, 1 {pack_format = #tpu.pack_format<interleaved>} : vector<32xbf16> -> vector<16xf32>
        %swap3A_1176 = arith.index_cast %mul3A_1055 : i32 to index
        %swap3A_1177 = tpu.vector_load %arg17[%swap3A_1176] {strides = array<i32>} : memref<8192xf32, #tpu.memory_space<vmem>>, vector<16xf32>,
        tpu.vector_store %arg17[%swap3A_1176], %unpack3A_1174 {strides = array<i32>} : memref<8192xf32, #tpu.memory_space<vmem>>, vector<16xf32>,
        %swap3A_1178 = arith.index_cast %mul3A_1055 : i32 to index
        %swap3A_1179 = tpu.vector_load %arg19[%swap3A_1178] {strides = array<i32>} : memref<8192xf32, #tpu.memory_space<vmem>>, vector<16xf32>,
        tpu.vector_store %arg19[%swap3A_1178], %unpack3A_1175 {strides = array<i32>} : memref<8192xf32, #tpu.memory_space<vmem>>, vector<16xf32>,
      }
      %scan3A_114 = arith.constant 512 : i32
      %mul3A_115 = arith.constant 8192 : i32
      %mul3A_116 = arith.muli %add3A_95, %mul3A_115 : i32
      %add3A_117 = arith.addi %mul3A_0, %mul3A_116 : i32
      %dma_start3A_118 = arith.constant 0 : i32
      %dma_start3A_119 = tpu.memref_slice %arg7[%dma_start3A_118, %arg1, %add3A_117] : memref<2x16x524288xf32, #tpu.memory_space<hbm>> -> memref<1x1x8192xf32, #tpu.memory_space<hbm>>
      %dma_start3A_120 = tpu.memref_squeeze %dma_start3A_119 : memref<1x1x8192xf32, #tpu.memory_space<hbm>> -> memref<8192xf32, #tpu.memory_space<hbm>>
      %dma_start3A_121 = tpu.memref_slice %arg7[%dma_start3A_118, %arg1, %add3A_117] : memref<2x16x524288xf32, #tpu.memory_space<hbm>> -> memref<1x1x8192xf32, #tpu.memory_space<hbm>>
      %dma_start3A_122 = tpu.memref_squeeze %dma_start3A_121 : memref<1x1x8192xf32, #tpu.memory_space<hbm>> -> memref<8192xf32, #tpu.memory_space<hbm>>
      tpu.enqueue_dma source(%arg17 : memref<8192xf32, #tpu.memory_space<vmem>>) target(%dma_start3A_122 : memref<8192xf32, #tpu.memory_space<hbm>>) target_semaphore(%arg23 : memref<!tpu.dma_semaphore, #tpu.memory_space<semaphore_mem>>)
      %dma_start3A_123 = arith.constant 1 : i32
      %dma_start3A_124 = tpu.memref_slice %arg7[%dma_start3A_123, %arg1, %add3A_117] : memref<2x16x524288xf32, #tpu.memory_space<hbm>> -> memref<1x1x8192xf32, #tpu.memory_space<hbm>>
      %dma_start3A_125 = tpu.memref_squeeze %dma_start3A_124 : memref<1x1x8192xf32, #tpu.memory_space<hbm>> -> memref<8192xf32, #tpu.memory_space<hbm>>
      %dma_start3A_126 = tpu.memref_slice %arg7[%dma_start3A_123, %arg1, %add3A_117] : memref<2x16x524288xf32, #tpu.memory_space<hbm>> -> memref<1x1x8192xf32, #tpu.memory_space<hbm>>
      %dma_start3A_127 = tpu.memref_squeeze %dma_start3A_126 : memref<1x1x8192xf32, #tpu.memory_space<hbm>> -> memref<8192xf32, #tpu.memory_space<hbm>>
      tpu.enqueue_dma source(%arg19 : memref<8192xf32, #tpu.memory_space<vmem>>) target(%dma_start3A_127 : memref<8192xf32, #tpu.memory_space<hbm>>) target_semaphore(%arg23 : memref<!tpu.dma_semaphore, #tpu.memory_space<semaphore_mem>>)
      %lt3A_128 = arith.constant 15 : i32
      %lt3A_129 = arith.cmpi slt, %add3A_54, %lt3A_128 : i32
      %convert_element_type3A_130 = arith.extui %lt3A_129 : i1 to i32
      %cond3A_131 = arith.constant 0 : i32
      %cond3A_132 = arith.cmpi ne, %convert_element_type3A_130, %cond3A_131 : i32
      scf.if %cond3A_132 {
        %add3A_133 = arith.constant 2 : i32
        %add3A_134 = arith.addi %add3A_95, %add3A_133 : i32
        %mul3A_135 = arith.constant 8192 : i32
        %mul3A_136 = arith.muli %add3A_134, %mul3A_135 : i32
        %add3A_137 = arith.addi %mul3A_0, %mul3A_136 : i32
        %dma_start3A_138 = tpu.memref_slice %arg2[%add3A_137] : memref<524288xf32, #tpu.memory_space<hbm>> -> memref<8192xf32, #tpu.memory_space<hbm>>
        %dma_start3A_139 = tpu.memref_slice %arg2[%add3A_137] : memref<524288xf32, #tpu.memory_space<hbm>> -> memref<8192xf32, #tpu.memory_space<hbm>>
        tpu.enqueue_dma source(%dma_start3A_139 : memref<8192xf32, #tpu.memory_space<hbm>>) target(%arg11 : memref<8192xf32, #tpu.memory_space<vmem>>) target_semaphore(%arg21 : memref<!tpu.dma_semaphore, #tpu.memory_space<semaphore_mem>>)
        %dma_start3A_140 = tpu.memref_slice %arg3[%add3A_137] : memref<524288xf32, #tpu.memory_space<hbm>> -> memref<8192xf32, #tpu.memory_space<hbm>>
        %dma_start3A_141 = tpu.memref_slice %arg3[%add3A_137] : memref<524288xf32, #tpu.memory_space<hbm>> -> memref<8192xf32, #tpu.memory_space<hbm>>
        tpu.enqueue_dma source(%dma_start3A_141 : memref<8192xf32, #tpu.memory_space<hbm>>) target(%arg13 : memref<8192xf32, #tpu.memory_space<vmem>>) target_semaphore(%arg21 : memref<!tpu.dma_semaphore, #tpu.memory_space<semaphore_mem>>)
        %dma_start3A_142 = tpu.memref_slice %arg4[%add3A_137] : memref<524288xf32, #tpu.memory_space<hbm>> -> memref<8192xf32, #tpu.memory_space<hbm>>
        %dma_start3A_143 = tpu.memref_slice %arg4[%add3A_137] : memref<524288xf32, #tpu.memory_space<hbm>> -> memref<8192xf32, #tpu.memory_space<hbm>>
        tpu.enqueue_dma source(%dma_start3A_143 : memref<8192xf32, #tpu.memory_space<hbm>>) target(%arg15 : memref<8192xf32, #tpu.memory_space<vmem>>) target_semaphore(%arg21 : memref<!tpu.dma_semaphore, #tpu.memory_space<semaphore_mem>>)
      } else {
      }
    }
    %scan3A_22 = arith.constant 16 : i32
    %mul3A_23 = arith.constant 30 : i32
    %mul3A_24 = arith.constant 8192 : i32
    %mul3A_25 = arith.muli %mul3A_23, %mul3A_24 : i32
    %add3A_26 = arith.addi %mul3A_0, %mul3A_25 : i32
    %dma_wait3A = arith.constant 0 : i32
    %dma_wait3A_27 = tpu.memref_slice %arg7[%dma_wait3A, %arg1, %add3A_26] : memref<2x16x524288xf32, #tpu.memory_space<hbm>> -> memref<1x1x8192xf32, #tpu.memory_space<hbm>>
    %dma_wait3A_28 = tpu.memref_squeeze %dma_wait3A_27 : memref<1x1x8192xf32, #tpu.memory_space<hbm>> -> memref<8192xf32, #tpu.memory_space<hbm>>
    %dma_wait3A_29 = tpu.memref_slice %arg7[%dma_wait3A, %arg1, %add3A_26] : memref<2x16x524288xf32, #tpu.memory_space<hbm>> -> memref<1x1x8192xf32, #tpu.memory_space<hbm>>
    %dma_wait3A_30 = tpu.memref_squeeze %dma_wait3A_29 : memref<1x1x8192xf32, #tpu.memory_space<hbm>> -> memref<8192xf32, #tpu.memory_space<hbm>>
    tpu.wait_dma2 semaphore(%arg22 : memref<!tpu.dma_semaphore, #tpu.memory_space<semaphore_mem>>) src(%arg16 : memref<8192xf32, #tpu.memory_space<vmem>>) dst(%dma_wait3A_30 : memref<8192xf32, #tpu.memory_space<hbm>>)
    %dma_wait3A_31 = arith.constant 1 : i32
    %dma_wait3A_32 = tpu.memref_slice %arg7[%dma_wait3A_31, %arg1, %add3A_26] : memref<2x16x524288xf32, #tpu.memory_space<hbm>> -> memref<1x1x8192xf32, #tpu.memory_space<hbm>>
    %dma_wait3A_33 = tpu.memref_squeeze %dma_wait3A_32 : memref<1x1x8192xf32, #tpu.memory_space<hbm>> -> memref<8192xf32, #tpu.memory_space<hbm>>
    %dma_wait3A_34 = tpu.memref_slice %arg7[%dma_wait3A_31, %arg1, %add3A_26] : memref<2x16x524288xf32, #tpu.memory_space<hbm>> -> memref<1x1x8192xf32, #tpu.memory_space<hbm>>
    %dma_wait3A_35 = tpu.memref_squeeze %dma_wait3A_34 : memref<1x1x8192xf32, #tpu.memory_space<hbm>> -> memref<8192xf32, #tpu.memory_space<hbm>>
    tpu.wait_dma2 semaphore(%arg22 : memref<!tpu.dma_semaphore, #tpu.memory_space<semaphore_mem>>) src(%arg18 : memref<8192xf32, #tpu.memory_space<vmem>>) dst(%dma_wait3A_35 : memref<8192xf32, #tpu.memory_space<hbm>>)
    %mul3A_36 = arith.constant 31 : i32
    %mul3A_37 = arith.constant 8192 : i32
    %mul3A_38 = arith.muli %mul3A_36, %mul3A_37 : i32
    %add3A_39 = arith.addi %mul3A_0, %mul3A_38 : i32
    %dma_wait3A_40 = arith.constant 0 : i32
    %dma_wait3A_41 = tpu.memref_slice %arg7[%dma_wait3A_40, %arg1, %add3A_39] : memref<2x16x524288xf32, #tpu.memory_space<hbm>> -> memref<1x1x8192xf32, #tpu.memory_space<hbm>>
    %dma_wait3A_42 = tpu.memref_squeeze %dma_wait3A_41 : memref<1x1x8192xf32, #tpu.memory_space<hbm>> -> memref<8192xf32, #tpu.memory_space<hbm>>
    %dma_wait3A_43 = tpu.memref_slice %arg7[%dma_wait3A_40, %arg1, %add3A_39] : memref<2x16x524288xf32, #tpu.memory_space<hbm>> -> memref<1x1x8192xf32, #tpu.memory_space<hbm>>
    %dma_wait3A_44 = tpu.memref_squeeze %dma_wait3A_43 : memref<1x1x8192xf32, #tpu.memory_space<hbm>> -> memref<8192xf32, #tpu.memory_space<hbm>>
    tpu.wait_dma2 semaphore(%arg23 : memref<!tpu.dma_semaphore, #tpu.memory_space<semaphore_mem>>) src(%arg17 : memref<8192xf32, #tpu.memory_space<vmem>>) dst(%dma_wait3A_44 : memref<8192xf32, #tpu.memory_space<hbm>>)
    %dma_wait3A_45 = arith.constant 1 : i32
    %dma_wait3A_46 = tpu.memref_slice %arg7[%dma_wait3A_45, %arg1, %add3A_39] : memref<2x16x524288xf32, #tpu.memory_space<hbm>> -> memref<1x1x8192xf32, #tpu.memory_space<hbm>>
    %dma_wait3A_47 = tpu.memref_squeeze %dma_wait3A_46 : memref<1x1x8192xf32, #tpu.memory_space<hbm>> -> memref<8192xf32, #tpu.memory_space<hbm>>
    %dma_wait3A_48 = tpu.memref_slice %arg7[%dma_wait3A_45, %arg1, %add3A_39] : memref<2x16x524288xf32, #tpu.memory_space<hbm>> -> memref<1x1x8192xf32, #tpu.memory_space<hbm>>
    %dma_wait3A_49 = tpu.memref_squeeze %dma_wait3A_48 : memref<1x1x8192xf32, #tpu.memory_space<hbm>> -> memref<8192xf32, #tpu.memory_space<hbm>>
    tpu.wait_dma2 semaphore(%arg23 : memref<!tpu.dma_semaphore, #tpu.memory_space<semaphore_mem>>) src(%arg19 : memref<8192xf32, #tpu.memory_space<vmem>>) dst(%dma_wait3A_49 : memref<8192xf32, #tpu.memory_space<hbm>>)
    return
  }
}

</mosaic_0001>

<sc_bundles>
// kernel: _encode_sc.3.cloned.1.call-start
scs
__scs_entry_jumppad:
0x0: {  	(pc) =	sbr.rel $0x88, $3  }
0x1: {  	(tag) =	ssettag $0x0;
	lr =	simm.s32 $0x1  }
0x2: {  	[smem:$0x3F9C] =	sst lr;
	_ =	strace $0xD0000000  }
0x3: {  	_ = 	snop  }
0x4: {  	_ = 	snop  }
0x5: {  	_ = 	snop  }
0x6: {  	_ = 	snop  }
0x7: {  	_ = 	snop  }
__scs_overlays_trampoline_lowered:
0x8: {  	[smem:$0x3FAB] =	sst s0  }
0x9: {  	[smem:$0x3FAC] =	sst s1  }
0xa: {  	[smem:$0x3FAD] =	sst s2  }
0xb: {  	[smem:$0x3FAE] =	sst s3  }
0xc: {  	[smem:$0x3FAF] =	sst s4  }
0xd: {  	[smem:$0x3FB0] =	sst s5  }
0xe: {  	[smem:$0x3FB1] =	sst s6  }
0xf: {  	[smem:$0x3FB2] =	sst s7  }
0x10: {  	[smem:$0x3FB3] =	sst s8  }
0x11: {  	[smem:$0x3FB4] =	sst s9;
	s0 =	simm.s32 @!p0 $0x0  }
0x12: {  	s1 =	sld [smem:$0x3F9A];
	s0 =	simm.s32 @p0 $0x1  }
0x13: {  	[smem:$0x3FB5] =	sst s0;
	s0 =	simm.s32 @!p1 $0x0  }
0x14: {  	s2 =	sld [smem:$0x3F99];
	s0 =	simm.s32 @p1 $0x1  }
0x15: {  	[smem:$0x3FB6] =	sst s0;
	s0 =	simm.s32 @!p2 $0x0  }
0x16: {  	s3 =	sld [smem:$0x3FDB];
	s0 =	simm.s32 @p2 $0x1  }
0x17: {  	s4 =	simm.s32 $0x1BF5;
	[smem:$0x3FB8] =	sst s0  }
0x18: {  	s0 =	sld [smem:$0x3F9B];
	_ =	swait.ge [sflag:s4], $0x0  }
0x19: {  	s7 =	sld [smem:$0x3F9C]  }
0x1a: {  	s8 =	sadd.s32 $0xFFFFE003, lr  }
0x1b: {  	s9 =	sadd.s32 $0xFFFFFEF7, lr;
	s5 =	simm.s32 $0xFFFFFFFF;
	p2 =	slt.u32 s8, $0xFFFFF086  }
0x1c: {  	p1 =	slt.u32 s9, $0xF7A;
	s5 =	simm.s32 @!p2 $0x0  }
0x1d: {  	s5 =	simm.s32 @p1 $0x1;
	p0 =	seq.s32 s7, s2  }
0x1e: {  	s7 =	smul.u32 @!p0 $0xF7A, s2;
	p2 =	seq.s32 @!p0 s5, $0x0  }
0x1f: {  	s9 =	smul.u32 $0xF7A, s1;
	s8 =	simm.s32 @!p0 $0x1BF5;
	p2 =	por !p2, p0  }
0x20: {  	[sflag:s8] =	ssyncset.s32 @!p0 $0xFFFFF086;
	s6 =	sadd.s32 @!p0 s3, s7;
	s7 =	simm.s32 @!p0 $0x108  }
0x21: {  	s3 =	sadd.s32 s3, s9;
	s6 =	sadd.s32 @!p0 $0x88, s6;
	s7 =	simm.s32 @p2 $0x1082  }
0x22: {  	[simem:s7], [sflag:s8] =	dma.local @!p0 [hbm:s6], $0xF7A  }
0x23: {  	s9 =	sor.u32 $0xD0000000, s2;
	s6 =	simm.s32 $0x108;
	_ =	swait.ge @!p0 [sflag:s8], $0x0  }
0x24: {  	s3 =	sadd.s32 $0x88, s3;
	s6 =	simm.s32 @!p1 $0x1082;
	[sflag:s4] =	ssyncset.s32 $0xFFFFF086  }
0x25: {  	[simem:s6], [sflag:s4] =	dma.local [hbm:s3], $0xF7A  }
0x26: {  	[smem:$0x3F9C] =	sst s1;
	(tag) =	ssettag s2;
	_ =	strace s9  }
0x27: {  	s1 =	sld [smem:$0x3FAC]  }
0x28: {  	s2 =	sld [smem:$0x3FAD]  }
0x29: {  	s4 =	sld [smem:$0x3FAF]  }
0x2a: {  	p0 =	seq.s32 s5, $0x0;
	s5 =	sld [smem:$0x3FB0]  }
0x2b: {  	s6 =	sld [smem:$0x3FB1]  }
0x2c: {  	s7 =	sld [smem:$0x3FB2]  }
0x2d: {  	s3 =	simm.s32 $0x108;
	s8 =	sld [smem:$0x3FB3]  }
0x2e: {  	s3 =	simm.s32 @!p0 $0x1082;
	s9 =	sld [smem:$0x3FB4]  }
0x2f: {  	lr =	sadd.s32 s0, s3;
	s0 =	sld [smem:$0x3FAB]  }
0x30: {  	s3 =	sld [smem:$0x3FAE]  }
0x31: {  	[smem:$0x3FB7] =	sst s10  }
0x32: {  	s10 =	sld [smem:$0x3FB5];
	_ =	sdelay $0x3  }
0x33: {  	p0 =	seq.s32 s10, $0x1;
	s10 =	sld [smem:$0x3FB7];
	_ =	sdelay $0x3  }
0x34: {  	[smem:$0x3FB7] =	sst s10  }
0x35: {  	s10 =	sld [smem:$0x3FB6];
	_ =	sdelay $0x3  }
0x36: {  	p1 =	seq.s32 s10, $0x1;
	s10 =	sld [smem:$0x3FB7];
	_ =	sdelay $0x3  }
0x37: {  	[smem:$0x3FB7] =	sst s10  }
0x38: {  	s10 =	sld [smem:$0x3FB8]  }
0x39: {  	_ = 	snop;
	(pc) =	sbr.ind lr, $3  }
0x3a: {  	_ = 	snop  }
0x3b: {  	_ = 	snop  }
0x3c: {  	p2 =	seq.s32 s10, $0x1;
	s10 =	sld [smem:$0x3FB7]  }
0x3d: {  	_ =	shalt  }
0x3e: {  	_ =	shalt  }
0x3f: {  	_ =	shalt  }
0x40: {  	_ =	shalt  }
0x41: {  	_ =	shalt  }
0x42: {  	_ =	shalt  }
0x43: {  	_ =	shalt  }
0x44: {  	_ =	shalt  }
0x45: {  	_ =	shalt  }
0x46: {  	_ =	shalt  }
0x47: {  	_ =	shalt  }
0x48: {  	_ =	shalt  }
0x49: {  	_ =	shalt  }
0x4a: {  	_ =	shalt  }
0x4b: {  	_ =	shalt  }
0x4c: {  	_ =	shalt  }
0x4d: {  	_ =	shalt  }
0x4e: {  	_ =	shalt  }
0x4f: {  	_ =	shalt  }
0x50: {  	_ =	shalt  }
0x51: {  	_ =	shalt  }
0x52: {  	_ =	shalt  }
0x53: {  	_ =	shalt  }
0x54: {  	_ =	shalt  }
0x55: {  	_ =	shalt  }
0x56: {  	_ =	shalt  }
0x57: {  	_ =	shalt  }
0x58: {  	_ =	shalt  }
0x59: {  	_ =	shalt  }
0x5a: {  	_ =	shalt  }
0x5b: {  	_ =	shalt  }
0x5c: {  	_ =	shalt  }
0x5d: {  	_ =	shalt  }
0x5e: {  	_ =	shalt  }
0x5f: {  	_ =	shalt  }
0x60: {  	_ =	shalt  }
0x61: {  	_ =	shalt  }
0x62: {  	_ =	shalt  }
0x63: {  	_ =	shalt  }
0x64: {  	_ =	shalt  }
0x65: {  	_ =	shalt  }
0x66: {  	_ =	shalt  }
0x67: {  	_ =	shalt  }
0x68: {  	_ =	shalt  }
0x69: {  	_ =	shalt  }
0x6a: {  	_ =	shalt  }
0x6b: {  	_ =	shalt  }
0x6c: {  	_ =	shalt  }
0x6d: {  	_ =	shalt  }
0x6e: {  	_ =	shalt  }
0x6f: {  	_ =	shalt  }
0x70: {  	_ =	shalt  }
0x71: {  	_ =	shalt  }
0x72: {  	_ =	shalt  }
0x73: {  	_ =	shalt  }
0x74: {  	_ =	shalt  }
0x75: {  	_ =	shalt  }
0x76: {  	_ =	shalt  }
0x77: {  	_ =	shalt  }
0x78: {  	_ =	shalt  }
0x79: {  	_ =	shalt  }
0x7a: {  	_ =	shalt  }
0x7b: {  	_ =	shalt  }
0x7c: {  	_ =	shalt  }
0x7d: {  	_ =	shalt  }
0x7e: {  	_ =	shalt  }
0x7f: {  	_ =	shalt  }
0x80: {  	_ =	shalt  }
0x81: {  	_ =	shalt  }
0x82: {  	_ =	shalt  }
0x83: {  	_ =	shalt  }
0x84: {  	_ =	shalt  }
0x85: {  	_ =	shalt  }
0x86: {  	_ =	shalt  }
0x87: {  	_ =	shalt  }
.Lfunc_end0:
.L_simem_size_0:
called_computation_lowered:
.L_overlay_start_0:
0x88: {  	s2 =	sld [smem:$0x3FD9]  }
0x89: {  	s3 =	sld [smem:$0x3FFE];
	_ =	sdelay $0x1  }
0x8a: {  	s1 =	srdreg.scid  }
0x8b: {  	s0 =	sand.u32 $0x1, s1  }
0x8c: {  	s18 =	sshll.u32 s0, $0xA;
	s2 =	sadd.s32 s3, s2  }
0x8d: {  	s2 =	sadd.s32 s2, s18  }
0x8e: {  	[smem:$0x3FC3] =	sst s2  }
0x8f: {  	_ = 	snop  }
0x90: {  	s2 =	sld [smem:$0x3FC9]  }
0x91: {  	s19 =	sld [smem:$0x3FC8]  }
0x92: {  	s4 =	sld [smem:$0x3FC7]  }
0x93: {  	s5 =	sld [smem:$0x3FC6]  }
0x94: {  	s6 =	sld [smem:$0x3FC5]  }
0x95: {  	s7 =	sld [smem:$0x3FD0];
	(tm) =	ssettm $0x1  }
0x96: {  	s8 =	sld [smem:$0x3FFB];
	_ =	sdelay $0x3  }
0x97: {  	_ =	strace s8  }
0x98: {  	s8 =	sld [smem:$0x3FFC];
	_ =	sdelay $0x3  }
0x99: {  	_ =	strace s8  }
0x9a: {  	s8 =	sld [smem:$0x3FFD];
	_ =	sdelay $0x3  }
0x9b: {  	_ =	strace s8  }
0x9c: {  	_ =	strace $0x8FFFFFFF  }
0x9d: {  	s20 =	sld [smem:$0x3FDB];
	_ =	sdelay $0x1  }
0x9e: {  	s9 =	simm.s32 $_scs_section_size  }
0x9f: {  	s10 =	simm.s32 $_size__tile_overlayer_lowered;
	s11 =	simm.s32 $_tile_overlayer_lowered  }
0xa0: {  	s23 =	simm.s32 $0x1BFF;
	s22 =	sshll.u32 s11, $0x1;
	s8 =	sadd.s32 s9, s20  }
0xa1: {  	s12 =	simm.s32 $0x0;
	s21 =	sshll.u32 s10, $0x1;
	s10 =	sadd.s32 s22, s8  }
0xa2: {  	[timem:s12], [sflag:s23] =	dma.local [hbm:s10], s21  }
0xa3: {  	_ =	swait.ge [sflag:s23], s21  }
0xa4: {  	s9 =	ssub.s32 $0x0, s21;
	[sflag:s23] =	ssyncset.done $0x0  }
0xa5: {  	[sflag:s23] =	ssyncadd.s32 s9;
	_ =	sdelay $0x1  }
0xa6: {  	s24 =	simm.s32 $0x1B8B  }
0xa7: {  	_ =	swait.ge [sflag:s24], $0x1  }
0xa8: {  	[sflag:s24] =	ssyncset.done $0x0  }
0xa9: {  	s25 =	simm.s32 $0x1B8E;
	[sflag:s24] =	ssyncadd.s32 $0xFFFFFFFF  }
0xaa: {  	s26 =	simm.s32 $execute0_lowered;
	[smem:$0x3FD2] =	sst s25  }
0xab: {  	s9 =	sshll.u32 s26, $0x1;
	_ =	strace $0x80000046;
	[dreg:$0x1] =	wrdreg $0xFFFFFFFF  }
0xac: {  	s28 =	simm.s32 $_size_execute0_lowered;
	s8 =	sadd.s32 s8, s9;
	[dreg:$0x0] =	wrdreg $0x0  }
0xad: {  	s9 =	sshll.u32 s28, $0x1;
	[dreg:$0x2] =	wrdreg s8  }
0xae: {  	[dreg:$0x3] =	wrdreg s9  }
0xaf: {  	[dreg:$0x4] =	wrdreg $0xC0  }
0xb0: {  	_ =	task [dreg:s12], $0x5FFFF  }
0xb1: {  	[dreg:$0x1] =	wrdreg $0xFFFFFFFF  }
0xb2: {  	[dreg:$0x0] =	wrdreg $0x60  }
0xb3: {  	[dreg:$0x2] =	wrdreg s2  }
0xb4: {  	[dreg:$0x3] =	wrdreg s19  }
0xb5: {  	[dreg:$0x4] =	wrdreg s4  }
0xb6: {  	[dreg:$0x5] =	wrdreg s5  }
0xb7: {  	[dreg:$0x6] =	wrdreg s6  }
0xb8: {  	[dreg:$0x7] =	wrdreg s7  }
0xb9: {  	[dreg:$0x8] =	wrdreg $0x9  }
0xba: {  	_ =	task.clear_ibuf [dreg:s12], $0x9FFFF;
	_ =	strace $0x90000046  }
0xbb: {  	s29 =	simm.s32 $0x9;
	_ =	strace $0x80000048  }
0xbc: {  	_ =	swait.ge [sflag:s29], $0x1  }
0xbd: {  	[sflag:s29] =	ssyncadd.s32 $0xFFFFFFFF  }
0xbe: {  	_ =	strace $0x90000048  }
0xbf: {  	_ =	sfence  }
0xc0: {  	s30 =	sld [smem:$0x0];
	_ =	sdelay $0x2  }
0xc1: {  	s31 =	sshll.u32 s1, $0xD;
	s1 =	sshrl.u32 s1, $0x2  }
0xc2: {  	s3 =	sand.u32 $0x4000, s31;
	s1 =	sadd.s32 s1, s30  }
0xc3: {  	s0 =	sor.u32 s3, s0;
	s1 =	sshll.u32 s1, $0x11  }
0xc4: {  	s0 =	sor.u32 s1, s0  }
0xc5: {  	s0 =	sadd.s32 $0x8F2B, s0  }
0xc6: {  	[sflag:s0] =	ssyncadd.remote.s32 $0x1  }
0xc7: {  	_ =	sfence.sel $0xFFFF  }
0xc8: {  	[dreg:$0x0] =	wrdreg $0xFFFFFFFF;
	(pc) =	sbr.abs _section_cstart, $3  }
0xc9: {  	[dreg:$0x1] =	wrdreg $0xFFFFFFFF  }
0xca: {  	_ =	task.clear_ibuf [dreg:s12], $0x2FFFF;
	_ =	strace $0x9FFFFFFF  }
0xcb: {  	(tm) =	ssettm $0x7FFFFFFF  }
tec
execute0_lowered:
.L_overlay_start_1:
0x0: {  	(tag) =	ssettag $0x1  }
0x1: {  	s1 =	rddreg [dreg:$0x0]  }
0x2: {  	s2 =	rddreg [dreg:$0x1]  }
0x3: {  	s3 =	rddreg [dreg:$0x2]  }
0x4: {  	s0 =	rddreg [dreg:$0x3]  }
0x5: {  	s5 =	rddreg [dreg:$0x5];
	s7 =	simm.s32 $0x0;
	s4 =	srdreg.scid  }
0x6: {  	s13 =	stileid.u32;
	s29 =	simm.s32 $0x6080;
	s30 =	simm.s32 $0xA080  }
0x7: {  	s31 =	simm.s32 $0xE080;
	s28 =	simm.s32 $0x16080;
	[smem:$0x7FF] =	sst s7  }
0x8: {  	s4 =	sand.u32 $0x1, s4;
	s9 =	sshrl.u32 s13, $0x3;
	s8 =	sshll.u32 s13, $0x7  }
0x9: {  	s6 =	ssub.s32 $0x2, s4;
	s11 =	sand.u32 $0x380, s8;
	s18 =	sshll.u32 s9, $0x11  }
0xa: {  	_ =	strace $0x80000047;
	s8 =	sshll.u32 s4, $0x12;
	s12 =	sshll.u32 s4, $0xF  }
0xb: {  	s9 =	sshll.u32 s9, $0x16;
	s17 =	sshll.u32 s4, $0x15;
	s4 =	simm.s32 $0x14080  }
0xc: {  	s10 =	sshrl.u32 s6, $0x1;
	s19 =	sor.u32 s11, s18;
	s20 =	sadd.s32 s1, s12  }
0xd: {  	s21 =	sadd.s32 s2, s12;
	s22 =	sadd.s32 s3, s12;
	s23 =	sor.u32 $0x400, s12  }
0xe: {  	s15 =	sor.u32 s9, s11;
	s11 =	simm.s32 $0x0;
	[dreg:$0x8] =	wrdreg s20  }
0xf: {  	s6 =	ssub.s32 s6, s10;
	s10 =	sshrl.u32 s19, $0x3;
	[dreg:$0x9] =	wrdreg s21  }
0x10: {  	[dreg:$0xa] =	wrdreg s22;
	s24 =	sadd.s32 s1, s23;
	s25 =	sadd.s32 s2, s23  }
0x11: {  	s18 =	sor.u32 $0x800000, s15;
	s19 =	sor.u32 $0x4000, s8;
	s20 =	sor.u32 $0x6000, s8  }
.Ltmp0:
0x12: {  	s0 =	sadd.s32 s0, s10;
	[dreg:$0xb] =	wrdreg s24;
	(pc) =	sbr.rel .LBB2_1-.Ltmp0, $4  }
0x13: {  	[dreg:$0xc] =	wrdreg s25;
	s26 =	smax.u32 s6, $0x1;
	s24 =	simm.s32 $0x80  }
0x14: {  	s6 =	simm.s32 $0x10080;
	s25 =	simm.s32 $0x2;
	[dreg:$0x7] =	wrdreg s0  }
0x15: {  	s0 =	sadd.s32 s3, s23;
	[dreg:$0xe] =	wrdreg s26;
	s23 =	simm.s32 $0x400  }
0x16: {  	v0 =	vmov s13;
	s26 =	simm.s32 $0x12080;
	[dreg:$0xd] =	wrdreg s0;
	s0 =	simm.s32 $0x1  }
.LBB2_8:
0x17: {  	s9 =	simm.s32 $0x3  }
0x18: {  	_ =	swait.ge [sflag:s9], $0x2000  }
0x19: {  	[sflag:s9] =	ssyncset.done $0x0  }
0x1a: {  	[sflag:s9] =	ssyncadd.s32 $0xFFFFE000  }
0x1b: {  	_ =	swait.ge [sflag:s9], $0x2000  }
0x1c: {  	[sflag:s9] =	ssyncset.done $0x0  }
0x1d: {  	s10 =	simm.s32 $0x4;
	[sflag:s9] =	ssyncadd.s32 $0xFFFFE000  }
0x1e: {  	_ =	swait.ge [sflag:s10], $0x2000  }
0x1f: {  	[sflag:s10] =	ssyncset.done $0x0  }
0x20: {  	[sflag:s10] =	ssyncadd.s32 $0xFFFFE000  }
0x21: {  	_ =	swait.ge [sflag:s10], $0x2000  }
0x22: {  	s11 =	rddreg [dreg:$0xf]  }
0x23: {  	s22 =	rddreg [dreg:$0xe];
	s11 =	sadd.s32 $0x1, s11  }
0x24: {  	p0 =	sne.s32 s11, s22  }
.Ltmp1:
0x25: {  	_ = 	snop;
	(pc) =	sbr.rel @!p0 .LBB2_9-.Ltmp1, $3  }
0x26: {  	_ =	sdelay $0x1  }
0x27: {  	[sflag:s10] =	ssyncset.done $0x0  }
0x28: {  	[sflag:s10] =	ssyncadd.s32 $0xFFFFE000  }
.LBB2_1:
0x29: {  	[dreg:$0xf] =	wrdreg s11  }
0x2a: {  	s9 =	rddreg [dreg:$0x4];
	s10 =	simm.s32 $0x5  }
0x2b: {  	[tilespmem:s7], [sflag:$0x5] =	stream.linear.gather [hbm4b:s9+s7], $0x80, $0x38;
	[tilespmem:$0x18080] =	vst v63  }
0x2c: {  	_ =	swait.ge [sflag:s10], $0x80  }
0x2d: {  	[sflag:s10] =	ssyncset.done $0x0  }
0x2e: {  	s16 =	rddreg [dreg:$0x7];
	[sflag:s10] =	ssyncadd.s32 $0xFFFFFF80  }
0x2f: {  	[tilespmem:s24], [sflag:$0x5] =	stream.strided.gather [hbm4b:s16+s24], $0x4000, s23, s24, $0x38;
	[tilespmem:$0x18080] =	vst v63  }
0x30: {  	_ =	swait.ge [sflag:s10], $0x4000  }
0x31: {  	[sflag:s10] =	ssyncset.done $0x0  }
0x32: {  	s22 =	simm.s32 $0x4080;
	s21 =	rddreg [dreg:$0x8];
	[sflag:s10] =	ssyncadd.s32 $0xFFFFC000  }
0x33: {  	v1 =	vld.idx.msk [tilespmem:v0+s7+$0x0], $0xffff;
	[tilespmem:s22], [sflag:$0x1] =	stream.linear.gather [hbm4b:s21+s7], $0x2000, $0x38  }
0x34: {  	s12 =	simm.s32 $0x8080;
	s11 =	rddreg [dreg:$0x9]  }
0x35: {  	[tilespmem:s12], [sflag:$0x1] =	stream.linear.gather [hbm4b:s11+s7], $0x2000, $0x38;
	[tilespmem:$0x18080] =	vst v63  }
0x36: {  	s14 =	simm.s32 $0xC080;
	s13 =	rddreg [dreg:$0xa]  }
0x37: {  	[tilespmem:s14], [sflag:$0x1] =	stream.linear.gather [hbm4b:s13+s7], $0x2000, $0x38;
	[tilespmem:$0x18080] =	vst v63  }
0x38: {  	s16 =	rddreg [dreg:$0xb]  }
0x39: {  	[tilespmem:s29], [sflag:$0x2] =	stream.linear.gather [hbm4b:s16+s7], $0x2000, $0x38;
	[tilespmem:$0x18080] =	vst v63  }
0x3a: {  	s21 =	rddreg [dreg:$0xc]  }
0x3b: {  	[tilespmem:s30], [sflag:$0x2] =	stream.linear.gather [hbm4b:s21+s7], $0x2000, $0x38;
	[tilespmem:$0x18080] =	vst v63  }
0x3c: {  	s22 =	rddreg [dreg:$0xd];
	s12 =	simm.s32 $0x0  }
0x3d: {  	[tilespmem:s31], [sflag:$0x2] =	stream.linear.gather [hbm4b:s22+s7], $0x2000, $0x38;
	[tilespmem:$0x18080] =	vst v63  }
.LBB2_2:
0x3e: {  	_ =	swait.ge [sflag:s0], $0x2000  }
0x3f: {  	[sflag:s0] =	ssyncset.done $0x0  }
0x40: {  	[sflag:s0] =	ssyncadd.s32 $0xFFFFE000  }
0x41: {  	_ =	swait.ge [sflag:s0], $0x2000  }
0x42: {  	[sflag:s0] =	ssyncset.done $0x0  }
0x43: {  	[sflag:s0] =	ssyncadd.s32 $0xFFFFE000  }
0x44: {  	_ =	swait.ge [sflag:s0], $0x2000  }
0x45: {  	p0 =	seq.s32 s12, $0x0;
	[sflag:s0] =	ssyncset.done $0x0  }
0x46: {  	s9 =	simm.s32 @!p0 $0x3;
	[sflag:s0] =	ssyncadd.s32 $0xFFFFE000  }
0x47: {  	_ =	swait.ge @!p0 [sflag:s9], $0x2000  }
0x48: {  	[sflag:s9] =	ssyncset.done @!p0 $0x0  }
0x49: {  	s13 =	sshll.u32 s12, $0xE;
	[sflag:s9] =	ssyncadd.s32 @!p0 $0xFFFFE000  }
0x4a: {  	s14 =	simm.s32 $0xFFFFFFF8;
	s16 =	simm.s32 $0x40C0;
	_ =	swait.ge @!p0 [sflag:s9], $0x2000  }
0x4b: {  	s21 =	simm.s32 $0x80C0;
	s22 =	simm.s32 $0xC0C0;
	[sflag:s9] =	ssyncset.done @!p0 $0x0  }
0x4c: {  	s10 =	simm.s32 $0x140C0;
	[sflag:s9] =	ssyncadd.s32 @!p0 $0xFFFFE000;
	s9 =	simm.s32 $0x100C0  }
.LBB2_3:
0x4d: {  	v2 =	vld [tilespmem:s21+$0xFFFFFFC0]  }
0x4e: {  	v3 =	vld [tilespmem:s22+$0xFFFFFFC0]  }
0x4f: {  	v4 =	vld [tilespmem:s16+$0xFFFFFFC0];
	_ =	sdelay $0x2  }
0x50: {  	v2 =	vadd.f32 $3.000000000e+00, v2  }
0x51: {  	v3 =	vadd.f32 $3.000000000e+00, v3  }
0x52: {  	v4 =	vadd.f32 $3.000000000e+00, v4;
	v2 =	vmul.f32 v2, v1  }
0x53: {  	v3 =	vmul.f32 v3, v1  }
0x54: {  	v4 =	vmul.f32 v4, v1;
	v5 =	vtrunc.f32 v2  }
0x55: {  	v6 =	vtrunc.f32 v3;
	v5 =	vcvt.f32.s32 v5  }
0x56: {  	v6 =	vcvt.f32.s32 v6  }
0x57: {  	v7 =	vtrunc.f32 v4;
	v8 =	vmul.u32 $0x39B1, v5  }
0x58: {  	v7 =	vcvt.f32.s32 v7;
	v9 =	vmul.u32 $0x1795, v6  }
0x59: {  	v10 =	vand.u32 $0x3FFF, v8  }
0x5a: {  	v11 =	vand.u32 $0x3FFF, v9;
	v9 =	vadd.s32 $0x1795, v9;
	v12 =	vxor.u32 v7, v10  }
0x5b: {  	v15 =	vadd.s32 $0x1, v7;
	v9 =	vand.u32 $0x3FFF, v9;
	v13 =	vxor.u32 v11, v12  }
0x5c: {  	v8 =	vadd.s32 $0x39B1, v8;
	v10 =	vxor.u32 v15, v10;
	v12 =	vxor.u32 v12, v9  }
0x5d: {  	v8 =	vand.u32 $0x3FFF, v8;
	v17 =	vxor.u32 v11, v10  }
0x5e: {  	v14 =	vxor.u32 v7, v8;
	v10 =	vxor.u32 v10, v9  }
0x5f: {  	v16 =	vxor.u32 v11, v14  }
0x60: {  	v8 =	vxor.u32 v15, v8;
	v14 =	vxor.u32 v9, v14;
	v13 =	vld.idx.msk [tilespmem:v13+s24+$0x0], $0xffff  }
0x61: {  	v11 =	vxor.u32 v11, v8;
	v12 =	vld.idx.msk [tilespmem:v12+s24+$0x0], $0xffff  }
0x62: {  	v6 =	vcvt.s32.f32 v6;
	v8 =	vxor.u32 v9, v8;
	v43 =	vld.idx.msk [tilespmem:v17+s24+$0x0], $0xffff  }
0x63: {  	v10 =	vld.idx.msk [tilespmem:v10+s24+$0x0], $0xffff  }
0x64: {  	v3 =	vsub.f32 v3, v6;
	v42 =	vld.idx.msk [tilespmem:v16+s24+$0x0], $0xffff  }
0x65: {  	v14 =	vld.idx.msk [tilespmem:v14+s24+$0x0], $0xffff  }
0x66: {  	v44 =	vsub.f32 $1.000000000e+00, v3;
	v11 =	vld.idx.msk [tilespmem:v11+s24+$0x0], $0xffff  }
0x67: {  	v5 =	vcvt.s32.f32 v5;
	v8 =	vld.idx.msk [tilespmem:v8+s24+$0x0], $0xffff  }
0x68: {  	v7 =	vcvt.s32.f32 v7;
	v3 =	vpack.i.f32.bf16 v3, v3;
	v15 =	vpack.i.f32.bf16 v44, v44  }
0x69: {  	v45 =	vmul.bf16 v13, v15;
	v12 =	vmul.bf16 v12, v3  }
0x6a: {  	v2 =	vsub.f32 v2, v5;
	v6 =	vmul.bf16 v43, v15;
	v10 =	vmul.bf16 v10, v3  }
0x6b: {  	v9 =	vmul.bf16 v42, v15;
	v46 =	vmul.bf16 v14, v3  }
0x6c: {  	v47 =	vsub.f32 $1.000000000e+00, v2;
	v11 =	vmul.bf16 v11, v15;
	v3 =	vmul.bf16 v8, v3  }
0x6d: {  	v2 =	vpack.i.f32.bf16 v2, v2;
	v5 =	vadd.bf16 v12, v45;
	v6 =	vadd.bf16 v10, v6  }
0x6e: {  	v48 =	vpack.i.f32.bf16 v47, v47;
	v9 =	vadd.bf16 v46, v9;
	v3 =	vadd.bf16 v3, v11  }
0x6f: {  	v4 =	vsub.f32 v4, v7;
	v5 =	vmul.bf16 v5, v48;
	v6 =	vmul.bf16 v6, v48  }
0x70: {  	v49 =	vmul.bf16 v9, v2;
	v2 =	vmul.bf16 v3, v2  }
0x71: {  	v3 =	vsub.f32 $1.000000000e+00, v4  }
0x72: {  	v5 =	vadd.bf16 v49, v5;
	v2 =	vadd.bf16 v2, v6  }
0x73: {  	v4 =	vpack.i.f32.bf16 v4, v4;
	v3 =	vpack.i.f32.bf16 v3, v3  }
0x74: {  	v3 =	vmul.bf16 v5, v3;
	v2 =	vmul.bf16 v2, v4;
	_ =	sdelay $0x1  }
0x75: {  	v2 =	vadd.bf16 v2, v3;
	_ =	sdelay $0x1  }
0x76: {  	v3 =	vunpack.i.l.bf16.f32 v2  }
0x77: {  	v2 =	vunpack.i.u.bf16.f32 v2;
	[tilespmem:s9+$0xFFFFFFC0] =	vst v3  }
0x78: {  	[tilespmem:s10+$0xFFFFFFC0] =	vst v2  }
0x79: {  	v2 =	vld [tilespmem:s21+$0xFFFFFFD0]  }
0x7a: {  	v3 =	vld [tilespmem:s22+$0xFFFFFFD0]  }
0x7b: {  	v50 =	vld [tilespmem:s16+$0xFFFFFFD0];
	_ =	sdelay $0x2  }
0x7c: {  	v2 =	vadd.f32 $3.000000000e+00, v2  }
0x7d: {  	v3 =	vadd.f32 $3.000000000e+00, v3  }
0x7e: {  	v4 =	vadd.f32 $3.000000000e+00, v50;
	v2 =	vmul.f32 v2, v1  }
0x7f: {  	v3 =	vmul.f32 v3, v1  }
0x80: {  	v4 =	vmul.f32 v4, v1;
	v51 =	vtrunc.f32 v2  }
0x81: {  	v52 =	vtrunc.f32 v3;
	v5 =	vcvt.f32.s32 v51  }
0x82: {  	v6 =	vcvt.f32.s32 v52  }
0x83: {  	v53 =	vtrunc.f32 v4;
	v54 =	vmul.u32 $0x39B1, v5  }
0x84: {  	v7 =	vcvt.f32.s32 v53;
	v55 =	vmul.u32 $0x1795, v6  }
0x85: {  	v56 =	vand.u32 $0x3FFF, v54  }
0x86: {  	v57 =	vand.u32 $0x3FFF, v55;
	v9 =	vadd.s32 $0x1795, v55;
	v58 =	vxor.u32 v7, v56  }
0x87: {  	v61 =	vadd.s32 $0x1, v7;
	v9 =	vand.u32 $0x3FFF, v9;
	v59 =	vxor.u32 v57, v58  }
0x88: {  	v8 =	vadd.s32 $0x39B1, v54;
	v10 =	vxor.u32 v61, v56;
	v12 =	vxor.u32 v58, v9  }
0x89: {  	v8 =	vand.u32 $0x3FFF, v8;
	v63 =	vxor.u32 v57, v10  }
0x8a: {  	v60 =	vxor.u32 v7, v8;
	v10 =	vxor.u32 v10, v9  }
0x8b: {  	v62 =	vxor.u32 v57, v60  }
0x8c: {  	v8 =	vxor.u32 v61, v8;
	v14 =	vxor.u32 v9, v60;
	v13 =	vld.idx.msk [tilespmem:v59+s24+$0x0], $0xffff  }
0x8d: {  	v11 =	vxor.u32 v57, v8;
	v12 =	vld.idx.msk [tilespmem:v12+s24+$0x0], $0xffff  }
0x8e: {  	v6 =	vcvt.s32.f32 v6;
	v8 =	vxor.u32 v9, v8;
	v19 =	vld.idx.msk [tilespmem:v63+s24+$0x0], $0xffff  }
0x8f: {  	v10 =	vld.idx.msk [tilespmem:v10+s24+$0x0], $0xffff  }
0x90: {  	v3 =	vsub.f32 v3, v6;
	v18 =	vld.idx.msk [tilespmem:v62+s24+$0x0], $0xffff  }
0x91: {  	v14 =	vld.idx.msk [tilespmem:v14+s24+$0x0], $0xffff  }
0x92: {  	v20 =	vsub.f32 $1.000000000e+00, v3;
	v11 =	vld.idx.msk [tilespmem:v11+s24+$0x0], $0xffff  }
0x93: {  	v5 =	vcvt.s32.f32 v5;
	v8 =	vld.idx.msk [tilespmem:v8+s24+$0x0], $0xffff  }
0x94: {  	v7 =	vcvt.s32.f32 v7;
	v3 =	vpack.i.f32.bf16 v3, v3;
	v15 =	vpack.i.f32.bf16 v20, v20  }
0x95: {  	v21 =	vmul.bf16 v13, v15;
	v12 =	vmul.bf16 v12, v3  }
0x96: {  	v2 =	vsub.f32 v2, v5;
	v6 =	vmul.bf16 v19, v15;
	v10 =	vmul.bf16 v10, v3  }
0x97: {  	v9 =	vmul.bf16 v18, v15;
	v22 =	vmul.bf16 v14, v3  }
0x98: {  	v23 =	vsub.f32 $1.000000000e+00, v2;
	v11 =	vmul.bf16 v11, v15;
	v3 =	vmul.bf16 v8, v3  }
0x99: {  	v2 =	vpack.i.f32.bf16 v2, v2;
	v5 =	vadd.bf16 v12, v21;
	v6 =	vadd.bf16 v10, v6  }
0x9a: {  	v24 =	vpack.i.f32.bf16 v23, v23;
	v9 =	vadd.bf16 v22, v9;
	v3 =	vadd.bf16 v3, v11  }
0x9b: {  	v4 =	vsub.f32 v4, v7;
	v5 =	vmul.bf16 v5, v24;
	v6 =	vmul.bf16 v6, v24  }
0x9c: {  	v25 =	vmul.bf16 v9, v2;
	v2 =	vmul.bf16 v3, v2  }
0x9d: {  	v3 =	vsub.f32 $1.000000000e+00, v4  }
0x9e: {  	v5 =	vadd.bf16 v25, v5;
	v2 =	vadd.bf16 v2, v6  }
0x9f: {  	v4 =	vpack.i.f32.bf16 v4, v4;
	v3 =	vpack.i.f32.bf16 v3, v3  }
0xa0: {  	v3 =	vmul.bf16 v5, v3;
	v2 =	vmul.bf16 v2, v4;
	_ =	sdelay $0x1  }
0xa1: {  	v2 =	vadd.bf16 v2, v3;
	_ =	sdelay $0x1  }
0xa2: {  	v3 =	vunpack.i.l.bf16.f32 v2  }
0xa3: {  	v2 =	vunpack.i.u.bf16.f32 v2;
	[tilespmem:s9+$0xFFFFFFD0] =	vst v3  }
0xa4: {  	[tilespmem:s10+$0xFFFFFFD0] =	vst v2  }
0xa5: {  	v2 =	vld [tilespmem:s21+$0xFFFFFFE0]  }
0xa6: {  	v3 =	vld [tilespmem:s22+$0xFFFFFFE0]  }
0xa7: {  	v26 =	vld [tilespmem:s16+$0xFFFFFFE0];
	_ =	sdelay $0x2  }
0xa8: {  	v2 =	vadd.f32 $3.000000000e+00, v2  }
0xa9: {  	v3 =	vadd.f32 $3.000000000e+00, v3  }
0xaa: {  	v4 =	vadd.f32 $3.000000000e+00, v26;
	v2 =	vmul.f32 v2, v1  }
0xab: {  	v3 =	vmul.f32 v3, v1  }
0xac: {  	v4 =	vmul.f32 v4, v1;
	v27 =	vtrunc.f32 v2  }
0xad: {  	v28 =	vtrunc.f32 v3;
	v5 =	vcvt.f32.s32 v27  }
0xae: {  	v6 =	vcvt.f32.s32 v28  }
0xaf: {  	v29 =	vtrunc.f32 v4;
	v30 =	vmul.u32 $0x39B1, v5  }
0xb0: {  	v7 =	vcvt.f32.s32 v29;
	v31 =	vmul.u32 $0x1795, v6  }
0xb1: {  	v32 =	vand.u32 $0x3FFF, v30  }
0xb2: {  	v33 =	vand.u32 $0x3FFF, v31;
	v9 =	vadd.s32 $0x1795, v31;
	v34 =	vxor.u32 v7, v32  }
0xb3: {  	v37 =	vadd.s32 $0x1, v7;
	v9 =	vand.u32 $0x3FFF, v9;
	v35 =	vxor.u32 v33, v34  }
0xb4: {  	v8 =	vadd.s32 $0x39B1, v30;
	v10 =	vxor.u32 v37, v32;
	v12 =	vxor.u32 v34, v9  }
0xb5: {  	v8 =	vand.u32 $0x3FFF, v8;
	v39 =	vxor.u32 v33, v10  }
0xb6: {  	v36 =	vxor.u32 v7, v8;
	v10 =	vxor.u32 v10, v9  }
0xb7: {  	v38 =	vxor.u32 v33, v36  }
0xb8: {  	v8 =	vxor.u32 v37, v8;
	v14 =	vxor.u32 v9, v36;
	v13 =	vld.idx.msk [tilespmem:v35+s24+$0x0], $0xffff  }
0xb9: {  	v11 =	vxor.u32 v33, v8;
	v12 =	vld.idx.msk [tilespmem:v12+s24+$0x0], $0xffff  }
0xba: {  	v6 =	vcvt.s32.f32 v6;
	v8 =	vxor.u32 v9, v8;
	v41 =	vld.idx.msk [tilespmem:v39+s24+$0x0], $0xffff  }
0xbb: {  	v10 =	vld.idx.msk [tilespmem:v10+s24+$0x0], $0xffff  }
0xbc: {  	v3 =	vsub.f32 v3, v6;
	v40 =	vld.idx.msk [tilespmem:v38+s24+$0x0], $0xffff  }
0xbd: {  	v14 =	vld.idx.msk [tilespmem:v14+s24+$0x0], $0xffff  }
0xbe: {  	v42 =	vsub.f32 $1.000000000e+00, v3;
	v11 =	vld.idx.msk [tilespmem:v11+s24+$0x0], $0xffff  }
0xbf: {  	v5 =	vcvt.s32.f32 v5;
	v8 =	vld.idx.msk [tilespmem:v8+s24+$0x0], $0xffff  }
0xc0: {  	v7 =	vcvt.s32.f32 v7;
	v3 =	vpack.i.f32.bf16 v3, v3;
	v15 =	vpack.i.f32.bf16 v42, v42  }
0xc1: {  	v43 =	vmul.bf16 v13, v15;
	v12 =	vmul.bf16 v12, v3  }
0xc2: {  	v2 =	vsub.f32 v2, v5;
	v6 =	vmul.bf16 v41, v15;
	v10 =	vmul.bf16 v10, v3  }
0xc3: {  	v9 =	vmul.bf16 v40, v15;
	v44 =	vmul.bf16 v14, v3  }
0xc4: {  	v45 =	vsub.f32 $1.000000000e+00, v2;
	v11 =	vmul.bf16 v11, v15;
	v3 =	vmul.bf16 v8, v3  }
0xc5: {  	v2 =	vpack.i.f32.bf16 v2, v2;
	v5 =	vadd.bf16 v12, v43;
	v6 =	vadd.bf16 v10, v6  }
0xc6: {  	v46 =	vpack.i.f32.bf16 v45, v45;
	v9 =	vadd.bf16 v44, v9;
	v3 =	vadd.bf16 v3, v11  }
0xc7: {  	v4 =	vsub.f32 v4, v7;
	v5 =	vmul.bf16 v5, v46;
	v6 =	vmul.bf16 v6, v46  }
0xc8: {  	v47 =	vmul.bf16 v9, v2;
	v2 =	vmul.bf16 v3, v2  }
0xc9: {  	v3 =	vsub.f32 $1.000000000e+00, v4  }
0xca: {  	v5 =	vadd.bf16 v47, v5;
	v2 =	vadd.bf16 v2, v6  }
0xcb: {  	v4 =	vpack.i.f32.bf16 v4, v4;
	v3 =	vpack.i.f32.bf16 v3, v3  }
0xcc: {  	v3 =	vmul.bf16 v5, v3;
	v2 =	vmul.bf16 v2, v4;
	_ =	sdelay $0x1  }
0xcd: {  	v2 =	vadd.bf16 v2, v3;
	_ =	sdelay $0x1  }
0xce: {  	v3 =	vunpack.i.l.bf16.f32 v2  }
0xcf: {  	v2 =	vunpack.i.u.bf16.f32 v2;
	[tilespmem:s9+$0xFFFFFFE0] =	vst v3  }
0xd0: {  	[tilespmem:s10+$0xFFFFFFE0] =	vst v2  }
0xd1: {  	v2 =	vld [tilespmem:s21+$0xFFFFFFF0]  }
0xd2: {  	v3 =	vld [tilespmem:s22+$0xFFFFFFF0]  }
0xd3: {  	v48 =	vld [tilespmem:s16+$0xFFFFFFF0];
	_ =	sdelay $0x2  }
0xd4: {  	v2 =	vadd.f32 $3.000000000e+00, v2  }
0xd5: {  	v3 =	vadd.f32 $3.000000000e+00, v3  }
0xd6: {  	v4 =	vadd.f32 $3.000000000e+00, v48;
	v2 =	vmul.f32 v2, v1  }
0xd7: {  	v3 =	vmul.f32 v3, v1  }
0xd8: {  	v4 =	vmul.f32 v4, v1;
	v49 =	vtrunc.f32 v2  }
0xd9: {  	v50 =	vtrunc.f32 v3;
	v5 =	vcvt.f32.s32 v49  }
0xda: {  	v6 =	vcvt.f32.s32 v50  }
0xdb: {  	v51 =	vtrunc.f32 v4;
	v52 =	vmul.u32 $0x39B1, v5  }
0xdc: {  	v7 =	vcvt.f32.s32 v51;
	v53 =	vmul.u32 $0x1795, v6  }
0xdd: {  	v54 =	vand.u32 $0x3FFF, v52  }
0xde: {  	v55 =	vand.u32 $0x3FFF, v53;
	v9 =	vadd.s32 $0x1795, v53;
	v56 =	vxor.u32 v7, v54  }
0xdf: {  	v59 =	vadd.s32 $0x1, v7;
	v9 =	vand.u32 $0x3FFF, v9;
	v57 =	vxor.u32 v55, v56  }
0xe0: {  	v8 =	vadd.s32 $0x39B1, v52;
	v10 =	vxor.u32 v59, v54;
	v12 =	vxor.u32 v56, v9  }
0xe1: {  	v8 =	vand.u32 $0x3FFF, v8;
	v61 =	vxor.u32 v55, v10  }
0xe2: {  	v58 =	vxor.u32 v7, v8;
	v10 =	vxor.u32 v10, v9  }
0xe3: {  	v60 =	vxor.u32 v55, v58  }
0xe4: {  	v8 =	vxor.u32 v59, v8;
	v14 =	vxor.u32 v9, v58;
	v13 =	vld.idx.msk [tilespmem:v57+s24+$0x0], $0xffff  }
0xe5: {  	v11 =	vxor.u32 v55, v8;
	v12 =	vld.idx.msk [tilespmem:v12+s24+$0x0], $0xffff  }
0xe6: {  	v6 =	vcvt.s32.f32 v6;
	v8 =	vxor.u32 v9, v8;
	v63 =	vld.idx.msk [tilespmem:v61+s24+$0x0], $0xffff  }
0xe7: {  	v10 =	vld.idx.msk [tilespmem:v10+s24+$0x0], $0xffff  }
0xe8: {  	v3 =	vsub.f32 v3, v6;
	v62 =	vld.idx.msk [tilespmem:v60+s24+$0x0], $0xffff  }
0xe9: {  	v14 =	vld.idx.msk [tilespmem:v14+s24+$0x0], $0xffff  }
0xea: {  	v18 =	vsub.f32 $1.000000000e+00, v3;
	v11 =	vld.idx.msk [tilespmem:v11+s24+$0x0], $0xffff  }
0xeb: {  	v5 =	vcvt.s32.f32 v5;
	v8 =	vld.idx.msk [tilespmem:v8+s24+$0x0], $0xffff  }
0xec: {  	v7 =	vcvt.s32.f32 v7;
	v3 =	vpack.i.f32.bf16 v3, v3;
	v15 =	vpack.i.f32.bf16 v18, v18  }
0xed: {  	v19 =	vmul.bf16 v13, v15;
	v12 =	vmul.bf16 v12, v3  }
0xee: {  	v2 =	vsub.f32 v2, v5;
	v6 =	vmul.bf16 v63, v15;
	v10 =	vmul.bf16 v10, v3  }
0xef: {  	v9 =	vmul.bf16 v62, v15;
	v20 =	vmul.bf16 v14, v3  }
0xf0: {  	v21 =	vsub.f32 $1.000000000e+00, v2;
	v11 =	vmul.bf16 v11, v15;
	v3 =	vmul.bf16 v8, v3  }
0xf1: {  	v2 =	vpack.i.f32.bf16 v2, v2;
	v5 =	vadd.bf16 v12, v19;
	v6 =	vadd.bf16 v10, v6  }
0xf2: {  	v22 =	vpack.i.f32.bf16 v21, v21;
	v9 =	vadd.bf16 v20, v9;
	v3 =	vadd.bf16 v3, v11  }
0xf3: {  	v4 =	vsub.f32 v4, v7;
	v5 =	vmul.bf16 v5, v22;
	v6 =	vmul.bf16 v6, v22  }
0xf4: {  	v23 =	vmul.bf16 v9, v2;
	v2 =	vmul.bf16 v3, v2  }
0xf5: {  	v3 =	vsub.f32 $1.000000000e+00, v4  }
0xf6: {  	v5 =	vadd.bf16 v23, v5;
	v2 =	vadd.bf16 v2, v6  }
0xf7: {  	v4 =	vpack.i.f32.bf16 v4, v4;
	v3 =	vpack.i.f32.bf16 v3, v3  }
0xf8: {  	v3 =	vmul.bf16 v5, v3;
	v2 =	vmul.bf16 v2, v4;
	_ =	sdelay $0x1  }
0xf9: {  	v2 =	vadd.bf16 v2, v3;
	_ =	sdelay $0x1  }
0xfa: {  	v3 =	vunpack.i.l.bf16.f32 v2  }
0xfb: {  	v2 =	vunpack.i.u.bf16.f32 v2;
	[tilespmem:s9+$0xFFFFFFF0] =	vst v3  }
0xfc: {  	[tilespmem:s10+$0xFFFFFFF0] =	vst v2  }
0xfd: {  	v2 =	vld [tilespmem:s21+$0x0]  }
0xfe: {  	v3 =	vld [tilespmem:s22+$0x0]  }
0xff: {  	v24 =	vld [tilespmem:s16+$0x0];
	_ =	sdelay $0x2  }
0x100: {  	v2 =	vadd.f32 $3.000000000e+00, v2  }
0x101: {  	v3 =	vadd.f32 $3.000000000e+00, v3  }
0x102: {  	v4 =	vadd.f32 $3.000000000e+00, v24;
	v2 =	vmul.f32 v2, v1  }
0x103: {  	v3 =	vmul.f32 v3, v1  }
0x104: {  	v4 =	vmul.f32 v4, v1;
	v25 =	vtrunc.f32 v2  }
0x105: {  	v26 =	vtrunc.f32 v3;
	v5 =	vcvt.f32.s32 v25  }
0x106: {  	v6 =	vcvt.f32.s32 v26  }
0x107: {  	v27 =	vtrunc.f32 v4;
	v28 =	vmul.u32 $0x39B1, v5  }
0x108: {  	v7 =	vcvt.f32.s32 v27;
	v29 =	vmul.u32 $0x1795, v6  }
0x109: {  	v30 =	vand.u32 $0x3FFF, v28  }
0x10a: {  	v31 =	vand.u32 $0x3FFF, v29;
	v9 =	vadd.s32 $0x1795, v29;
	v32 =	vxor.u32 v7, v30  }
0x10b: {  	v35 =	vadd.s32 $0x1, v7;
	v9 =	vand.u32 $0x3FFF, v9;
	v33 =	vxor.u32 v31, v32  }
0x10c: {  	v8 =	vadd.s32 $0x39B1, v28;
	v10 =	vxor.u32 v35, v30;
	v12 =	vxor.u32 v32, v9  }
0x10d: {  	v8 =	vand.u32 $0x3FFF, v8;
	v37 =	vxor.u32 v31, v10  }
0x10e: {  	v34 =	vxor.u32 v7, v8;
	v10 =	vxor.u32 v10, v9  }
0x10f: {  	v36 =	vxor.u32 v31, v34  }
0x110: {  	v8 =	vxor.u32 v35, v8;
	v14 =	vxor.u32 v9, v34;
	v13 =	vld.idx.msk [tilespmem:v33+s24+$0x0], $0xffff  }
0x111: {  	v11 =	vxor.u32 v31, v8;
	v12 =	vld.idx.msk [tilespmem:v12+s24+$0x0], $0xffff  }
0x112: {  	v6 =	vcvt.s32.f32 v6;
	v8 =	vxor.u32 v9, v8;
	v39 =	vld.idx.msk [tilespmem:v37+s24+$0x0], $0xffff  }
0x113: {  	v10 =	vld.idx.msk [tilespmem:v10+s24+$0x0], $0xffff  }
0x114: {  	v3 =	vsub.f32 v3, v6;
	v38 =	vld.idx.msk [tilespmem:v36+s24+$0x0], $0xffff  }
0x115: {  	v14 =	vld.idx.msk [tilespmem:v14+s24+$0x0], $0xffff  }
0x116: {  	v40 =	vsub.f32 $1.000000000e+00, v3;
	v11 =	vld.idx.msk [tilespmem:v11+s24+$0x0], $0xffff  }
0x117: {  	v5 =	vcvt.s32.f32 v5;
	v8 =	vld.idx.msk [tilespmem:v8+s24+$0x0], $0xffff  }
0x118: {  	v7 =	vcvt.s32.f32 v7;
	v3 =	vpack.i.f32.bf16 v3, v3;
	v15 =	vpack.i.f32.bf16 v40, v40  }
0x119: {  	v41 =	vmul.bf16 v13, v15;
	v12 =	vmul.bf16 v12, v3  }
0x11a: {  	v2 =	vsub.f32 v2, v5;
	v6 =	vmul.bf16 v39, v15;
	v10 =	vmul.bf16 v10, v3  }
0x11b: {  	v9 =	vmul.bf16 v38, v15;
	v42 =	vmul.bf16 v14, v3  }
0x11c: {  	v43 =	vsub.f32 $1.000000000e+00, v2;
	v11 =	vmul.bf16 v11, v15;
	v3 =	vmul.bf16 v8, v3  }
0x11d: {  	v2 =	vpack.i.f32.bf16 v2, v2;
	v5 =	vadd.bf16 v12, v41;
	v6 =	vadd.bf16 v10, v6  }
0x11e: {  	v44 =	vpack.i.f32.bf16 v43, v43;
	v9 =	vadd.bf16 v42, v9;
	v3 =	vadd.bf16 v3, v11  }
0x11f: {  	v4 =	vsub.f32 v4, v7;
	v5 =	vmul.bf16 v5, v44;
	v6 =	vmul.bf16 v6, v44  }
0x120: {  	v45 =	vmul.bf16 v9, v2;
	v2 =	vmul.bf16 v3, v2  }
0x121: {  	v3 =	vsub.f32 $1.000000000e+00, v4  }
0x122: {  	v5 =	vadd.bf16 v45, v5;
	v2 =	vadd.bf16 v2, v6  }
0x123: {  	v4 =	vpack.i.f32.bf16 v4, v4;
	v3 =	vpack.i.f32.bf16 v3, v3  }
0x124: {  	v3 =	vmul.bf16 v5, v3;
	v2 =	vmul.bf16 v2, v4;
	_ =	sdelay $0x1  }
0x125: {  	v2 =	vadd.bf16 v2, v3;
	_ =	sdelay $0x1  }
0x126: {  	v3 =	vunpack.i.l.bf16.f32 v2  }
0x127: {  	v2 =	vunpack.i.u.bf16.f32 v2;
	[tilespmem:s9+$0x0] =	vst v3  }
0x128: {  	[tilespmem:s10+$0x0] =	vst v2  }
0x129: {  	v2 =	vld [tilespmem:s21+$0x10]  }
0x12a: {  	v3 =	vld [tilespmem:s22+$0x10]  }
0x12b: {  	v46 =	vld [tilespmem:s16+$0x10];
	_ =	sdelay $0x2  }
0x12c: {  	v2 =	vadd.f32 $3.000000000e+00, v2  }
0x12d: {  	v3 =	vadd.f32 $3.000000000e+00, v3  }
0x12e: {  	v4 =	vadd.f32 $3.000000000e+00, v46;
	v2 =	vmul.f32 v2, v1  }
0x12f: {  	v3 =	vmul.f32 v3, v1  }
0x130: {  	v4 =	vmul.f32 v4, v1;
	v47 =	vtrunc.f32 v2  }
0x131: {  	v48 =	vtrunc.f32 v3;
	v5 =	vcvt.f32.s32 v47  }
0x132: {  	v6 =	vcvt.f32.s32 v48  }
0x133: {  	v49 =	vtrunc.f32 v4;
	v50 =	vmul.u32 $0x39B1, v5  }
0x134: {  	v7 =	vcvt.f32.s32 v49;
	v51 =	vmul.u32 $0x1795, v6  }
0x135: {  	v52 =	vand.u32 $0x3FFF, v50  }
0x136: {  	v53 =	vand.u32 $0x3FFF, v51;
	v9 =	vadd.s32 $0x1795, v51;
	v54 =	vxor.u32 v7, v52  }
0x137: {  	v57 =	vadd.s32 $0x1, v7;
	v9 =	vand.u32 $0x3FFF, v9;
	v55 =	vxor.u32 v53, v54  }
0x138: {  	v8 =	vadd.s32 $0x39B1, v50;
	v10 =	vxor.u32 v57, v52;
	v12 =	vxor.u32 v54, v9  }
0x139: {  	v8 =	vand.u32 $0x3FFF, v8;
	v59 =	vxor.u32 v53, v10  }
0x13a: {  	v56 =	vxor.u32 v7, v8;
	v10 =	vxor.u32 v10, v9  }
0x13b: {  	v58 =	vxor.u32 v53, v56  }
0x13c: {  	v8 =	vxor.u32 v57, v8;
	v14 =	vxor.u32 v9, v56;
	v13 =	vld.idx.msk [tilespmem:v55+s24+$0x0], $0xffff  }
0x13d: {  	v11 =	vxor.u32 v53, v8;
	v12 =	vld.idx.msk [tilespmem:v12+s24+$0x0], $0xffff  }
0x13e: {  	v6 =	vcvt.s32.f32 v6;
	v8 =	vxor.u32 v9, v8;
	v61 =	vld.idx.msk [tilespmem:v59+s24+$0x0], $0xffff  }
0x13f: {  	v10 =	vld.idx.msk [tilespmem:v10+s24+$0x0], $0xffff  }
0x140: {  	v3 =	vsub.f32 v3, v6;
	v60 =	vld.idx.msk [tilespmem:v58+s24+$0x0], $0xffff  }
0x141: {  	v14 =	vld.idx.msk [tilespmem:v14+s24+$0x0], $0xffff  }
0x142: {  	v62 =	vsub.f32 $1.000000000e+00, v3;
	v11 =	vld.idx.msk [tilespmem:v11+s24+$0x0], $0xffff  }
0x143: {  	v5 =	vcvt.s32.f32 v5;
	v8 =	vld.idx.msk [tilespmem:v8+s24+$0x0], $0xffff  }
0x144: {  	v7 =	vcvt.s32.f32 v7;
	v3 =	vpack.i.f32.bf16 v3, v3;
	v15 =	vpack.i.f32.bf16 v62, v62  }
0x145: {  	v63 =	vmul.bf16 v13, v15;
	v12 =	vmul.bf16 v12, v3  }
0x146: {  	v2 =	vsub.f32 v2, v5;
	v6 =	vmul.bf16 v61, v15;
	v10 =	vmul.bf16 v10, v3  }
0x147: {  	v9 =	vmul.bf16 v60, v15;
	v16 =	vmul.bf16 v14, v3  }
0x148: {  	v17 =	vsub.f32 $1.000000000e+00, v2;
	v11 =	vmul.bf16 v11, v15;
	v3 =	vmul.bf16 v8, v3  }
0x149: {  	v2 =	vpack.i.f32.bf16 v2, v2;
	v5 =	vadd.bf16 v12, v63;
	v6 =	vadd.bf16 v10, v6  }
0x14a: {  	v18 =	vpack.i.f32.bf16 v17, v17;
	v9 =	vadd.bf16 v16, v9;
	v3 =	vadd.bf16 v3, v11  }
0x14b: {  	v4 =	vsub.f32 v4, v7;
	v5 =	vmul.bf16 v5, v18;
	v6 =	vmul.bf16 v6, v18  }
0x14c: {  	v19 =	vmul.bf16 v9, v2;
	v2 =	vmul.bf16 v3, v2  }
0x14d: {  	v3 =	vsub.f32 $1.000000000e+00, v4  }
0x14e: {  	v5 =	vadd.bf16 v19, v5;
	v2 =	vadd.bf16 v2, v6  }
0x14f: {  	v4 =	vpack.i.f32.bf16 v4, v4;
	v3 =	vpack.i.f32.bf16 v3, v3  }
0x150: {  	v3 =	vmul.bf16 v5, v3;
	v2 =	vmul.bf16 v2, v4;
	_ =	sdelay $0x1  }
0x151: {  	v2 =	vadd.bf16 v2, v3;
	_ =	sdelay $0x1  }
0x152: {  	v3 =	vunpack.i.l.bf16.f32 v2  }
0x153: {  	v2 =	vunpack.i.u.bf16.f32 v2;
	[tilespmem:s9+$0x10] =	vst v3  }
0x154: {  	[tilespmem:s10+$0x10] =	vst v2  }
0x155: {  	v2 =	vld [tilespmem:s21+$0x20]  }
0x156: {  	v3 =	vld [tilespmem:s22+$0x20]  }
0x157: {  	v20 =	vld [tilespmem:s16+$0x20];
	_ =	sdelay $0x2  }
0x158: {  	v2 =	vadd.f32 $3.000000000e+00, v2  }
0x159: {  	v3 =	vadd.f32 $3.000000000e+00, v3  }
0x15a: {  	v4 =	vadd.f32 $3.000000000e+00, v20;
	v2 =	vmul.f32 v2, v1  }
0x15b: {  	v3 =	vmul.f32 v3, v1  }
0x15c: {  	v4 =	vmul.f32 v4, v1;
	v21 =	vtrunc.f32 v2  }
0x15d: {  	v22 =	vtrunc.f32 v3;
	v5 =	vcvt.f32.s32 v21  }
0x15e: {  	v6 =	vcvt.f32.s32 v22  }
0x15f: {  	v23 =	vtrunc.f32 v4;
	v24 =	vmul.u32 $0x39B1, v5  }
0x160: {  	v7 =	vcvt.f32.s32 v23;
	v25 =	vmul.u32 $0x1795, v6  }
0x161: {  	v26 =	vand.u32 $0x3FFF, v24  }
0x162: {  	v27 =	vand.u32 $0x3FFF, v25;
	v9 =	vadd.s32 $0x1795, v25;
	v28 =	vxor.u32 v7, v26  }
0x163: {  	v31 =	vadd.s32 $0x1, v7;
	v9 =	vand.u32 $0x3FFF, v9;
	v29 =	vxor.u32 v27, v28  }
0x164: {  	v8 =	vadd.s32 $0x39B1, v24;
	v10 =	vxor.u32 v31, v26;
	v12 =	vxor.u32 v28, v9  }
0x165: {  	v8 =	vand.u32 $0x3FFF, v8;
	v33 =	vxor.u32 v27, v10  }
0x166: {  	v30 =	vxor.u32 v7, v8;
	v10 =	vxor.u32 v10, v9  }
0x167: {  	v32 =	vxor.u32 v27, v30  }
0x168: {  	v8 =	vxor.u32 v31, v8;
	v14 =	vxor.u32 v9, v30;
	v13 =	vld.idx.msk [tilespmem:v29+s24+$0x0], $0xffff  }
0x169: {  	v11 =	vxor.u32 v27, v8;
	v12 =	vld.idx.msk [tilespmem:v12+s24+$0x0], $0xffff  }
0x16a: {  	v6 =	vcvt.s32.f32 v6;
	v8 =	vxor.u32 v9, v8;
	v35 =	vld.idx.msk [tilespmem:v33+s24+$0x0], $0xffff  }
0x16b: {  	v10 =	vld.idx.msk [tilespmem:v10+s24+$0x0], $0xffff  }
0x16c: {  	v3 =	vsub.f32 v3, v6;
	v34 =	vld.idx.msk [tilespmem:v32+s24+$0x0], $0xffff  }
0x16d: {  	v14 =	vld.idx.msk [tilespmem:v14+s24+$0x0], $0xffff  }
0x16e: {  	v36 =	vsub.f32 $1.000000000e+00, v3;
	v11 =	vld.idx.msk [tilespmem:v11+s24+$0x0], $0xffff  }
0x16f: {  	v5 =	vcvt.s32.f32 v5;
	v8 =	vld.idx.msk [tilespmem:v8+s24+$0x0], $0xffff  }
0x170: {  	v7 =	vcvt.s32.f32 v7;
	v3 =	vpack.i.f32.bf16 v3, v3;
	v15 =	vpack.i.f32.bf16 v36, v36  }
0x171: {  	v37 =	vmul.bf16 v13, v15;
	v12 =	vmul.bf16 v12, v3  }
0x172: {  	v2 =	vsub.f32 v2, v5;
	v6 =	vmul.bf16 v35, v15;
	v10 =	vmul.bf16 v10, v3  }
0x173: {  	v9 =	vmul.bf16 v34, v15;
	v38 =	vmul.bf16 v14, v3  }
0x174: {  	v39 =	vsub.f32 $1.000000000e+00, v2;
	v11 =	vmul.bf16 v11, v15;
	v3 =	vmul.bf16 v8, v3  }
0x175: {  	v2 =	vpack.i.f32.bf16 v2, v2;
	v5 =	vadd.bf16 v12, v37;
	v6 =	vadd.bf16 v10, v6  }
0x176: {  	v40 =	vpack.i.f32.bf16 v39, v39;
	v9 =	vadd.bf16 v38, v9;
	v3 =	vadd.bf16 v3, v11  }
0x177: {  	v4 =	vsub.f32 v4, v7;
	v5 =	vmul.bf16 v5, v40;
	v6 =	vmul.bf16 v6, v40  }
0x178: {  	v41 =	vmul.bf16 v9, v2;
	v2 =	vmul.bf16 v3, v2  }
0x179: {  	v3 =	vsub.f32 $1.000000000e+00, v4  }
0x17a: {  	v5 =	vadd.bf16 v41, v5;
	v2 =	vadd.bf16 v2, v6  }
0x17b: {  	v4 =	vpack.i.f32.bf16 v4, v4;
	v3 =	vpack.i.f32.bf16 v3, v3  }
0x17c: {  	v3 =	vmul.bf16 v5, v3;
	v2 =	vmul.bf16 v2, v4;
	_ =	sdelay $0x1  }
0x17d: {  	v2 =	vadd.bf16 v2, v3;
	_ =	sdelay $0x1  }
0x17e: {  	v3 =	vunpack.i.l.bf16.f32 v2  }
0x17f: {  	v2 =	vunpack.i.u.bf16.f32 v2;
	[tilespmem:s9+$0x20] =	vst v3  }
0x180: {  	[tilespmem:s10+$0x20] =	vst v2  }
0x181: {  	v2 =	vld [tilespmem:s21+$0x30]  }
0x182: {  	v3 =	vld [tilespmem:s22+$0x30]  }
0x183: {  	v42 =	vld [tilespmem:s16+$0x30];
	_ =	sdelay $0x2  }
0x184: {  	v2 =	vadd.f32 $3.000000000e+00, v2  }
0x185: {  	v3 =	vadd.f32 $3.000000000e+00, v3  }
0x186: {  	v4 =	vadd.f32 $3.000000000e+00, v42;
	v2 =	vmul.f32 v2, v1  }
0x187: {  	v3 =	vmul.f32 v3, v1  }
0x188: {  	v4 =	vmul.f32 v4, v1;
	v43 =	vtrunc.f32 v2  }
0x189: {  	v44 =	vtrunc.f32 v3;
	v5 =	vcvt.f32.s32 v43  }
0x18a: {  	v6 =	vcvt.f32.s32 v44  }
0x18b: {  	v45 =	vtrunc.f32 v4;
	v46 =	vmul.u32 $0x39B1, v5  }
0x18c: {  	v7 =	vcvt.f32.s32 v45;
	v47 =	vmul.u32 $0x1795, v6  }
0x18d: {  	v48 =	vand.u32 $0x3FFF, v46  }
0x18e: {  	v49 =	vand.u32 $0x3FFF, v47;
	v9 =	vadd.s32 $0x1795, v47;
	v50 =	vxor.u32 v7, v48  }
0x18f: {  	v53 =	vadd.s32 $0x1, v7;
	v9 =	vand.u32 $0x3FFF, v9;
	v51 =	vxor.u32 v49, v50  }
0x190: {  	v8 =	vadd.s32 $0x39B1, v46;
	v10 =	vxor.u32 v53, v48;
	v12 =	vxor.u32 v50, v9  }
0x191: {  	v8 =	vand.u32 $0x3FFF, v8;
	v55 =	vxor.u32 v49, v10  }
0x192: {  	v52 =	vxor.u32 v7, v8;
	v10 =	vxor.u32 v10, v9  }
0x193: {  	v54 =	vxor.u32 v49, v52  }
0x194: {  	v8 =	vxor.u32 v53, v8;
	v14 =	vxor.u32 v9, v52;
	v13 =	vld.idx.msk [tilespmem:v51+s24+$0x0], $0xffff  }
0x195: {  	v11 =	vxor.u32 v49, v8;
	v12 =	vld.idx.msk [tilespmem:v12+s24+$0x0], $0xffff  }
0x196: {  	v6 =	vcvt.s32.f32 v6;
	v8 =	vxor.u32 v9, v8;
	v57 =	vld.idx.msk [tilespmem:v55+s24+$0x0], $0xffff  }
0x197: {  	v10 =	vld.idx.msk [tilespmem:v10+s24+$0x0], $0xffff  }
0x198: {  	v3 =	vsub.f32 v3, v6;
	v56 =	vld.idx.msk [tilespmem:v54+s24+$0x0], $0xffff  }
0x199: {  	v14 =	vld.idx.msk [tilespmem:v14+s24+$0x0], $0xffff  }
0x19a: {  	v58 =	vsub.f32 $1.000000000e+00, v3;
	v11 =	vld.idx.msk [tilespmem:v11+s24+$0x0], $0xffff  }
0x19b: {  	v5 =	vcvt.s32.f32 v5;
	v8 =	vld.idx.msk [tilespmem:v8+s24+$0x0], $0xffff  }
0x19c: {  	v7 =	vcvt.s32.f32 v7;
	v3 =	vpack.i.f32.bf16 v3, v3;
	v15 =	vpack.i.f32.bf16 v58, v58  }
0x19d: {  	v59 =	vmul.bf16 v13, v15;
	v12 =	vmul.bf16 v12, v3  }
0x19e: {  	v2 =	vsub.f32 v2, v5;
	v6 =	vmul.bf16 v57, v15;
	v10 =	vmul.bf16 v10, v3  }
0x19f: {  	v9 =	vmul.bf16 v56, v15;
	v60 =	vmul.bf16 v14, v3  }
0x1a0: {  	v61 =	vsub.f32 $1.000000000e+00, v2;
	v11 =	vmul.bf16 v11, v15;
	v3 =	vmul.bf16 v8, v3  }
0x1a1: {  	v2 =	vpack.i.f32.bf16 v2, v2;
	v5 =	vadd.bf16 v12, v59;
	v6 =	vadd.bf16 v10, v6  }
0x1a2: {  	v62 =	vpack.i.f32.bf16 v61, v61;
	v9 =	vadd.bf16 v60, v9;
	v3 =	vadd.bf16 v3, v11  }
0x1a3: {  	v4 =	vsub.f32 v4, v7;
	v5 =	vmul.bf16 v5, v62;
	v6 =	vmul.bf16 v6, v62  }
0x1a4: {  	v63 =	vmul.bf16 v9, v2;
	v2 =	vmul.bf16 v3, v2  }
0x1a5: {  	v3 =	vsub.f32 $1.000000000e+00, v4  }
0x1a6: {  	v5 =	vadd.bf16 v63, v5;
	v2 =	vadd.bf16 v2, v6  }
0x1a7: {  	v4 =	vpack.i.f32.bf16 v4, v4;
	v3 =	vpack.i.f32.bf16 v3, v3  }
0x1a8: {  	s14 =	sadd.s32 $0x8, s14;
	v3 =	vmul.bf16 v5, v3;
	v2 =	vmul.bf16 v2, v4  }
0x1a9: {  	p1 =	slt.u32 s14, $0x1F8  }
.Ltmp2:
0x1aa: {  	v2 =	vadd.bf16 v2, v3;
	(pc) =	sbr.rel @p1 .LBB2_3-.Ltmp2, $4  }
0x1ab: {  	_ = 	snop  }
0x1ac: {  	v3 =	vunpack.i.l.bf16.f32 v2  }
0x1ad: {  	s16 =	sadd.s32 $0x80, s16;
	s21 =	sadd.s32 $0x80, s21;
	v2 =	vunpack.i.u.bf16.f32 v2;
	[tilespmem:s9+$0x30] =	vst v3  }
0x1ae: {  	s22 =	sadd.s32 $0x80, s22;
	s9 =	sadd.s32 $0x80, s9;
	[tilespmem:s10+$0x30] =	vst v2;
	s10 =	sadd.s32 $0x80, s10  }
0x1af: {  	s9 =	sshll.u32 s12, $0x11  }
0x1b0: {  	s9 =	sadd.s32 s17, s9  }
0x1b1: {  	s10 =	sor.u32 s9, s15  }
0x1b2: {  	s9 =	sor.u32 s9, s18;
	s10 =	sshrl.u32 s10, $0x3  }
0x1b3: {  	s9 =	sshrl.u32 s9, $0x3;
	s10 =	sadd.s32 s5, s10  }
0x1b4: {  	[hbm4b:s10+s24] =	stream.strided.scatter [tilespmem:s6], [sflag:$0x3], $0x2000, s23, s24, $0x38;
	[tilespmem:$0x18080] =	vst v63  }
0x1b5: {  	p1 =	seq.s32 s12, $0xF;
	s9 =	sadd.s32 s5, s9  }
0x1b6: {  	[hbm4b:s9+s24] =	stream.strided.scatter [tilespmem:s4], [sflag:$0x3], $0x2000, s23, s24, $0x38;
	[tilespmem:$0x18080] =	vst v63  }
0x1b7: {  	s9 =	sadd.s32 @!p1 s13, s19  }
0x1b8: {  	s9 =	sshrl.u32 @!p1 s9, $0x3  }
0x1b9: {  	s11 =	simm.s32 @!p1 $0x0;
	s14 =	simm.s32 @!p1 $0x4080;
	s10 =	sadd.s32 @!p1 s1, s9  }
0x1ba: {  	[tilespmem:s14], [sflag:$0x1] =	stream.linear.gather @!p1 [hbm4b:s10+s11], $0x2000, $0x38;
	[tilespmem:$0x18080] =	vst v63  }
0x1bb: {  	s10 =	sadd.s32 @!p1 s2, s9;
	s14 =	simm.s32 @!p1 $0x8080  }
0x1bc: {  	[tilespmem:s14], [sflag:$0x1] =	stream.linear.gather @!p1 [hbm4b:s10+s11], $0x2000, $0x38;
	[tilespmem:$0x18080] =	vst v63  }
0x1bd: {  	s9 =	sadd.s32 @!p1 s3, s9;
	s10 =	simm.s32 @!p1 $0xC080  }
0x1be: {  	[tilespmem:s10], [sflag:$0x1] =	stream.linear.gather @!p1 [hbm4b:s9+s11], $0x2000, $0x38;
	[tilespmem:$0x18080] =	vst v63  }
0x1bf: {  	_ =	swait.ge [sflag:s25], $0x2000  }
0x1c0: {  	[sflag:s25] =	ssyncset.done $0x0  }
0x1c1: {  	[sflag:s25] =	ssyncadd.s32 $0xFFFFE000  }
0x1c2: {  	_ =	swait.ge [sflag:s25], $0x2000  }
0x1c3: {  	[sflag:s25] =	ssyncset.done $0x0  }
0x1c4: {  	[sflag:s25] =	ssyncadd.s32 $0xFFFFE000  }
0x1c5: {  	_ =	swait.ge [sflag:s25], $0x2000  }
0x1c6: {  	[sflag:s25] =	ssyncset.done $0x0  }
0x1c7: {  	s9 =	simm.s32 @!p0 $0x4;
	[sflag:s25] =	ssyncadd.s32 $0xFFFFE000  }
0x1c8: {  	_ =	swait.ge @!p0 [sflag:s9], $0x2000  }
0x1c9: {  	[sflag:s9] =	ssyncset.done @!p0 $0x0  }
0x1ca: {  	s16 =	simm.s32 $0xFFFFFFF8;
	[sflag:s9] =	ssyncadd.s32 @!p0 $0xFFFFE000  }
0x1cb: {  	s21 =	simm.s32 $0x60C0;
	s22 =	simm.s32 $0xA0C0;
	_ =	swait.ge @!p0 [sflag:s9], $0x2000  }
0x1cc: {  	s14 =	sor.u32 s13, s8;
	s10 =	simm.s32 $0x120C0;
	[sflag:s9] =	ssyncset.done @!p0 $0x0  }
0x1cd: {  	s11 =	simm.s32 $0x160C0;
	[sflag:s9] =	ssyncadd.s32 @!p0 $0xFFFFE000;
	s9 =	simm.s32 $0xE0C0  }
.LBB2_5:
0x1ce: {  	v2 =	vld [tilespmem:s22+$0xFFFFFFC0]  }
0x1cf: {  	v3 =	vld [tilespmem:s9+$0xFFFFFFC0]  }
0x1d0: {  	v4 =	vld [tilespmem:s21+$0xFFFFFFC0];
	_ =	sdelay $0x2  }
0x1d1: {  	v2 =	vadd.f32 $3.000000000e+00, v2  }
0x1d2: {  	v3 =	vadd.f32 $3.000000000e+00, v3  }
0x1d3: {  	v4 =	vadd.f32 $3.000000000e+00, v4;
	v2 =	vmul.f32 v2, v1  }
0x1d4: {  	v3 =	vmul.f32 v3, v1  }
0x1d5: {  	v4 =	vmul.f32 v4, v1;
	v5 =	vtrunc.f32 v2  }
0x1d6: {  	v6 =	vtrunc.f32 v3;
	v5 =	vcvt.f32.s32 v5  }
0x1d7: {  	v6 =	vcvt.f32.s32 v6  }
0x1d8: {  	v7 =	vtrunc.f32 v4;
	v8 =	vmul.u32 $0x39B1, v5  }
0x1d9: {  	v7 =	vcvt.f32.s32 v7;
	v9 =	vmul.u32 $0x1795, v6  }
0x1da: {  	v10 =	vand.u32 $0x3FFF, v8  }
0x1db: {  	v11 =	vand.u32 $0x3FFF, v9;
	v9 =	vadd.s32 $0x1795, v9;
	v12 =	vxor.u32 v7, v10  }
0x1dc: {  	v15 =	vadd.s32 $0x1, v7;
	v9 =	vand.u32 $0x3FFF, v9;
	v13 =	vxor.u32 v11, v12  }
0x1dd: {  	v8 =	vadd.s32 $0x39B1, v8;
	v10 =	vxor.u32 v15, v10;
	v12 =	vxor.u32 v12, v9  }
0x1de: {  	v8 =	vand.u32 $0x3FFF, v8;
	v17 =	vxor.u32 v11, v10  }
0x1df: {  	v14 =	vxor.u32 v7, v8;
	v10 =	vxor.u32 v10, v9  }
0x1e0: {  	v16 =	vxor.u32 v11, v14  }
0x1e1: {  	v8 =	vxor.u32 v15, v8;
	v14 =	vxor.u32 v9, v14;
	v13 =	vld.idx.msk [tilespmem:v13+s24+$0x0], $0xffff  }
0x1e2: {  	v11 =	vxor.u32 v11, v8;
	v12 =	vld.idx.msk [tilespmem:v12+s24+$0x0], $0xffff  }
0x1e3: {  	v6 =	vcvt.s32.f32 v6;
	v8 =	vxor.u32 v9, v8;
	v43 =	vld.idx.msk [tilespmem:v17+s24+$0x0], $0xffff  }
0x1e4: {  	v10 =	vld.idx.msk [tilespmem:v10+s24+$0x0], $0xffff  }
0x1e5: {  	v3 =	vsub.f32 v3, v6;
	v42 =	vld.idx.msk [tilespmem:v16+s24+$0x0], $0xffff  }
0x1e6: {  	v14 =	vld.idx.msk [tilespmem:v14+s24+$0x0], $0xffff  }
0x1e7: {  	v44 =	vsub.f32 $1.000000000e+00, v3;
	v11 =	vld.idx.msk [tilespmem:v11+s24+$0x0], $0xffff  }
0x1e8: {  	v5 =	vcvt.s32.f32 v5;
	v8 =	vld.idx.msk [tilespmem:v8+s24+$0x0], $0xffff  }
0x1e9: {  	v7 =	vcvt.s32.f32 v7;
	v3 =	vpack.i.f32.bf16 v3, v3;
	v15 =	vpack.i.f32.bf16 v44, v44  }
0x1ea: {  	v45 =	vmul.bf16 v13, v15;
	v12 =	vmul.bf16 v12, v3  }
0x1eb: {  	v2 =	vsub.f32 v2, v5;
	v6 =	vmul.bf16 v43, v15;
	v10 =	vmul.bf16 v10, v3  }
0x1ec: {  	v9 =	vmul.bf16 v42, v15;
	v46 =	vmul.bf16 v14, v3  }
0x1ed: {  	v47 =	vsub.f32 $1.000000000e+00, v2;
	v11 =	vmul.bf16 v11, v15;
	v3 =	vmul.bf16 v8, v3  }
0x1ee: {  	v2 =	vpack.i.f32.bf16 v2, v2;
	v5 =	vadd.bf16 v12, v45;
	v6 =	vadd.bf16 v10, v6  }
0x1ef: {  	v48 =	vpack.i.f32.bf16 v47, v47;
	v9 =	vadd.bf16 v46, v9;
	v3 =	vadd.bf16 v3, v11  }
0x1f0: {  	v4 =	vsub.f32 v4, v7;
	v5 =	vmul.bf16 v5, v48;
	v6 =	vmul.bf16 v6, v48  }
0x1f1: {  	v49 =	vmul.bf16 v9, v2;
	v2 =	vmul.bf16 v3, v2  }
0x1f2: {  	v3 =	vsub.f32 $1.000000000e+00, v4  }
0x1f3: {  	v5 =	vadd.bf16 v49, v5;
	v2 =	vadd.bf16 v2, v6  }
0x1f4: {  	v4 =	vpack.i.f32.bf16 v4, v4;
	v3 =	vpack.i.f32.bf16 v3, v3  }
0x1f5: {  	v3 =	vmul.bf16 v5, v3;
	v2 =	vmul.bf16 v2, v4;
	_ =	sdelay $0x1  }
0x1f6: {  	v2 =	vadd.bf16 v2, v3;
	_ =	sdelay $0x1  }
0x1f7: {  	v3 =	vunpack.i.l.bf16.f32 v2  }
0x1f8: {  	v2 =	vunpack.i.u.bf16.f32 v2;
	[tilespmem:s10+$0xFFFFFFC0] =	vst v3  }
0x1f9: {  	[tilespmem:s11+$0xFFFFFFC0] =	vst v2  }
0x1fa: {  	v2 =	vld [tilespmem:s22+$0xFFFFFFD0]  }
0x1fb: {  	v3 =	vld [tilespmem:s9+$0xFFFFFFD0]  }
0x1fc: {  	v50 =	vld [tilespmem:s21+$0xFFFFFFD0];
	_ =	sdelay $0x2  }
0x1fd: {  	v2 =	vadd.f32 $3.000000000e+00, v2  }
0x1fe: {  	v3 =	vadd.f32 $3.000000000e+00, v3  }
0x1ff: {  	v4 =	vadd.f32 $3.000000000e+00, v50;
	v2 =	vmul.f32 v2, v1  }
0x200: {  	v3 =	vmul.f32 v3, v1  }
0x201: {  	v4 =	vmul.f32 v4, v1;
	v51 =	vtrunc.f32 v2  }
0x202: {  	v52 =	vtrunc.f32 v3;
	v5 =	vcvt.f32.s32 v51  }
0x203: {  	v6 =	vcvt.f32.s32 v52  }
0x204: {  	v53 =	vtrunc.f32 v4;
	v54 =	vmul.u32 $0x39B1, v5  }
0x205: {  	v7 =	vcvt.f32.s32 v53;
	v55 =	vmul.u32 $0x1795, v6  }
0x206: {  	v56 =	vand.u32 $0x3FFF, v54  }
0x207: {  	v57 =	vand.u32 $0x3FFF, v55;
	v9 =	vadd.s32 $0x1795, v55;
	v58 =	vxor.u32 v7, v56  }
0x208: {  	v61 =	vadd.s32 $0x1, v7;
	v9 =	vand.u32 $0x3FFF, v9;
	v59 =	vxor.u32 v57, v58  }
0x209: {  	v8 =	vadd.s32 $0x39B1, v54;
	v10 =	vxor.u32 v61, v56;
	v12 =	vxor.u32 v58, v9  }
0x20a: {  	v8 =	vand.u32 $0x3FFF, v8;
	v63 =	vxor.u32 v57, v10  }
0x20b: {  	v60 =	vxor.u32 v7, v8;
	v10 =	vxor.u32 v10, v9  }
0x20c: {  	v62 =	vxor.u32 v57, v60  }
0x20d: {  	v8 =	vxor.u32 v61, v8;
	v14 =	vxor.u32 v9, v60;
	v13 =	vld.idx.msk [tilespmem:v59+s24+$0x0], $0xffff  }
0x20e: {  	v11 =	vxor.u32 v57, v8;
	v12 =	vld.idx.msk [tilespmem:v12+s24+$0x0], $0xffff  }
0x20f: {  	v6 =	vcvt.s32.f32 v6;
	v8 =	vxor.u32 v9, v8;
	v19 =	vld.idx.msk [tilespmem:v63+s24+$0x0], $0xffff  }
0x210: {  	v10 =	vld.idx.msk [tilespmem:v10+s24+$0x0], $0xffff  }
0x211: {  	v3 =	vsub.f32 v3, v6;
	v18 =	vld.idx.msk [tilespmem:v62+s24+$0x0], $0xffff  }
0x212: {  	v14 =	vld.idx.msk [tilespmem:v14+s24+$0x0], $0xffff  }
0x213: {  	v20 =	vsub.f32 $1.000000000e+00, v3;
	v11 =	vld.idx.msk [tilespmem:v11+s24+$0x0], $0xffff  }
0x214: {  	v5 =	vcvt.s32.f32 v5;
	v8 =	vld.idx.msk [tilespmem:v8+s24+$0x0], $0xffff  }
0x215: {  	v7 =	vcvt.s32.f32 v7;
	v3 =	vpack.i.f32.bf16 v3, v3;
	v15 =	vpack.i.f32.bf16 v20, v20  }
0x216: {  	v21 =	vmul.bf16 v13, v15;
	v12 =	vmul.bf16 v12, v3  }
0x217: {  	v2 =	vsub.f32 v2, v5;
	v6 =	vmul.bf16 v19, v15;
	v10 =	vmul.bf16 v10, v3  }
0x218: {  	v9 =	vmul.bf16 v18, v15;
	v22 =	vmul.bf16 v14, v3  }
0x219: {  	v23 =	vsub.f32 $1.000000000e+00, v2;
	v11 =	vmul.bf16 v11, v15;
	v3 =	vmul.bf16 v8, v3  }
0x21a: {  	v2 =	vpack.i.f32.bf16 v2, v2;
	v5 =	vadd.bf16 v12, v21;
	v6 =	vadd.bf16 v10, v6  }
0x21b: {  	v24 =	vpack.i.f32.bf16 v23, v23;
	v9 =	vadd.bf16 v22, v9;
	v3 =	vadd.bf16 v3, v11  }
0x21c: {  	v4 =	vsub.f32 v4, v7;
	v5 =	vmul.bf16 v5, v24;
	v6 =	vmul.bf16 v6, v24  }
0x21d: {  	v25 =	vmul.bf16 v9, v2;
	v2 =	vmul.bf16 v3, v2  }
0x21e: {  	v3 =	vsub.f32 $1.000000000e+00, v4  }
0x21f: {  	v5 =	vadd.bf16 v25, v5;
	v2 =	vadd.bf16 v2, v6  }
0x220: {  	v4 =	vpack.i.f32.bf16 v4, v4;
	v3 =	vpack.i.f32.bf16 v3, v3  }
0x221: {  	v3 =	vmul.bf16 v5, v3;
	v2 =	vmul.bf16 v2, v4;
	_ =	sdelay $0x1  }
0x222: {  	v2 =	vadd.bf16 v2, v3;
	_ =	sdelay $0x1  }
0x223: {  	v3 =	vunpack.i.l.bf16.f32 v2  }
0x224: {  	v2 =	vunpack.i.u.bf16.f32 v2;
	[tilespmem:s10+$0xFFFFFFD0] =	vst v3  }
0x225: {  	[tilespmem:s11+$0xFFFFFFD0] =	vst v2  }
0x226: {  	v2 =	vld [tilespmem:s22+$0xFFFFFFE0]  }
0x227: {  	v3 =	vld [tilespmem:s9+$0xFFFFFFE0]  }
0x228: {  	v26 =	vld [tilespmem:s21+$0xFFFFFFE0];
	_ =	sdelay $0x2  }
0x229: {  	v2 =	vadd.f32 $3.000000000e+00, v2  }
0x22a: {  	v3 =	vadd.f32 $3.000000000e+00, v3  }
0x22b: {  	v4 =	vadd.f32 $3.000000000e+00, v26;
	v2 =	vmul.f32 v2, v1  }
0x22c: {  	v3 =	vmul.f32 v3, v1  }
0x22d: {  	v4 =	vmul.f32 v4, v1;
	v27 =	vtrunc.f32 v2  }
0x22e: {  	v28 =	vtrunc.f32 v3;
	v5 =	vcvt.f32.s32 v27  }
0x22f: {  	v6 =	vcvt.f32.s32 v28  }
0x230: {  	v29 =	vtrunc.f32 v4;
	v30 =	vmul.u32 $0x39B1, v5  }
0x231: {  	v7 =	vcvt.f32.s32 v29;
	v31 =	vmul.u32 $0x1795, v6  }
0x232: {  	v32 =	vand.u32 $0x3FFF, v30  }
0x233: {  	v33 =	vand.u32 $0x3FFF, v31;
	v9 =	vadd.s32 $0x1795, v31;
	v34 =	vxor.u32 v7, v32  }
0x234: {  	v37 =	vadd.s32 $0x1, v7;
	v9 =	vand.u32 $0x3FFF, v9;
	v35 =	vxor.u32 v33, v34  }
0x235: {  	v8 =	vadd.s32 $0x39B1, v30;
	v10 =	vxor.u32 v37, v32;
	v12 =	vxor.u32 v34, v9  }
0x236: {  	v8 =	vand.u32 $0x3FFF, v8;
	v39 =	vxor.u32 v33, v10  }
0x237: {  	v36 =	vxor.u32 v7, v8;
	v10 =	vxor.u32 v10, v9  }
0x238: {  	v38 =	vxor.u32 v33, v36  }
0x239: {  	v8 =	vxor.u32 v37, v8;
	v14 =	vxor.u32 v9, v36;
	v13 =	vld.idx.msk [tilespmem:v35+s24+$0x0], $0xffff  }
0x23a: {  	v11 =	vxor.u32 v33, v8;
	v12 =	vld.idx.msk [tilespmem:v12+s24+$0x0], $0xffff  }
0x23b: {  	v6 =	vcvt.s32.f32 v6;
	v8 =	vxor.u32 v9, v8;
	v41 =	vld.idx.msk [tilespmem:v39+s24+$0x0], $0xffff  }
0x23c: {  	v10 =	vld.idx.msk [tilespmem:v10+s24+$0x0], $0xffff  }
0x23d: {  	v3 =	vsub.f32 v3, v6;
	v40 =	vld.idx.msk [tilespmem:v38+s24+$0x0], $0xffff  }
0x23e: {  	v14 =	vld.idx.msk [tilespmem:v14+s24+$0x0], $0xffff  }
0x23f: {  	v42 =	vsub.f32 $1.000000000e+00, v3;
	v11 =	vld.idx.msk [tilespmem:v11+s24+$0x0], $0xffff  }
0x240: {  	v5 =	vcvt.s32.f32 v5;
	v8 =	vld.idx.msk [tilespmem:v8+s24+$0x0], $0xffff  }
0x241: {  	v7 =	vcvt.s32.f32 v7;
	v3 =	vpack.i.f32.bf16 v3, v3;
	v15 =	vpack.i.f32.bf16 v42, v42  }
0x242: {  	v43 =	vmul.bf16 v13, v15;
	v12 =	vmul.bf16 v12, v3  }
0x243: {  	v2 =	vsub.f32 v2, v5;
	v6 =	vmul.bf16 v41, v15;
	v10 =	vmul.bf16 v10, v3  }
0x244: {  	v9 =	vmul.bf16 v40, v15;
	v44 =	vmul.bf16 v14, v3  }
0x245: {  	v45 =	vsub.f32 $1.000000000e+00, v2;
	v11 =	vmul.bf16 v11, v15;
	v3 =	vmul.bf16 v8, v3  }
0x246: {  	v2 =	vpack.i.f32.bf16 v2, v2;
	v5 =	vadd.bf16 v12, v43;
	v6 =	vadd.bf16 v10, v6  }
0x247: {  	v46 =	vpack.i.f32.bf16 v45, v45;
	v9 =	vadd.bf16 v44, v9;
	v3 =	vadd.bf16 v3, v11  }
0x248: {  	v4 =	vsub.f32 v4, v7;
	v5 =	vmul.bf16 v5, v46;
	v6 =	vmul.bf16 v6, v46  }
0x249: {  	v47 =	vmul.bf16 v9, v2;
	v2 =	vmul.bf16 v3, v2  }
0x24a: {  	v3 =	vsub.f32 $1.000000000e+00, v4  }
0x24b: {  	v5 =	vadd.bf16 v47, v5;
	v2 =	vadd.bf16 v2, v6  }
0x24c: {  	v4 =	vpack.i.f32.bf16 v4, v4;
	v3 =	vpack.i.f32.bf16 v3, v3  }
0x24d: {  	v3 =	vmul.bf16 v5, v3;
	v2 =	vmul.bf16 v2, v4;
	_ =	sdelay $0x1  }
0x24e: {  	v2 =	vadd.bf16 v2, v3;
	_ =	sdelay $0x1  }
0x24f: {  	v3 =	vunpack.i.l.bf16.f32 v2  }
0x250: {  	v2 =	vunpack.i.u.bf16.f32 v2;
	[tilespmem:s10+$0xFFFFFFE0] =	vst v3  }
0x251: {  	[tilespmem:s11+$0xFFFFFFE0] =	vst v2  }
0x252: {  	v2 =	vld [tilespmem:s22+$0xFFFFFFF0]  }
0x253: {  	v3 =	vld [tilespmem:s9+$0xFFFFFFF0]  }
0x254: {  	v48 =	vld [tilespmem:s21+$0xFFFFFFF0];
	_ =	sdelay $0x2  }
0x255: {  	v2 =	vadd.f32 $3.000000000e+00, v2  }
0x256: {  	v3 =	vadd.f32 $3.000000000e+00, v3  }
0x257: {  	v4 =	vadd.f32 $3.000000000e+00, v48;
	v2 =	vmul.f32 v2, v1  }
0x258: {  	v3 =	vmul.f32 v3, v1  }
0x259: {  	v4 =	vmul.f32 v4, v1;
	v49 =	vtrunc.f32 v2  }
0x25a: {  	v50 =	vtrunc.f32 v3;
	v5 =	vcvt.f32.s32 v49  }
0x25b: {  	v6 =	vcvt.f32.s32 v50  }
0x25c: {  	v51 =	vtrunc.f32 v4;
	v52 =	vmul.u32 $0x39B1, v5  }
0x25d: {  	v7 =	vcvt.f32.s32 v51;
	v53 =	vmul.u32 $0x1795, v6  }
0x25e: {  	v54 =	vand.u32 $0x3FFF, v52  }
0x25f: {  	v55 =	vand.u32 $0x3FFF, v53;
	v9 =	vadd.s32 $0x1795, v53;
	v56 =	vxor.u32 v7, v54  }
0x260: {  	v59 =	vadd.s32 $0x1, v7;
	v9 =	vand.u32 $0x3FFF, v9;
	v57 =	vxor.u32 v55, v56  }
0x261: {  	v8 =	vadd.s32 $0x39B1, v52;
	v10 =	vxor.u32 v59, v54;
	v12 =	vxor.u32 v56, v9  }
0x262: {  	v8 =	vand.u32 $0x3FFF, v8;
	v61 =	vxor.u32 v55, v10  }
0x263: {  	v58 =	vxor.u32 v7, v8;
	v10 =	vxor.u32 v10, v9  }
0x264: {  	v60 =	vxor.u32 v55, v58  }
0x265: {  	v8 =	vxor.u32 v59, v8;
	v14 =	vxor.u32 v9, v58;
	v13 =	vld.idx.msk [tilespmem:v57+s24+$0x0], $0xffff  }
0x266: {  	v11 =	vxor.u32 v55, v8;
	v12 =	vld.idx.msk [tilespmem:v12+s24+$0x0], $0xffff  }
0x267: {  	v6 =	vcvt.s32.f32 v6;
	v8 =	vxor.u32 v9, v8;
	v63 =	vld.idx.msk [tilespmem:v61+s24+$0x0], $0xffff  }
0x268: {  	v10 =	vld.idx.msk [tilespmem:v10+s24+$0x0], $0xffff  }
0x269: {  	v3 =	vsub.f32 v3, v6;
	v62 =	vld.idx.msk [tilespmem:v60+s24+$0x0], $0xffff  }
0x26a: {  	v14 =	vld.idx.msk [tilespmem:v14+s24+$0x0], $0xffff  }
0x26b: {  	v18 =	vsub.f32 $1.000000000e+00, v3;
	v11 =	vld.idx.msk [tilespmem:v11+s24+$0x0], $0xffff  }
0x26c: {  	v5 =	vcvt.s32.f32 v5;
	v8 =	vld.idx.msk [tilespmem:v8+s24+$0x0], $0xffff  }
0x26d: {  	v7 =	vcvt.s32.f32 v7;
	v3 =	vpack.i.f32.bf16 v3, v3;
	v15 =	vpack.i.f32.bf16 v18, v18  }
0x26e: {  	v19 =	vmul.bf16 v13, v15;
	v12 =	vmul.bf16 v12, v3  }
0x26f: {  	v2 =	vsub.f32 v2, v5;
	v6 =	vmul.bf16 v63, v15;
	v10 =	vmul.bf16 v10, v3  }
0x270: {  	v9 =	vmul.bf16 v62, v15;
	v20 =	vmul.bf16 v14, v3  }
0x271: {  	v21 =	vsub.f32 $1.000000000e+00, v2;
	v11 =	vmul.bf16 v11, v15;
	v3 =	vmul.bf16 v8, v3  }
0x272: {  	v2 =	vpack.i.f32.bf16 v2, v2;
	v5 =	vadd.bf16 v12, v19;
	v6 =	vadd.bf16 v10, v6  }
0x273: {  	v22 =	vpack.i.f32.bf16 v21, v21;
	v9 =	vadd.bf16 v20, v9;
	v3 =	vadd.bf16 v3, v11  }
0x274: {  	v4 =	vsub.f32 v4, v7;
	v5 =	vmul.bf16 v5, v22;
	v6 =	vmul.bf16 v6, v22  }
0x275: {  	v23 =	vmul.bf16 v9, v2;
	v2 =	vmul.bf16 v3, v2  }
0x276: {  	v3 =	vsub.f32 $1.000000000e+00, v4  }
0x277: {  	v5 =	vadd.bf16 v23, v5;
	v2 =	vadd.bf16 v2, v6  }
0x278: {  	v4 =	vpack.i.f32.bf16 v4, v4;
	v3 =	vpack.i.f32.bf16 v3, v3  }
0x279: {  	v3 =	vmul.bf16 v5, v3;
	v2 =	vmul.bf16 v2, v4;
	_ =	sdelay $0x1  }
0x27a: {  	v2 =	vadd.bf16 v2, v3;
	_ =	sdelay $0x1  }
0x27b: {  	v3 =	vunpack.i.l.bf16.f32 v2  }
0x27c: {  	v2 =	vunpack.i.u.bf16.f32 v2;
	[tilespmem:s10+$0xFFFFFFF0] =	vst v3  }
0x27d: {  	[tilespmem:s11+$0xFFFFFFF0] =	vst v2  }
0x27e: {  	v2 =	vld [tilespmem:s22+$0x0]  }
0x27f: {  	v3 =	vld [tilespmem:s9+$0x0]  }
0x280: {  	v24 =	vld [tilespmem:s21+$0x0];
	_ =	sdelay $0x2  }
0x281: {  	v2 =	vadd.f32 $3.000000000e+00, v2  }
0x282: {  	v3 =	vadd.f32 $3.000000000e+00, v3  }
0x283: {  	v4 =	vadd.f32 $3.000000000e+00, v24;
	v2 =	vmul.f32 v2, v1  }
0x284: {  	v3 =	vmul.f32 v3, v1  }
0x285: {  	v4 =	vmul.f32 v4, v1;
	v25 =	vtrunc.f32 v2  }
0x286: {  	v26 =	vtrunc.f32 v3;
	v5 =	vcvt.f32.s32 v25  }
0x287: {  	v6 =	vcvt.f32.s32 v26  }
0x288: {  	v27 =	vtrunc.f32 v4;
	v28 =	vmul.u32 $0x39B1, v5  }
0x289: {  	v7 =	vcvt.f32.s32 v27;
	v29 =	vmul.u32 $0x1795, v6  }
0x28a: {  	v30 =	vand.u32 $0x3FFF, v28  }
0x28b: {  	v31 =	vand.u32 $0x3FFF, v29;
	v9 =	vadd.s32 $0x1795, v29;
	v32 =	vxor.u32 v7, v30  }
0x28c: {  	v35 =	vadd.s32 $0x1, v7;
	v9 =	vand.u32 $0x3FFF, v9;
	v33 =	vxor.u32 v31, v32  }
0x28d: {  	v8 =	vadd.s32 $0x39B1, v28;
	v10 =	vxor.u32 v35, v30;
	v12 =	vxor.u32 v32, v9  }
0x28e: {  	v8 =	vand.u32 $0x3FFF, v8;
	v37 =	vxor.u32 v31, v10  }
0x28f: {  	v34 =	vxor.u32 v7, v8;
	v10 =	vxor.u32 v10, v9  }
0x290: {  	v36 =	vxor.u32 v31, v34  }
0x291: {  	v8 =	vxor.u32 v35, v8;
	v14 =	vxor.u32 v9, v34;
	v13 =	vld.idx.msk [tilespmem:v33+s24+$0x0], $0xffff  }
0x292: {  	v11 =	vxor.u32 v31, v8;
	v12 =	vld.idx.msk [tilespmem:v12+s24+$0x0], $0xffff  }
0x293: {  	v6 =	vcvt.s32.f32 v6;
	v8 =	vxor.u32 v9, v8;
	v39 =	vld.idx.msk [tilespmem:v37+s24+$0x0], $0xffff  }
0x294: {  	v10 =	vld.idx.msk [tilespmem:v10+s24+$0x0], $0xffff  }
0x295: {  	v3 =	vsub.f32 v3, v6;
	v38 =	vld.idx.msk [tilespmem:v36+s24+$0x0], $0xffff  }
0x296: {  	v14 =	vld.idx.msk [tilespmem:v14+s24+$0x0], $0xffff  }
0x297: {  	v40 =	vsub.f32 $1.000000000e+00, v3;
	v11 =	vld.idx.msk [tilespmem:v11+s24+$0x0], $0xffff  }
0x298: {  	v5 =	vcvt.s32.f32 v5;
	v8 =	vld.idx.msk [tilespmem:v8+s24+$0x0], $0xffff  }
0x299: {  	v7 =	vcvt.s32.f32 v7;
	v3 =	vpack.i.f32.bf16 v3, v3;
	v15 =	vpack.i.f32.bf16 v40, v40  }
0x29a: {  	v41 =	vmul.bf16 v13, v15;
	v12 =	vmul.bf16 v12, v3  }
0x29b: {  	v2 =	vsub.f32 v2, v5;
	v6 =	vmul.bf16 v39, v15;
	v10 =	vmul.bf16 v10, v3  }
0x29c: {  	v9 =	vmul.bf16 v38, v15;
	v42 =	vmul.bf16 v14, v3  }
0x29d: {  	v43 =	vsub.f32 $1.000000000e+00, v2;
	v11 =	vmul.bf16 v11, v15;
	v3 =	vmul.bf16 v8, v3  }
0x29e: {  	v2 =	vpack.i.f32.bf16 v2, v2;
	v5 =	vadd.bf16 v12, v41;
	v6 =	vadd.bf16 v10, v6  }
0x29f: {  	v44 =	vpack.i.f32.bf16 v43, v43;
	v9 =	vadd.bf16 v42, v9;
	v3 =	vadd.bf16 v3, v11  }
0x2a0: {  	v4 =	vsub.f32 v4, v7;
	v5 =	vmul.bf16 v5, v44;
	v6 =	vmul.bf16 v6, v44  }
0x2a1: {  	v45 =	vmul.bf16 v9, v2;
	v2 =	vmul.bf16 v3, v2  }
0x2a2: {  	v3 =	vsub.f32 $1.000000000e+00, v4  }
0x2a3: {  	v5 =	vadd.bf16 v45, v5;
	v2 =	vadd.bf16 v2, v6  }
0x2a4: {  	v4 =	vpack.i.f32.bf16 v4, v4;
	v3 =	vpack.i.f32.bf16 v3, v3  }
0x2a5: {  	v3 =	vmul.bf16 v5, v3;
	v2 =	vmul.bf16 v2, v4;
	_ =	sdelay $0x1  }
0x2a6: {  	v2 =	vadd.bf16 v2, v3;
	_ =	sdelay $0x1  }
0x2a7: {  	v3 =	vunpack.i.l.bf16.f32 v2  }
0x2a8: {  	v2 =	vunpack.i.u.bf16.f32 v2;
	[tilespmem:s10+$0x0] =	vst v3  }
0x2a9: {  	[tilespmem:s11+$0x0] =	vst v2  }
0x2aa: {  	v2 =	vld [tilespmem:s22+$0x10]  }
0x2ab: {  	v3 =	vld [tilespmem:s9+$0x10]  }
0x2ac: {  	v46 =	vld [tilespmem:s21+$0x10];
	_ =	sdelay $0x2  }
0x2ad: {  	v2 =	vadd.f32 $3.000000000e+00, v2  }
0x2ae: {  	v3 =	vadd.f32 $3.000000000e+00, v3  }
0x2af: {  	v4 =	vadd.f32 $3.000000000e+00, v46;
	v2 =	vmul.f32 v2, v1  }
0x2b0: {  	v3 =	vmul.f32 v3, v1  }
0x2b1: {  	v4 =	vmul.f32 v4, v1;
	v47 =	vtrunc.f32 v2  }
0x2b2: {  	v48 =	vtrunc.f32 v3;
	v5 =	vcvt.f32.s32 v47  }
0x2b3: {  	v6 =	vcvt.f32.s32 v48  }
0x2b4: {  	v49 =	vtrunc.f32 v4;
	v50 =	vmul.u32 $0x39B1, v5  }
0x2b5: {  	v7 =	vcvt.f32.s32 v49;
	v51 =	vmul.u32 $0x1795, v6  }
0x2b6: {  	v52 =	vand.u32 $0x3FFF, v50  }
0x2b7: {  	v53 =	vand.u32 $0x3FFF, v51;
	v9 =	vadd.s32 $0x1795, v51;
	v54 =	vxor.u32 v7, v52  }
0x2b8: {  	v57 =	vadd.s32 $0x1, v7;
	v9 =	vand.u32 $0x3FFF, v9;
	v55 =	vxor.u32 v53, v54  }
0x2b9: {  	v8 =	vadd.s32 $0x39B1, v50;
	v10 =	vxor.u32 v57, v52;
	v12 =	vxor.u32 v54, v9  }
0x2ba: {  	v8 =	vand.u32 $0x3FFF, v8;
	v59 =	vxor.u32 v53, v10  }
0x2bb: {  	v56 =	vxor.u32 v7, v8;
	v10 =	vxor.u32 v10, v9  }
0x2bc: {  	v58 =	vxor.u32 v53, v56  }
0x2bd: {  	v8 =	vxor.u32 v57, v8;
	v14 =	vxor.u32 v9, v56;
	v13 =	vld.idx.msk [tilespmem:v55+s24+$0x0], $0xffff  }
0x2be: {  	v11 =	vxor.u32 v53, v8;
	v12 =	vld.idx.msk [tilespmem:v12+s24+$0x0], $0xffff  }
0x2bf: {  	v6 =	vcvt.s32.f32 v6;
	v8 =	vxor.u32 v9, v8;
	v61 =	vld.idx.msk [tilespmem:v59+s24+$0x0], $0xffff  }
0x2c0: {  	v10 =	vld.idx.msk [tilespmem:v10+s24+$0x0], $0xffff  }
0x2c1: {  	v3 =	vsub.f32 v3, v6;
	v60 =	vld.idx.msk [tilespmem:v58+s24+$0x0], $0xffff  }
0x2c2: {  	v14 =	vld.idx.msk [tilespmem:v14+s24+$0x0], $0xffff  }
0x2c3: {  	v62 =	vsub.f32 $1.000000000e+00, v3;
	v11 =	vld.idx.msk [tilespmem:v11+s24+$0x0], $0xffff  }
0x2c4: {  	v5 =	vcvt.s32.f32 v5;
	v8 =	vld.idx.msk [tilespmem:v8+s24+$0x0], $0xffff  }
0x2c5: {  	v7 =	vcvt.s32.f32 v7;
	v3 =	vpack.i.f32.bf16 v3, v3;
	v15 =	vpack.i.f32.bf16 v62, v62  }
0x2c6: {  	v63 =	vmul.bf16 v13, v15;
	v12 =	vmul.bf16 v12, v3  }
0x2c7: {  	v2 =	vsub.f32 v2, v5;
	v6 =	vmul.bf16 v61, v15;
	v10 =	vmul.bf16 v10, v3  }
0x2c8: {  	v9 =	vmul.bf16 v60, v15;
	v16 =	vmul.bf16 v14, v3  }
0x2c9: {  	v17 =	vsub.f32 $1.000000000e+00, v2;
	v11 =	vmul.bf16 v11, v15;
	v3 =	vmul.bf16 v8, v3  }
0x2ca: {  	v2 =	vpack.i.f32.bf16 v2, v2;
	v5 =	vadd.bf16 v12, v63;
	v6 =	vadd.bf16 v10, v6  }
0x2cb: {  	v18 =	vpack.i.f32.bf16 v17, v17;
	v9 =	vadd.bf16 v16, v9;
	v3 =	vadd.bf16 v3, v11  }
0x2cc: {  	v4 =	vsub.f32 v4, v7;
	v5 =	vmul.bf16 v5, v18;
	v6 =	vmul.bf16 v6, v18  }
0x2cd: {  	v19 =	vmul.bf16 v9, v2;
	v2 =	vmul.bf16 v3, v2  }
0x2ce: {  	v3 =	vsub.f32 $1.000000000e+00, v4  }
0x2cf: {  	v5 =	vadd.bf16 v19, v5;
	v2 =	vadd.bf16 v2, v6  }
0x2d0: {  	v4 =	vpack.i.f32.bf16 v4, v4;
	v3 =	vpack.i.f32.bf16 v3, v3  }
0x2d1: {  	v3 =	vmul.bf16 v5, v3;
	v2 =	vmul.bf16 v2, v4;
	_ =	sdelay $0x1  }
0x2d2: {  	v2 =	vadd.bf16 v2, v3;
	_ =	sdelay $0x1  }
0x2d3: {  	v3 =	vunpack.i.l.bf16.f32 v2  }
0x2d4: {  	v2 =	vunpack.i.u.bf16.f32 v2;
	[tilespmem:s10+$0x10] =	vst v3  }
0x2d5: {  	[tilespmem:s11+$0x10] =	vst v2  }
0x2d6: {  	v2 =	vld [tilespmem:s22+$0x20]  }
0x2d7: {  	v3 =	vld [tilespmem:s9+$0x20]  }
0x2d8: {  	v20 =	vld [tilespmem:s21+$0x20];
	_ =	sdelay $0x2  }
0x2d9: {  	v2 =	vadd.f32 $3.000000000e+00, v2  }
0x2da: {  	v3 =	vadd.f32 $3.000000000e+00, v3  }
0x2db: {  	v4 =	vadd.f32 $3.000000000e+00, v20;
	v2 =	vmul.f32 v2, v1  }
0x2dc: {  	v3 =	vmul.f32 v3, v1  }
0x2dd: {  	v4 =	vmul.f32 v4, v1;
	v21 =	vtrunc.f32 v2  }
0x2de: {  	v22 =	vtrunc.f32 v3;
	v5 =	vcvt.f32.s32 v21  }
0x2df: {  	v6 =	vcvt.f32.s32 v22  }
0x2e0: {  	v23 =	vtrunc.f32 v4;
	v24 =	vmul.u32 $0x39B1, v5  }
0x2e1: {  	v7 =	vcvt.f32.s32 v23;
	v25 =	vmul.u32 $0x1795, v6  }
0x2e2: {  	v26 =	vand.u32 $0x3FFF, v24  }
0x2e3: {  	v27 =	vand.u32 $0x3FFF, v25;
	v9 =	vadd.s32 $0x1795, v25;
	v28 =	vxor.u32 v7, v26  }
0x2e4: {  	v31 =	vadd.s32 $0x1, v7;
	v9 =	vand.u32 $0x3FFF, v9;
	v29 =	vxor.u32 v27, v28  }
0x2e5: {  	v8 =	vadd.s32 $0x39B1, v24;
	v10 =	vxor.u32 v31, v26;
	v12 =	vxor.u32 v28, v9  }
0x2e6: {  	v8 =	vand.u32 $0x3FFF, v8;
	v33 =	vxor.u32 v27, v10  }
0x2e7: {  	v30 =	vxor.u32 v7, v8;
	v10 =	vxor.u32 v10, v9  }
0x2e8: {  	v32 =	vxor.u32 v27, v30  }
0x2e9: {  	v8 =	vxor.u32 v31, v8;
	v14 =	vxor.u32 v9, v30;
	v13 =	vld.idx.msk [tilespmem:v29+s24+$0x0], $0xffff  }
0x2ea: {  	v11 =	vxor.u32 v27, v8;
	v12 =	vld.idx.msk [tilespmem:v12+s24+$0x0], $0xffff  }
0x2eb: {  	v6 =	vcvt.s32.f32 v6;
	v8 =	vxor.u32 v9, v8;
	v35 =	vld.idx.msk [tilespmem:v33+s24+$0x0], $0xffff  }
0x2ec: {  	v10 =	vld.idx.msk [tilespmem:v10+s24+$0x0], $0xffff  }
0x2ed: {  	v3 =	vsub.f32 v3, v6;
	v34 =	vld.idx.msk [tilespmem:v32+s24+$0x0], $0xffff  }
0x2ee: {  	v14 =	vld.idx.msk [tilespmem:v14+s24+$0x0], $0xffff  }
0x2ef: {  	v36 =	vsub.f32 $1.000000000e+00, v3;
	v11 =	vld.idx.msk [tilespmem:v11+s24+$0x0], $0xffff  }
0x2f0: {  	v5 =	vcvt.s32.f32 v5;
	v8 =	vld.idx.msk [tilespmem:v8+s24+$0x0], $0xffff  }
0x2f1: {  	v7 =	vcvt.s32.f32 v7;
	v3 =	vpack.i.f32.bf16 v3, v3;
	v15 =	vpack.i.f32.bf16 v36, v36  }
0x2f2: {  	v37 =	vmul.bf16 v13, v15;
	v12 =	vmul.bf16 v12, v3  }
0x2f3: {  	v2 =	vsub.f32 v2, v5;
	v6 =	vmul.bf16 v35, v15;
	v10 =	vmul.bf16 v10, v3  }
0x2f4: {  	v9 =	vmul.bf16 v34, v15;
	v38 =	vmul.bf16 v14, v3  }
0x2f5: {  	v39 =	vsub.f32 $1.000000000e+00, v2;
	v11 =	vmul.bf16 v11, v15;
	v3 =	vmul.bf16 v8, v3  }
0x2f6: {  	v2 =	vpack.i.f32.bf16 v2, v2;
	v5 =	vadd.bf16 v12, v37;
	v6 =	vadd.bf16 v10, v6  }
0x2f7: {  	v40 =	vpack.i.f32.bf16 v39, v39;
	v9 =	vadd.bf16 v38, v9;
	v3 =	vadd.bf16 v3, v11  }
0x2f8: {  	v4 =	vsub.f32 v4, v7;
	v5 =	vmul.bf16 v5, v40;
	v6 =	vmul.bf16 v6, v40  }
0x2f9: {  	v41 =	vmul.bf16 v9, v2;
	v2 =	vmul.bf16 v3, v2  }
0x2fa: {  	v3 =	vsub.f32 $1.000000000e+00, v4  }
0x2fb: {  	v5 =	vadd.bf16 v41, v5;
	v2 =	vadd.bf16 v2, v6  }
0x2fc: {  	v4 =	vpack.i.f32.bf16 v4, v4;
	v3 =	vpack.i.f32.bf16 v3, v3  }
0x2fd: {  	v3 =	vmul.bf16 v5, v3;
	v2 =	vmul.bf16 v2, v4;
	_ =	sdelay $0x1  }
0x2fe: {  	v2 =	vadd.bf16 v2, v3;
	_ =	sdelay $0x1  }
0x2ff: {  	v3 =	vunpack.i.l.bf16.f32 v2  }
0x300: {  	v2 =	vunpack.i.u.bf16.f32 v2;
	[tilespmem:s10+$0x20] =	vst v3  }
0x301: {  	[tilespmem:s11+$0x20] =	vst v2  }
0x302: {  	v2 =	vld [tilespmem:s22+$0x30]  }
0x303: {  	v3 =	vld [tilespmem:s9+$0x30]  }
0x304: {  	v42 =	vld [tilespmem:s21+$0x30];
	_ =	sdelay $0x2  }
0x305: {  	v2 =	vadd.f32 $3.000000000e+00, v2  }
0x306: {  	v3 =	vadd.f32 $3.000000000e+00, v3  }
0x307: {  	v4 =	vadd.f32 $3.000000000e+00, v42;
	v2 =	vmul.f32 v2, v1  }
0x308: {  	v3 =	vmul.f32 v3, v1  }
0x309: {  	v4 =	vmul.f32 v4, v1;
	v43 =	vtrunc.f32 v2  }
0x30a: {  	v44 =	vtrunc.f32 v3;
	v5 =	vcvt.f32.s32 v43  }
0x30b: {  	v6 =	vcvt.f32.s32 v44  }
0x30c: {  	v45 =	vtrunc.f32 v4;
	v46 =	vmul.u32 $0x39B1, v5  }
0x30d: {  	v7 =	vcvt.f32.s32 v45;
	v47 =	vmul.u32 $0x1795, v6  }
0x30e: {  	v48 =	vand.u32 $0x3FFF, v46  }
0x30f: {  	v49 =	vand.u32 $0x3FFF, v47;
	v9 =	vadd.s32 $0x1795, v47;
	v50 =	vxor.u32 v7, v48  }
0x310: {  	v53 =	vadd.s32 $0x1, v7;
	v9 =	vand.u32 $0x3FFF, v9;
	v51 =	vxor.u32 v49, v50  }
0x311: {  	v8 =	vadd.s32 $0x39B1, v46;
	v10 =	vxor.u32 v53, v48;
	v12 =	vxor.u32 v50, v9  }
0x312: {  	v8 =	vand.u32 $0x3FFF, v8;
	v55 =	vxor.u32 v49, v10  }
0x313: {  	v52 =	vxor.u32 v7, v8;
	v10 =	vxor.u32 v10, v9  }
0x314: {  	v54 =	vxor.u32 v49, v52  }
0x315: {  	v8 =	vxor.u32 v53, v8;
	v14 =	vxor.u32 v9, v52;
	v13 =	vld.idx.msk [tilespmem:v51+s24+$0x0], $0xffff  }
0x316: {  	v11 =	vxor.u32 v49, v8;
	v12 =	vld.idx.msk [tilespmem:v12+s24+$0x0], $0xffff  }
0x317: {  	v6 =	vcvt.s32.f32 v6;
	v8 =	vxor.u32 v9, v8;
	v57 =	vld.idx.msk [tilespmem:v55+s24+$0x0], $0xffff  }
0x318: {  	v10 =	vld.idx.msk [tilespmem:v10+s24+$0x0], $0xffff  }
0x319: {  	v3 =	vsub.f32 v3, v6;
	v56 =	vld.idx.msk [tilespmem:v54+s24+$0x0], $0xffff  }
0x31a: {  	v14 =	vld.idx.msk [tilespmem:v14+s24+$0x0], $0xffff  }
0x31b: {  	v58 =	vsub.f32 $1.000000000e+00, v3;
	v11 =	vld.idx.msk [tilespmem:v11+s24+$0x0], $0xffff  }
0x31c: {  	v5 =	vcvt.s32.f32 v5;
	v8 =	vld.idx.msk [tilespmem:v8+s24+$0x0], $0xffff  }
0x31d: {  	v7 =	vcvt.s32.f32 v7;
	v3 =	vpack.i.f32.bf16 v3, v3;
	v15 =	vpack.i.f32.bf16 v58, v58  }
0x31e: {  	v59 =	vmul.bf16 v13, v15;
	v12 =	vmul.bf16 v12, v3  }
0x31f: {  	v2 =	vsub.f32 v2, v5;
	v6 =	vmul.bf16 v57, v15;
	v10 =	vmul.bf16 v10, v3  }
0x320: {  	v9 =	vmul.bf16 v56, v15;
	v60 =	vmul.bf16 v14, v3  }
0x321: {  	v61 =	vsub.f32 $1.000000000e+00, v2;
	v11 =	vmul.bf16 v11, v15;
	v3 =	vmul.bf16 v8, v3  }
0x322: {  	v2 =	vpack.i.f32.bf16 v2, v2;
	v5 =	vadd.bf16 v12, v59;
	v6 =	vadd.bf16 v10, v6  }
0x323: {  	v62 =	vpack.i.f32.bf16 v61, v61;
	v9 =	vadd.bf16 v60, v9;
	v3 =	vadd.bf16 v3, v11  }
0x324: {  	v4 =	vsub.f32 v4, v7;
	v5 =	vmul.bf16 v5, v62;
	v6 =	vmul.bf16 v6, v62  }
0x325: {  	v63 =	vmul.bf16 v9, v2;
	v2 =	vmul.bf16 v3, v2  }
0x326: {  	v3 =	vsub.f32 $1.000000000e+00, v4  }
0x327: {  	v5 =	vadd.bf16 v63, v5;
	v2 =	vadd.bf16 v2, v6  }
0x328: {  	v4 =	vpack.i.f32.bf16 v4, v4;
	v3 =	vpack.i.f32.bf16 v3, v3  }
0x329: {  	s16 =	sadd.s32 $0x8, s16;
	v3 =	vmul.bf16 v5, v3;
	v2 =	vmul.bf16 v2, v4  }
0x32a: {  	p0 =	slt.u32 s16, $0x1F8  }
.Ltmp3:
0x32b: {  	v2 =	vadd.bf16 v2, v3;
	(pc) =	sbr.rel @p0 .LBB2_5-.Ltmp3, $4  }
0x32c: {  	_ = 	snop  }
0x32d: {  	v3 =	vunpack.i.l.bf16.f32 v2  }
0x32e: {  	s21 =	sadd.s32 $0x80, s21;
	s22 =	sadd.s32 $0x80, s22;
	v2 =	vunpack.i.u.bf16.f32 v2;
	[tilespmem:s10+$0x30] =	vst v3  }
0x32f: {  	s9 =	sadd.s32 $0x80, s9;
	s10 =	sadd.s32 $0x80, s10;
	[tilespmem:s11+$0x30] =	vst v2;
	s11 =	sadd.s32 $0x80, s11  }
0x330: {  	s9 =	sshll.u32 s14, $0x3  }
0x331: {  	s9 =	sor.u32 $0x10000, s9  }
0x332: {  	s10 =	sor.u32 s9, s15  }
.Ltmp4:
0x333: {  	s9 =	sor.u32 s9, s18;
	s10 =	sshrl.u32 s10, $0x3;
	(pc) =	sbr.rel @p1 .LBB2_8-.Ltmp4, $4  }
0x334: {  	s9 =	sshrl.u32 s9, $0x3;
	s10 =	sadd.s32 s5, s10  }
0x335: {  	[hbm4b:s10+s24] =	stream.strided.scatter [tilespmem:s26], [sflag:$0x4], $0x2000, s23, s24, $0x38;
	[tilespmem:$0x18080] =	vst v63  }
0x336: {  	s9 =	sadd.s32 s5, s9  }
0x337: {  	[hbm4b:s9+s24] =	stream.strided.scatter [tilespmem:s28], [sflag:$0x4], $0x2000, s23, s24, $0x38;
	[tilespmem:$0x18080] =	vst v63  }
0x338: {  	s9 =	sadd.s32 s13, s20  }
0x339: {  	s9 =	sshrl.u32 s9, $0x3  }
0x33a: {  	s10 =	sadd.s32 s1, s9  }
0x33b: {  	[tilespmem:s29], [sflag:$0x2] =	stream.linear.gather [hbm4b:s10+s7], $0x2000, $0x38;
	[tilespmem:$0x18080] =	vst v63  }
.Ltmp5:
0x33c: {  	_ = 	snop;
	(pc) =	sbr.rel .LBB2_2-.Ltmp5, $4  }
0x33d: {  	s22 =	sadd.s32 s2, s9  }
0x33e: {  	[tilespmem:s30], [sflag:$0x2] =	stream.linear.gather [hbm4b:s22+s7], $0x2000, $0x38;
	[tilespmem:$0x18080] =	vst v63  }
0x33f: {  	s12 =	sadd.s32 $0x1, s12;
	s9 =	sadd.s32 s3, s9  }
0x340: {  	[tilespmem:s31], [sflag:$0x2] =	stream.linear.gather [hbm4b:s9+s7], $0x2000, $0x38;
	[tilespmem:$0x18080] =	vst v63  }
.LBB2_9:
0x341: {  	_ =	sfence.sel $0x180000  }
0x342: {  	[bflag:$0x0] =	sbarrier.arrive $0xFFFF  }
0x343: {  	_ =	strace $0x90000047  }
0x344: {  	s0 =	stileid.u32;
	[bflag:$0x2] =	sbarrier.arrive $0xFFFF  }
0x345: {  	p0 =	sne.s32 s0, $0x0;
	s0 =	rddreg [dreg:$0x6]  }
0x346: {  	s0 =	sadd.s32 @!p0 $0x100000, s0  }
0x347: {  	[sflag:s0] =	ssyncadd.tile.s32 @!p0 $0x1;
	_ =	shalt  }
.Lfunc_end2:
_tile_overlayer_lowered:
.L_overlay_start_2:
0x348: {  	(tag) =	ssettag $0x2  }
0x349: {  	s0 =	rddreg [dreg:$0x0];
	s2 =	stileid.u32  }
0x34a: {  	s1 =	rddreg [dreg:$0x1];
	p0 =	sne.s32 s2, $0x0  }
0x34b: {  	s3 =	rddreg [dreg:$0x2];
	[bflag:$0x3] =	sbarrier.arrive $0xFFFF;
	s2 =	simm.s32 @!p0 $0x1C05  }
0x34c: {  	[timem:s3], [sflag:s2] =	dma.local @!p0 [hbm:s0], s1  }
0x34d: {  	s0 =	simm.s32 @!p0 $0x5  }
0x34e: {  	_ =	swait.ge @!p0 [sflag:s0], s1  }
0x34f: {  	s1 =	ssub.s32 @!p0 $0x0, s1;
	[sflag:s0] =	ssyncset.done @!p0 $0x0  }
0x350: {  	[sflag:s0] =	ssyncadd.s32 @!p0 s1  }
0x351: {  	[bflag:$0x3] =	sbarrier.arrive $0xFFFF  }
0x352: {  	_ =	shalt  }

</sc_bundles>
